<compile_context>
chip_gen: v7x
topology: tpu7x:2x2x1
jax: 0.10.2.dev20260603
libtpu: 0.0.44.dev20260713+nightly
codegen_flags: <defaults>
</compile_context>

<pallas_src>
import functools

import jax
import jax.numpy as jnp
from jax import lax
from jax.experimental import pallas as pl
from jax.experimental.pallas import tpu as pltpu
from jax.experimental.pallas import tpu_sc as plsc

N = 10000
E = 320000
CHUNK = 128
NCH = E // CHUNK
NW = 32
RPT = N // 16
NP = 10112
RPT_P = NP // 16

_MESH = dict(core_axis_name="c", subcore_axis_name="s",
             num_cores=2, num_subcores=16)


def _fill_vmem_2d(ref, nrows, ncols, value):
    v = jnp.full((16,), value, jnp.float32)

    def body(r, _):
        for j in range(ncols // 16):
            ref[r, pl.ds(j * 16, 16)] = v
        return 0

    lax.fori_loop(0, nrows, body, 0)


def _copy_rows(src_ref, dst_ref, r0, rpt):
    for p in range(rpt // CHUNK):
        pltpu.sync_copy(src_ref, dst_ref.at[pl.ds(r0 + p * CHUNK, CHUNK), :])
    rem = rpt % CHUNK
    if rem:
        pltpu.sync_copy(
            src_ref.at[pl.ds(0, rem), :],
            dst_ref.at[pl.ds(r0 + (rpt // CHUNK) * CHUNK, rem), :],
        )


def _nch_for(wid):
    return (NCH - wid + NW - 1) // NW




def _sc_degree(dst_flat):
    nbuf = 4
    slag = 2

    @functools.partial(
        pl.kernel,
        out_type=jax.ShapeDtypeStruct((2, N, 8), jnp.float32),
        mesh=plsc.VectorSubcoreMesh(**_MESH),
        compiler_params=pltpu.CompilerParams(use_tc_tiling_on_sc=False),
        scratch_types=(
            [pltpu.VMEM((CHUNK,), jnp.int32)] * nbuf
            + [pltpu.VMEM((CHUNK, 16), jnp.float32)]
            + [pltpu.VMEM_SHARED((N, 16), jnp.float32)]
            + [pltpu.SemaphoreType.DMA] * (2 * nbuf)
        ),
    )
    def k(dst_hbm, out_hbm, *scr):
        didx = scr[:nbuf]
        buf = scr[nbuf]
        acc = scr[nbuf + 1]
        dsem = scr[nbuf + 2:nbuf + 2 + nbuf]
        ssem = scr[nbuf + 2 + nbuf:]
        c = lax.axis_index("c")
        s = lax.axis_index("s")
        wid = c * 16 + s
        r0 = s * RPT
        nch = _nch_for(wid)

        _fill_vmem_2d(buf, CHUNK, 16, 0.0)
        _copy_rows(buf, acc, r0, RPT)
        _fill_vmem_2d(buf, CHUNK, 16, 1.0)
        plsc.subcore_barrier()

        def body(g, _):
            for b in range(nbuf):
                j = g * nbuf + b

                @pl.when((j >= nbuf) & (j - nbuf < nch))
                def _retire():
                    pltpu.make_async_copy(buf, acc.at[didx[b]],
                                          ssem[b]).wait()

                @pl.when(j < nch)
                def _load():
                    cid = j * NW + wid
                    pltpu.async_copy(
                        dst_hbm.at[pl.ds(cid * CHUNK, CHUNK)],
                        didx[b], dsem[b])

                bs = (b - slag) % nbuf
                js = j - slag

                @pl.when((js >= 0) & (js < nch))
                def _scatter():
                    pltpu.make_async_copy(
                        dst_hbm.at[pl.ds(0, CHUNK)], didx[bs],
                        dsem[bs]).wait()
                    pltpu.async_copy(buf, acc.at[didx[bs]], ssem[bs],
                                     add=True)
            return 0

        grps = (nch + 2 * nbuf - 1) // nbuf
        lax.fori_loop(0, grps, body, 0)
        plsc.subcore_barrier()
        pltpu.sync_copy(acc.at[pl.ds(r0, RPT), 0:8],
                        out_hbm.at[c, pl.ds(r0, RPT), :])

    return k(dst_flat)


def _sc_propagate(table, src_flat, dst_flat, d, nbuf, slag, untiled):
    cparams = (pltpu.CompilerParams(use_tc_tiling_on_sc=False)
               if untiled else pltpu.CompilerParams())

    @functools.partial(
        pl.kernel,
        out_type=jax.ShapeDtypeStruct((2, NP, d), jnp.float32),
        mesh=plsc.VectorSubcoreMesh(**_MESH),
        compiler_params=cparams,
        scratch_types=(
            [pltpu.VMEM((CHUNK,), jnp.int32)] * nbuf
            + [pltpu.VMEM((CHUNK,), jnp.int32)] * nbuf
            + [pltpu.VMEM((CHUNK, d), jnp.float32)] * nbuf
            + [pltpu.VMEM_SHARED((NP, d), jnp.float32)]
            + [pltpu.SemaphoreType.DMA] * (4 * nbuf)
        ),
    )
    def k(tab_hbm, src_hbm, dst_hbm, out_hbm, *scr):
        sidx = scr[:nbuf]
        didx = scr[nbuf:2 * nbuf]
        rows = scr[2 * nbuf:3 * nbuf]
        acc = scr[3 * nbuf]
        isem = scr[3 * nbuf + 1:4 * nbuf + 1]
        dsem = scr[4 * nbuf + 1:5 * nbuf + 1]
        gsem = scr[5 * nbuf + 1:6 * nbuf + 1]
        ssem = scr[6 * nbuf + 1:]
        c = lax.axis_index("c")
        s = lax.axis_index("s")
        wid = c * 16 + s
        r0 = s * RPT_P
        nch = _nch_for(wid)

        _fill_vmem_2d(rows[0], CHUNK, d, 0.0)
        _copy_rows(rows[0], acc, r0, RPT_P)
        plsc.subcore_barrier()

        def body(g, _):
            for b in range(nbuf):
                j = g * nbuf + b

                @pl.when((j >= nbuf) & (j - nbuf < nch))
                def _retire():
                    pltpu.make_async_copy(rows[b], acc.at[didx[b]],
                                          ssem[b]).wait()

                @pl.when(j < nch)
                def _load():
                    cid = j * NW + wid
                    pltpu.async_copy(
                        src_hbm.at[pl.ds(cid * CHUNK, CHUNK)],
                        sidx[b], isem[b])
                    pltpu.async_copy(
                        dst_hbm.at[pl.ds(cid * CHUNK, CHUNK)],
                        didx[b], dsem[b])

                bg = (b - 1) % nbuf
                jg = j - 1

                @pl.when((jg >= 0) & (jg < nch))
                def _gather():
                    pltpu.make_async_copy(
                        src_hbm.at[pl.ds(0, CHUNK)], sidx[bg],
                        isem[bg]).wait()
                    pltpu.async_copy(tab_hbm.at[sidx[bg]], rows[bg],
                                     gsem[bg])

                bs = (b - slag) % nbuf
                js = j - slag

                @pl.when((js >= 0) & (js < nch))
                def _scatter():
                    pltpu.make_async_copy(
                        dst_hbm.at[pl.ds(0, CHUNK)], didx[bs],
                        dsem[bs]).wait()
                    pltpu.make_async_copy(tab_hbm.at[sidx[bs]], rows[bs],
                                          gsem[bs]).wait()
                    pltpu.async_copy(rows[bs], acc.at[didx[bs]],
                                     ssem[bs], add=True)
            return 0

        grps = (nch + 2 * nbuf - 1) // nbuf
        lax.fori_loop(0, grps, body, 0)
        plsc.subcore_barrier()
        pltpu.sync_copy(acc.at[pl.ds(r0, RPT_P), :],
                        out_hbm.at[c, pl.ds(r0, RPT_P), :])

    return k(table, src_flat, dst_flat)




def _dinv_from(degp_ref):
    deg = degp_ref[0, :, 0:1] + degp_ref[1, :, 0:1] + 1.0
    return lax.rsqrt(deg)


def _tc_layer1(x, w0, degp):

    def body(x_ref, w0_ref, degp_ref, hs_ref):
        h = jnp.dot(x_ref[...], w0_ref[...],
                    preferred_element_type=jnp.float32)
        hs_ref[...] = h * _dinv_from(degp_ref)

    return pl.pallas_call(
        body,
        out_shape=jax.ShapeDtypeStruct((N, 128), jnp.float32),
    )(x, w0, degp)


def _tc_layer2(part1, hs, degp, w1):

    def body(p_ref, hs_ref, degp_ref, w1_ref, out_ref):
        dinv = _dinv_from(degp_ref)
        acc = p_ref[0, :N] + p_ref[1, :N] + hs_ref[...]
        h1 = jnp.maximum(dinv * acc, 0.0)
        h2 = jnp.dot(h1, w1_ref[...], preferred_element_type=jnp.float32)
        out_ref[...] = h2 * dinv

    return pl.pallas_call(
        body,
        out_shape=jax.ShapeDtypeStruct((N, 64), jnp.float32),
    )(part1, hs, degp, w1)


def _tc_final(part2, hs2, degp):

    def body(p_ref, hs2_ref, degp_ref, out_ref):
        acc = p_ref[0, :N] + p_ref[1, :N] + hs2_ref[...]
        out_ref[...] = _dinv_from(degp_ref) * acc

    return pl.pallas_call(
        body,
        out_shape=jax.ShapeDtypeStruct((N, 64), jnp.float32),
    )(part2, hs2, degp)




def kernel(x, edge_index, W0, W1):
    ei = edge_index.astype(jnp.int32)
    src_flat = ei[0]
    dst_flat = ei[1]
    degp = _sc_degree(dst_flat)
    hs = _tc_layer1(x, W0, degp)
    part1 = _sc_propagate(hs, src_flat, dst_flat, 128, nbuf=3, slag=2,
                          untiled=True)
    hs2 = _tc_layer2(part1, hs, degp, W1)
    part2 = _sc_propagate(hs2, src_flat, dst_flat, 64, nbuf=4, slag=2,
                          untiled=True)
    return _tc_final(part2, hs2, degp)

# --- scband reference (transcript-rebuilt; emitter-appended) ---
"""Pipeline reference for scband-gcn-62242666053653 (READ-ONLY COPY).

The authoritative reference and input builder live on the scoring server;
editing this copy changes nothing except your own understanding.
"""

import jax, jax.numpy as jnp
import numpy as np

N_NODES = 10000
N_EDGES = 320000
D_IN = 128
D_HID = 128
D_OUT = 64


def setup_inputs(seed: int = 0) -> dict:
    key = jax.random.key(seed)
    k1, k2, k3, k4 = jax.random.split(key, 4)
    x = jax.random.normal(k1, (N_NODES, D_IN), dtype=jnp.float32)
    edge_index = jax.random.randint(k2, (2, N_EDGES), 0, N_NODES, dtype=jnp.int32)
    # GCN layer weights (Glorot-ish scaling)
    W0 = jax.random.normal(k3, (D_IN, D_HID), dtype=jnp.float32) * (1.0 / np.sqrt(D_IN))
    W1 = jax.random.normal(k4, (D_HID, D_OUT), dtype=jnp.float32) * (1.0 / np.sqrt(D_HID))
    return {"x": x, "edge_index": edge_index, "W0": W0, "W1": W1}


def _gcn_propagate(h, src, dst, num_nodes):
    # add self-loops (renormalization trick: A_hat = A + I)
    loop = jnp.arange(num_nodes, dtype=src.dtype)
    src_sl = jnp.concatenate([src, loop])
    dst_sl = jnp.concatenate([dst, loop])
    # symmetric normalization D^{-1/2} A_hat D^{-1/2}
    deg = jnp.zeros((num_nodes,), h.dtype).at[dst_sl].add(1.0)
    dinv = jax.lax.rsqrt(jnp.maximum(deg, 1.0))
    norm = dinv[src_sl] * dinv[dst_sl]
    # gather messages from source nodes, scale, scatter-add to destinations
    msg = jnp.take(h, src_sl, axis=0) * norm[:, None]
    out = jnp.zeros((num_nodes, h.shape[1]), h.dtype).at[dst_sl].add(msg)
    return out


def reference(x, edge_index, W0, W1):
    src = edge_index[0]
    dst = edge_index[1]
    n = x.shape[0]
    # Layer 1: support @ (X W0), ReLU activation
    h = _gcn_propagate(x @ W0, src, dst, n)
    h = jax.nn.relu(h)
    # Layer 2 (output layer): support @ (H W1), no activation (logits)
    out = _gcn_propagate(h @ W1, src, dst, n)
    return out

if __name__ == "__main__":
    import jax
    _d = setup_inputs()
    print(jax.jit(kernel)(*tuple(_d.values())))

</pallas_src>

<mosaic_0001>
#map = affine_map<(d0, d1) -> (0)>
#map1 = affine_map<(d0, d1) -> (0, 0, 0)>
module attributes {stable_mosaic.version = 14 : i64} {
  func.func @k(%arg0: i32, %arg1: i32, %arg2: memref<320000xi32, #tpu.memory_space<hbm>>, %arg3: memref<2x10000x8xf32, #tpu.memory_space<hbm>>, %arg4: memref<128xi32, #tpu.memory_space<vmem>>, %arg5: memref<128xi32, #tpu.memory_space<vmem>>, %arg6: memref<128xi32, #tpu.memory_space<vmem>>, %arg7: memref<128xi32, #tpu.memory_space<vmem>>, %arg8: memref<128x16xf32, #tpu.memory_space<vmem>>, %arg9: memref<10000x16xf32, #tpu.memory_space<vmem_shared>>, %arg10: memref<!tpu.dma_semaphore, #tpu.memory_space<semaphore_mem>>, %arg11: memref<!tpu.dma_semaphore, #tpu.memory_space<semaphore_mem>>, %arg12: memref<!tpu.dma_semaphore, #tpu.memory_space<semaphore_mem>>, %arg13: memref<!tpu.dma_semaphore, #tpu.memory_space<semaphore_mem>>, %arg14: memref<!tpu.dma_semaphore, #tpu.memory_space<semaphore_mem>>, %arg15: memref<!tpu.dma_semaphore, #tpu.memory_space<semaphore_mem>>, %arg16: memref<!tpu.dma_semaphore, #tpu.memory_space<semaphore_mem>>, %arg17: memref<!tpu.dma_semaphore, #tpu.memory_space<semaphore_mem>>) attributes {dimension_semantics = [#tpu.dimension_semantics<core_parallel>, #tpu.dimension_semantics<subcore_parallel>], iteration_bounds = array<i64: 2, 16>, scalar_prefetch = 0 : i64, scratch_operands = 14 : i64, tpu.core_type = #tpu.core_type<sc_vector_subcore>, window_params = [{transform_indices = #map}, {transform_indices = #map1}]} {
    %mul3A = arith.constant 16 : i32
    %mul3A_0 = arith.muli %arg0, %mul3A : i32
    %add3A = arith.addi %mul3A_0, %arg1 : i32
    %mul3A_1 = arith.constant 625 : i32
    %mul3A_2 = arith.muli %arg1, %mul3A_1 : i32
    %sub3A = arith.constant 2500 : i32
    %sub3A_3 = arith.subi %sub3A, %add3A : i32
    %add3A_4 = arith.constant 32 : i32
    %add3A_5 = arith.addi %sub3A_3, %add3A_4 : i32
    %sub3A_6 = arith.constant 1 : i32
    %sub3A_7 = arith.subi %add3A_5, %sub3A_6 : i32
    %jit3A = arith.constant 32 : i32
    %div3A = arith.divsi %sub3A_7, %jit3A : i32
    %sign3A = arith.constant 0 : i32
    %sign3A_8 = arith.cmpi sgt, %sub3A_7, %sign3A : i32
    %sign3A_9 = arith.extui %sign3A_8 : i1 to i32
    %sign3A_10 = arith.constant 0 : i32
    %sign3A_11 = arith.cmpi slt, %sub3A_7, %sign3A_10 : i32
    %sign3A_12 = arith.extui %sign3A_11 : i1 to i32
    %sign3A_13 = arith.subi %sign3A_9, %sign3A_12 : i32
    %sign3A_14 = arith.constant 0 : i32
    %sign3A_15 = arith.cmpi sgt, %jit3A, %sign3A_14 : i32
    %sign3A_16 = arith.extui %sign3A_15 : i1 to i32
    %sign3A_17 = arith.constant 0 : i32
    %sign3A_18 = arith.cmpi slt, %jit3A, %sign3A_17 : i32
    %sign3A_19 = arith.extui %sign3A_18 : i1 to i32
    %sign3A_20 = arith.subi %sign3A_16, %sign3A_19 : i32
    %ne3A = arith.cmpi ne, %sign3A_13, %sign3A_20 : i32
    %rem3A = arith.remsi %sub3A_7, %jit3A : i32
    %ne3A_21 = arith.constant 0 : i32
    %ne3A_22 = arith.cmpi ne, %rem3A, %ne3A_21 : i32
    %and3A = arith.andi %ne3A, %ne3A_22 : i1
    %sub3A_23 = arith.constant 1 : i32
    %sub3A_24 = arith.subi %div3A, %sub3A_23 : i32
    %select_n3A = arith.select %and3A, %sub3A_24, %div3A : i32
    %broadcast_in_dim3A = arith.constant 0.000000e+00 : f32
    %broadcast_in_dim3A_25 = vector.broadcast %broadcast_in_dim3A : f32 to vector<16xf32>
    %scan3A = arith.constant 0 : i32
    %scan3A_26 = arith.constant 0 : i32
    %scan3A_27 = arith.constant 128 : i32
    %scan3A_28 = arith.addi %scan3A_26, %scan3A_27 : i32
    %scan3A_29 = arith.constant 1 : i32
    %scan3A_30 = scf.for %scan3A_91 = %scan3A_26 to %scan3A_28 step %scan3A_29 iter_args(%scan3A_92 = %scan3A) -> (i32)  : i32 {
      %swap3A = arith.index_cast %scan3A_91 : i32 to index
      %swap3A_93 = arith.constant 0 : index
      %swap3A_94 = tpu.vector_load %arg8[%swap3A, %swap3A_93] {strides = array<i32>} : memref<128x16xf32, #tpu.memory_space<vmem>>, vector<1x16xf32>,
      %swap3A_95 = vector.shape_cast %swap3A_94 : vector<1x16xf32> to vector<16xf32>
      %swap3A_96 = vector.shape_cast %broadcast_in_dim3A_25 : vector<16xf32> to vector<1x16xf32>
      tpu.vector_store %arg8[%swap3A, %swap3A_93], %swap3A_96 {strides = array<i32>} : memref<128x16xf32, #tpu.memory_space<vmem>>, vector<1x16xf32>,
      %scan3A_97 = arith.constant 0 : i32
      scf.yield %scan3A_97 : i32
    }
    %scan3A_31 = arith.constant 128 : i32
    %add3A_32 = arith.constant 0 : i32
    %add3A_33 = arith.addi %mul3A_2, %add3A_32 : i32
    "tpu.region"() ({
      %run_scoped3A = tpu.sem_alloc : memref<!tpu.dma_semaphore, #tpu.memory_space<semaphore_mem>>
      %dma_start3A = arith.constant 0 : i32
      %dma_start3A_91 = tpu.memref_slice %arg9[%add3A_33, %dma_start3A] : memref<10000x16xf32, #tpu.memory_space<vmem_shared>> -> memref<128x16xf32, #tpu.memory_space<vmem_shared>>
      %dma_start3A_92 = arith.constant 0 : i32
      %dma_start3A_93 = tpu.memref_slice %arg9[%add3A_33, %dma_start3A_92] : memref<10000x16xf32, #tpu.memory_space<vmem_shared>> -> memref<128x16xf32, #tpu.memory_space<vmem_shared>>
      tpu.enqueue_dma source(%arg8 : memref<128x16xf32, #tpu.memory_space<vmem>>) target(%dma_start3A_93 : memref<128x16xf32, #tpu.memory_space<vmem_shared>>) target_semaphore(%run_scoped3A : memref<!tpu.dma_semaphore, #tpu.memory_space<semaphore_mem>>)
      %dma_wait3A = arith.constant 0 : i32
      %dma_wait3A_94 = tpu.memref_slice %arg9[%add3A_33, %dma_wait3A] : memref<10000x16xf32, #tpu.memory_space<vmem_shared>> -> memref<128x16xf32, #tpu.memory_space<vmem_shared>>
      %dma_wait3A_95 = arith.constant 0 : i32
      %dma_wait3A_96 = tpu.memref_slice %arg9[%add3A_33, %dma_wait3A_95] : memref<10000x16xf32, #tpu.memory_space<vmem_shared>> -> memref<128x16xf32, #tpu.memory_space<vmem_shared>>
      tpu.wait_dma2 semaphore(%run_scoped3A : memref<!tpu.dma_semaphore, #tpu.memory_space<semaphore_mem>>) src(%arg8 : memref<128x16xf32, #tpu.memory_space<vmem>>) dst(%dma_wait3A_96 : memref<128x16xf32, #tpu.memory_space<vmem_shared>>)
      tpu.yield
    }) : () -> ()
    %add3A_34 = arith.constant 128 : i32
    %add3A_35 = arith.addi %mul3A_2, %add3A_34 : i32
    "tpu.region"() ({
      %run_scoped3A = tpu.sem_alloc : memref<!tpu.dma_semaphore, #tpu.memory_space<semaphore_mem>>
      %dma_start3A = arith.constant 0 : i32
      %dma_start3A_91 = tpu.memref_slice %arg9[%add3A_35, %dma_start3A] : memref<10000x16xf32, #tpu.memory_space<vmem_shared>> -> memref<128x16xf32, #tpu.memory_space<vmem_shared>>
      %dma_start3A_92 = arith.constant 0 : i32
      %dma_start3A_93 = tpu.memref_slice %arg9[%add3A_35, %dma_start3A_92] : memref<10000x16xf32, #tpu.memory_space<vmem_shared>> -> memref<128x16xf32, #tpu.memory_space<vmem_shared>>
      tpu.enqueue_dma source(%arg8 : memref<128x16xf32, #tpu.memory_space<vmem>>) target(%dma_start3A_93 : memref<128x16xf32, #tpu.memory_space<vmem_shared>>) target_semaphore(%run_scoped3A : memref<!tpu.dma_semaphore, #tpu.memory_space<semaphore_mem>>)
      %dma_wait3A = arith.constant 0 : i32
      %dma_wait3A_94 = tpu.memref_slice %arg9[%add3A_35, %dma_wait3A] : memref<10000x16xf32, #tpu.memory_space<vmem_shared>> -> memref<128x16xf32, #tpu.memory_space<vmem_shared>>
      %dma_wait3A_95 = arith.constant 0 : i32
      %dma_wait3A_96 = tpu.memref_slice %arg9[%add3A_35, %dma_wait3A_95] : memref<10000x16xf32, #tpu.memory_space<vmem_shared>> -> memref<128x16xf32, #tpu.memory_space<vmem_shared>>
      tpu.wait_dma2 semaphore(%run_scoped3A : memref<!tpu.dma_semaphore, #tpu.memory_space<semaphore_mem>>) src(%arg8 : memref<128x16xf32, #tpu.memory_space<vmem>>) dst(%dma_wait3A_96 : memref<128x16xf32, #tpu.memory_space<vmem_shared>>)
      tpu.yield
    }) : () -> ()
    %add3A_36 = arith.constant 256 : i32
    %add3A_37 = arith.addi %mul3A_2, %add3A_36 : i32
    "tpu.region"() ({
      %run_scoped3A = tpu.sem_alloc : memref<!tpu.dma_semaphore, #tpu.memory_space<semaphore_mem>>
      %dma_start3A = arith.constant 0 : i32
      %dma_start3A_91 = tpu.memref_slice %arg9[%add3A_37, %dma_start3A] : memref<10000x16xf32, #tpu.memory_space<vmem_shared>> -> memref<128x16xf32, #tpu.memory_space<vmem_shared>>
      %dma_start3A_92 = arith.constant 0 : i32
      %dma_start3A_93 = tpu.memref_slice %arg9[%add3A_37, %dma_start3A_92] : memref<10000x16xf32, #tpu.memory_space<vmem_shared>> -> memref<128x16xf32, #tpu.memory_space<vmem_shared>>
      tpu.enqueue_dma source(%arg8 : memref<128x16xf32, #tpu.memory_space<vmem>>) target(%dma_start3A_93 : memref<128x16xf32, #tpu.memory_space<vmem_shared>>) target_semaphore(%run_scoped3A : memref<!tpu.dma_semaphore, #tpu.memory_space<semaphore_mem>>)
      %dma_wait3A = arith.constant 0 : i32
      %dma_wait3A_94 = tpu.memref_slice %arg9[%add3A_37, %dma_wait3A] : memref<10000x16xf32, #tpu.memory_space<vmem_shared>> -> memref<128x16xf32, #tpu.memory_space<vmem_shared>>
      %dma_wait3A_95 = arith.constant 0 : i32
      %dma_wait3A_96 = tpu.memref_slice %arg9[%add3A_37, %dma_wait3A_95] : memref<10000x16xf32, #tpu.memory_space<vmem_shared>> -> memref<128x16xf32, #tpu.memory_space<vmem_shared>>
      tpu.wait_dma2 semaphore(%run_scoped3A : memref<!tpu.dma_semaphore, #tpu.memory_space<semaphore_mem>>) src(%arg8 : memref<128x16xf32, #tpu.memory_space<vmem>>) dst(%dma_wait3A_96 : memref<128x16xf32, #tpu.memory_space<vmem_shared>>)
      tpu.yield
    }) : () -> ()
    %add3A_38 = arith.constant 384 : i32
    %add3A_39 = arith.addi %mul3A_2, %add3A_38 : i32
    "tpu.region"() ({
      %run_scoped3A = tpu.sem_alloc : memref<!tpu.dma_semaphore, #tpu.memory_space<semaphore_mem>>
      %dma_start3A = arith.constant 0 : i32
      %dma_start3A_91 = tpu.memref_slice %arg9[%add3A_39, %dma_start3A] : memref<10000x16xf32, #tpu.memory_space<vmem_shared>> -> memref<128x16xf32, #tpu.memory_space<vmem_shared>>
      %dma_start3A_92 = arith.constant 0 : i32
      %dma_start3A_93 = tpu.memref_slice %arg9[%add3A_39, %dma_start3A_92] : memref<10000x16xf32, #tpu.memory_space<vmem_shared>> -> memref<128x16xf32, #tpu.memory_space<vmem_shared>>
      tpu.enqueue_dma source(%arg8 : memref<128x16xf32, #tpu.memory_space<vmem>>) target(%dma_start3A_93 : memref<128x16xf32, #tpu.memory_space<vmem_shared>>) target_semaphore(%run_scoped3A : memref<!tpu.dma_semaphore, #tpu.memory_space<semaphore_mem>>)
      %dma_wait3A = arith.constant 0 : i32
      %dma_wait3A_94 = tpu.memref_slice %arg9[%add3A_39, %dma_wait3A] : memref<10000x16xf32, #tpu.memory_space<vmem_shared>> -> memref<128x16xf32, #tpu.memory_space<vmem_shared>>
      %dma_wait3A_95 = arith.constant 0 : i32
      %dma_wait3A_96 = tpu.memref_slice %arg9[%add3A_39, %dma_wait3A_95] : memref<10000x16xf32, #tpu.memory_space<vmem_shared>> -> memref<128x16xf32, #tpu.memory_space<vmem_shared>>
      tpu.wait_dma2 semaphore(%run_scoped3A : memref<!tpu.dma_semaphore, #tpu.memory_space<semaphore_mem>>) src(%arg8 : memref<128x16xf32, #tpu.memory_space<vmem>>) dst(%dma_wait3A_96 : memref<128x16xf32, #tpu.memory_space<vmem_shared>>)
      tpu.yield
    }) : () -> ()
    %add3A_40 = arith.constant 512 : i32
    %add3A_41 = arith.addi %mul3A_2, %add3A_40 : i32
    "tpu.region"() ({
      %run_scoped3A = tpu.sem_alloc : memref<!tpu.dma_semaphore, #tpu.memory_space<semaphore_mem>>
      %dma_start3A = arith.constant 0 : i32
      %dma_start3A_91 = arith.constant 0 : i32
      %dma_start3A_92 = tpu.memref_slice %arg8[%dma_start3A, %dma_start3A_91] : memref<128x16xf32, #tpu.memory_space<vmem>> -> memref<113x16xf32, #tpu.memory_space<vmem>>
      %dma_start3A_93 = arith.constant 0 : i32
      %dma_start3A_94 = tpu.memref_slice %arg9[%add3A_41, %dma_start3A_93] : memref<10000x16xf32, #tpu.memory_space<vmem_shared>> -> memref<113x16xf32, #tpu.memory_space<vmem_shared>>
      %dma_start3A_95 = arith.constant 0 : i32
      %dma_start3A_96 = tpu.memref_slice %arg9[%add3A_41, %dma_start3A_95] : memref<10000x16xf32, #tpu.memory_space<vmem_shared>> -> memref<113x16xf32, #tpu.memory_space<vmem_shared>>
      %dma_start3A_97 = arith.constant 0 : i32
      %dma_start3A_98 = arith.constant 0 : i32
      %dma_start3A_99 = tpu.memref_slice %arg8[%dma_start3A_97, %dma_start3A_98] : memref<128x16xf32, #tpu.memory_space<vmem>> -> memref<113x16xf32, #tpu.memory_space<vmem>>
      tpu.enqueue_dma source(%dma_start3A_99 : memref<113x16xf32, #tpu.memory_space<vmem>>) target(%dma_start3A_96 : memref<113x16xf32, #tpu.memory_space<vmem_shared>>) target_semaphore(%run_scoped3A : memref<!tpu.dma_semaphore, #tpu.memory_space<semaphore_mem>>)
      %dma_wait3A = arith.constant 0 : i32
      %dma_wait3A_100 = arith.constant 0 : i32
      %dma_wait3A_101 = tpu.memref_slice %arg8[%dma_wait3A, %dma_wait3A_100] : memref<128x16xf32, #tpu.memory_space<vmem>> -> memref<113x16xf32, #tpu.memory_space<vmem>>
      %dma_wait3A_102 = arith.constant 0 : i32
      %dma_wait3A_103 = tpu.memref_slice %arg9[%add3A_41, %dma_wait3A_102] : memref<10000x16xf32, #tpu.memory_space<vmem_shared>> -> memref<113x16xf32, #tpu.memory_space<vmem_shared>>
      %dma_wait3A_104 = arith.constant 0 : i32
      %dma_wait3A_105 = tpu.memref_slice %arg9[%add3A_41, %dma_wait3A_104] : memref<10000x16xf32, #tpu.memory_space<vmem_shared>> -> memref<113x16xf32, #tpu.memory_space<vmem_shared>>
      %dma_wait3A_106 = arith.constant 0 : i32
      %dma_wait3A_107 = arith.constant 0 : i32
      %dma_wait3A_108 = tpu.memref_slice %arg8[%dma_wait3A_106, %dma_wait3A_107] : memref<128x16xf32, #tpu.memory_space<vmem>> -> memref<113x16xf32, #tpu.memory_space<vmem>>
      tpu.wait_dma2 semaphore(%run_scoped3A : memref<!tpu.dma_semaphore, #tpu.memory_space<semaphore_mem>>) src(%dma_wait3A_108 : memref<113x16xf32, #tpu.memory_space<vmem>>) dst(%dma_wait3A_105 : memref<113x16xf32, #tpu.memory_space<vmem_shared>>)
      tpu.yield
    }) : () -> ()
    %broadcast_in_dim3A_42 = arith.constant 1.000000e+00 : f32
    %broadcast_in_dim3A_43 = vector.broadcast %broadcast_in_dim3A_42 : f32 to vector<16xf32>
    %scan3A_44 = arith.constant 0 : i32
    %scan3A_45 = arith.constant 0 : i32
    %scan3A_46 = arith.constant 128 : i32
    %scan3A_47 = arith.addi %scan3A_45, %scan3A_46 : i32
    %scan3A_48 = arith.constant 1 : i32
    %scan3A_49 = scf.for %scan3A_91 = %scan3A_45 to %scan3A_47 step %scan3A_48 iter_args(%scan3A_92 = %scan3A_44) -> (i32)  : i32 {
      %swap3A = arith.index_cast %scan3A_91 : i32 to index
      %swap3A_93 = arith.constant 0 : index
      %swap3A_94 = tpu.vector_load %arg8[%swap3A, %swap3A_93] {strides = array<i32>} : memref<128x16xf32, #tpu.memory_space<vmem>>, vector<1x16xf32>,
      %swap3A_95 = vector.shape_cast %swap3A_94 : vector<1x16xf32> to vector<16xf32>
      %swap3A_96 = vector.shape_cast %broadcast_in_dim3A_43 : vector<16xf32> to vector<1x16xf32>
      tpu.vector_store %arg8[%swap3A, %swap3A_93], %swap3A_96 {strides = array<i32>} : memref<128x16xf32, #tpu.memory_space<vmem>>, vector<1x16xf32>,
      %scan3A_97 = arith.constant 0 : i32
      scf.yield %scan3A_97 : i32
    }
    %scan3A_50 = arith.constant 128 : i32
    %barrier3A = arith.constant 0 : index
    tpu.barrier barrier_id(%barrier3A)
    %add3A_51 = arith.constant 8 : i32
    %add3A_52 = arith.addi %select_n3A, %add3A_51 : i32
    %sub3A_53 = arith.constant 1 : i32
    %sub3A_54 = arith.subi %add3A_52, %sub3A_53 : i32
    %jit3A_55 = arith.constant 4 : i32
    %div3A_56 = arith.divsi %sub3A_54, %jit3A_55 : i32
    %sign3A_57 = arith.constant 0 : i32
    %sign3A_58 = arith.cmpi sgt, %sub3A_54, %sign3A_57 : i32
    %sign3A_59 = arith.extui %sign3A_58 : i1 to i32
    %sign3A_60 = arith.constant 0 : i32
    %sign3A_61 = arith.cmpi slt, %sub3A_54, %sign3A_60 : i32
    %sign3A_62 = arith.extui %sign3A_61 : i1 to i32
    %sign3A_63 = arith.subi %sign3A_59, %sign3A_62 : i32
    %sign3A_64 = arith.constant 0 : i32
    %sign3A_65 = arith.cmpi sgt, %jit3A_55, %sign3A_64 : i32
    %sign3A_66 = arith.extui %sign3A_65 : i1 to i32
    %sign3A_67 = arith.constant 0 : i32
    %sign3A_68 = arith.cmpi slt, %jit3A_55, %sign3A_67 : i32
    %sign3A_69 = arith.extui %sign3A_68 : i1 to i32
    %sign3A_70 = arith.subi %sign3A_66, %sign3A_69 : i32
    %ne3A_71 = arith.cmpi ne, %sign3A_63, %sign3A_70 : i32
    %rem3A_72 = arith.remsi %sub3A_54, %jit3A_55 : i32
    %ne3A_73 = arith.constant 0 : i32
    %ne3A_74 = arith.cmpi ne, %rem3A_72, %ne3A_73 : i32
    %and3A_75 = arith.andi %ne3A_71, %ne3A_74 : i1
    %sub3A_76 = arith.constant 1 : i32
    %sub3A_77 = arith.subi %div3A_56, %sub3A_76 : i32
    %select_n3A_78 = arith.select %and3A_75, %sub3A_77, %div3A_56 : i32
    %while3A = arith.constant 0 : i32
    %while3A_79 = arith.constant 0 : i32
    %while3A_80 = arith.subi %select_n3A_78, %while3A : i32
    %while3A_81 = arith.addi %while3A, %while3A_80 : i32
    %while3A_82 = arith.constant 1 : i32
    %while3A_83 = arith.divsi %while3A_80, %while3A_82 : i32
    %while3A_84 = arith.muli %while3A_83, %while3A_82 : i32
    %while3A_85 = arith.addi %while3A, %while3A_84 : i32
    %while3A_86 = arith.constant 1 : i32
    %while3A_87 = scf.for %while3A_91 = %while3A to %while3A_85 step %while3A_86 iter_args(%while3A_92 = %while3A_79) -> (i32)  : i32 {
      %mul3A_93 = arith.constant 4 : i32
      %mul3A_94 = arith.muli %while3A_91, %mul3A_93 : i32
      %add3A_95 = arith.constant 0 : i32
      %add3A_96 = arith.addi %mul3A_94, %add3A_95 : i32
      %ge3A = arith.constant 4 : i32
      %ge3A_97 = arith.cmpi sge, %add3A_96, %ge3A : i32
      %sub3A_98 = arith.constant 4 : i32
      %sub3A_99 = arith.subi %add3A_96, %sub3A_98 : i32
      %lt3A = arith.cmpi slt, %sub3A_99, %select_n3A : i32
      %and3A_100 = arith.andi %ge3A_97, %lt3A : i1
      %convert_element_type3A = arith.extui %and3A_100 : i1 to i32
      %cond3A = arith.constant 0 : i32
      %cond3A_101 = arith.cmpi ne, %convert_element_type3A, %cond3A : i32
      scf.if %cond3A_101 {
        %dma_wait3A = arith.constant 0 : i32
        %dma_wait3A_194 = arith.constant 0 : i32
        %dma_wait3A_195 = tpu.memref_slice %arg9[%dma_wait3A, %dma_wait3A_194] : memref<10000x16xf32, #tpu.memory_space<vmem_shared>> -> memref<10000x16xf32, #tpu.memory_space<vmem_shared>>
        tpu.wait_indirect_dma semaphore(%arg14 : memref<!tpu.dma_semaphore, #tpu.memory_space<semaphore_mem>>) src(%arg8 : memref<128x16xf32, #tpu.memory_space<vmem>>) dst(%dma_wait3A_195 : memref<10000x16xf32, #tpu.memory_space<vmem_shared>>)
      } else {
      }
      %lt3A_102 = arith.cmpi slt, %add3A_96, %select_n3A : i32
      %convert_element_type3A_103 = arith.extui %lt3A_102 : i1 to i32
      %cond3A_104 = arith.constant 0 : i32
      %cond3A_105 = arith.cmpi ne, %convert_element_type3A_103, %cond3A_104 : i32
      scf.if %cond3A_105 {
        %mul3A_194 = arith.constant 32 : i32
        %mul3A_195 = arith.muli %add3A_96, %mul3A_194 : i32
        %add3A_196 = arith.addi %mul3A_195, %add3A : i32
        %mul3A_197 = arith.constant 128 : i32
        %mul3A_198 = arith.muli %add3A_196, %mul3A_197 : i32
        %dma_start3A = tpu.memref_slice %arg2[%mul3A_198] : memref<320000xi32, #tpu.memory_space<hbm>> -> memref<128xi32, #tpu.memory_space<hbm>>
        %dma_start3A_199 = tpu.memref_slice %arg2[%mul3A_198] : memref<320000xi32, #tpu.memory_space<hbm>> -> memref<128xi32, #tpu.memory_space<hbm>>
        tpu.enqueue_dma source(%dma_start3A_199 : memref<128xi32, #tpu.memory_space<hbm>>) target(%arg4 : memref<128xi32, #tpu.memory_space<vmem>>) target_semaphore(%arg10 : memref<!tpu.dma_semaphore, #tpu.memory_space<semaphore_mem>>)
      } else {
      }
      %sub3A_106 = arith.constant 2 : i32
      %sub3A_107 = arith.subi %add3A_96, %sub3A_106 : i32
      %ge3A_108 = arith.constant 0 : i32
      %ge3A_109 = arith.cmpi sge, %sub3A_107, %ge3A_108 : i32
      %lt3A_110 = arith.cmpi slt, %sub3A_107, %select_n3A : i32
      %and3A_111 = arith.andi %ge3A_109, %lt3A_110 : i1
      %convert_element_type3A_112 = arith.extui %and3A_111 : i1 to i32
      %cond3A_113 = arith.constant 0 : i32
      %cond3A_114 = arith.cmpi ne, %convert_element_type3A_112, %cond3A_113 : i32
      scf.if %cond3A_114 {
        %dma_wait3A = arith.constant 0 : i32
        %dma_wait3A_194 = tpu.memref_slice %arg2[%dma_wait3A] : memref<320000xi32, #tpu.memory_space<hbm>> -> memref<128xi32, #tpu.memory_space<hbm>>
        %dma_wait3A_195 = arith.constant 0 : i32
        %dma_wait3A_196 = tpu.memref_slice %arg2[%dma_wait3A_195] : memref<320000xi32, #tpu.memory_space<hbm>> -> memref<128xi32, #tpu.memory_space<hbm>>
        tpu.wait_dma2 semaphore(%arg12 : memref<!tpu.dma_semaphore, #tpu.memory_space<semaphore_mem>>) src(%dma_wait3A_196 : memref<128xi32, #tpu.memory_space<hbm>>) dst(%arg6 : memref<128xi32, #tpu.memory_space<vmem>>)
        %dma_start3A = arith.constant 0 : i32
        %dma_start3A_197 = arith.constant 0 : i32
        %dma_start3A_198 = tpu.memref_slice %arg9[%dma_start3A, %dma_start3A_197] : memref<10000x16xf32, #tpu.memory_space<vmem_shared>> -> memref<10000x16xf32, #tpu.memory_space<vmem_shared>>
        tpu.enqueue_indirect_dma source(%arg8 : memref<128x16xf32, #tpu.memory_space<vmem>>) target(%dma_start3A_198 : memref<10000x16xf32, #tpu.memory_space<vmem_shared>>) offsets(%arg6 : memref<128xi32, #tpu.memory_space<vmem>>) semaphore(%arg16 : memref<!tpu.dma_semaphore, #tpu.memory_space<semaphore_mem>>) {add = true}
      } else {
      }
      %mul3A_115 = arith.constant 4 : i32
      %mul3A_116 = arith.muli %while3A_91, %mul3A_115 : i32
      %add3A_117 = arith.constant 1 : i32
      %add3A_118 = arith.addi %mul3A_116, %add3A_117 : i32
      %ge3A_119 = arith.constant 4 : i32
      %ge3A_120 = arith.cmpi sge, %add3A_118, %ge3A_119 : i32
      %sub3A_121 = arith.constant 4 : i32
      %sub3A_122 = arith.subi %add3A_118, %sub3A_121 : i32
      %lt3A_123 = arith.cmpi slt, %sub3A_122, %select_n3A : i32
      %and3A_124 = arith.andi %ge3A_120, %lt3A_123 : i1
      %convert_element_type3A_125 = arith.extui %and3A_124 : i1 to i32
      %cond3A_126 = arith.constant 0 : i32
      %cond3A_127 = arith.cmpi ne, %convert_element_type3A_125, %cond3A_126 : i32
      scf.if %cond3A_127 {
        %dma_wait3A = arith.constant 0 : i32
        %dma_wait3A_194 = arith.constant 0 : i32
        %dma_wait3A_195 = tpu.memref_slice %arg9[%dma_wait3A, %dma_wait3A_194] : memref<10000x16xf32, #tpu.memory_space<vmem_shared>> -> memref<10000x16xf32, #tpu.memory_space<vmem_shared>>
        tpu.wait_indirect_dma semaphore(%arg15 : memref<!tpu.dma_semaphore, #tpu.memory_space<semaphore_mem>>) src(%arg8 : memref<128x16xf32, #tpu.memory_space<vmem>>) dst(%dma_wait3A_195 : memref<10000x16xf32, #tpu.memory_space<vmem_shared>>)
      } else {
      }
      %lt3A_128 = arith.cmpi slt, %add3A_118, %select_n3A : i32
      %convert_element_type3A_129 = arith.extui %lt3A_128 : i1 to i32
      %cond3A_130 = arith.constant 0 : i32
      %cond3A_131 = arith.cmpi ne, %convert_element_type3A_129, %cond3A_130 : i32
      scf.if %cond3A_131 {
        %mul3A_194 = arith.constant 32 : i32
        %mul3A_195 = arith.muli %add3A_118, %mul3A_194 : i32
        %add3A_196 = arith.addi %mul3A_195, %add3A : i32
        %mul3A_197 = arith.constant 128 : i32
        %mul3A_198 = arith.muli %add3A_196, %mul3A_197 : i32
        %dma_start3A = tpu.memref_slice %arg2[%mul3A_198] : memref<320000xi32, #tpu.memory_space<hbm>> -> memref<128xi32, #tpu.memory_space<hbm>>
        %dma_start3A_199 = tpu.memref_slice %arg2[%mul3A_198] : memref<320000xi32, #tpu.memory_space<hbm>> -> memref<128xi32, #tpu.memory_space<hbm>>
        tpu.enqueue_dma source(%dma_start3A_199 : memref<128xi32, #tpu.memory_space<hbm>>) target(%arg5 : memref<128xi32, #tpu.memory_space<vmem>>) target_semaphore(%arg11 : memref<!tpu.dma_semaphore, #tpu.memory_space<semaphore_mem>>)
      } else {
      }
      %sub3A_132 = arith.constant 2 : i32
      %sub3A_133 = arith.subi %add3A_118, %sub3A_132 : i32
      %ge3A_134 = arith.constant 0 : i32
      %ge3A_135 = arith.cmpi sge, %sub3A_133, %ge3A_134 : i32
      %lt3A_136 = arith.cmpi slt, %sub3A_133, %select_n3A : i32
      %and3A_137 = arith.andi %ge3A_135, %lt3A_136 : i1
      %convert_element_type3A_138 = arith.extui %and3A_137 : i1 to i32
      %cond3A_139 = arith.constant 0 : i32
      %cond3A_140 = arith.cmpi ne, %convert_element_type3A_138, %cond3A_139 : i32
      scf.if %cond3A_140 {
        %dma_wait3A = arith.constant 0 : i32
        %dma_wait3A_194 = tpu.memref_slice %arg2[%dma_wait3A] : memref<320000xi32, #tpu.memory_space<hbm>> -> memref<128xi32, #tpu.memory_space<hbm>>
        %dma_wait3A_195 = arith.constant 0 : i32
        %dma_wait3A_196 = tpu.memref_slice %arg2[%dma_wait3A_195] : memref<320000xi32, #tpu.memory_space<hbm>> -> memref<128xi32, #tpu.memory_space<hbm>>
        tpu.wait_dma2 semaphore(%arg13 : memref<!tpu.dma_semaphore, #tpu.memory_space<semaphore_mem>>) src(%dma_wait3A_196 : memref<128xi32, #tpu.memory_space<hbm>>) dst(%arg7 : memref<128xi32, #tpu.memory_space<vmem>>)
        %dma_start3A = arith.constant 0 : i32
        %dma_start3A_197 = arith.constant 0 : i32
        %dma_start3A_198 = tpu.memref_slice %arg9[%dma_start3A, %dma_start3A_197] : memref<10000x16xf32, #tpu.memory_space<vmem_shared>> -> memref<10000x16xf32, #tpu.memory_space<vmem_shared>>
        tpu.enqueue_indirect_dma source(%arg8 : memref<128x16xf32, #tpu.memory_space<vmem>>) target(%dma_start3A_198 : memref<10000x16xf32, #tpu.memory_space<vmem_shared>>) offsets(%arg7 : memref<128xi32, #tpu.memory_space<vmem>>) semaphore(%arg17 : memref<!tpu.dma_semaphore, #tpu.memory_space<semaphore_mem>>) {add = true}
      } else {
      }
      %mul3A_141 = arith.constant 4 : i32
      %mul3A_142 = arith.muli %while3A_91, %mul3A_141 : i32
      %add3A_143 = arith.constant 2 : i32
      %add3A_144 = arith.addi %mul3A_142, %add3A_143 : i32
      %ge3A_145 = arith.constant 4 : i32
      %ge3A_146 = arith.cmpi sge, %add3A_144, %ge3A_145 : i32
      %sub3A_147 = arith.constant 4 : i32
      %sub3A_148 = arith.subi %add3A_144, %sub3A_147 : i32
      %lt3A_149 = arith.cmpi slt, %sub3A_148, %select_n3A : i32
      %and3A_150 = arith.andi %ge3A_146, %lt3A_149 : i1
      %convert_element_type3A_151 = arith.extui %and3A_150 : i1 to i32
      %cond3A_152 = arith.constant 0 : i32
      %cond3A_153 = arith.cmpi ne, %convert_element_type3A_151, %cond3A_152 : i32
      scf.if %cond3A_153 {
        %dma_wait3A = arith.constant 0 : i32
        %dma_wait3A_194 = arith.constant 0 : i32
        %dma_wait3A_195 = tpu.memref_slice %arg9[%dma_wait3A, %dma_wait3A_194] : memref<10000x16xf32, #tpu.memory_space<vmem_shared>> -> memref<10000x16xf32, #tpu.memory_space<vmem_shared>>
        tpu.wait_indirect_dma semaphore(%arg16 : memref<!tpu.dma_semaphore, #tpu.memory_space<semaphore_mem>>) src(%arg8 : memref<128x16xf32, #tpu.memory_space<vmem>>) dst(%dma_wait3A_195 : memref<10000x16xf32, #tpu.memory_space<vmem_shared>>)
      } else {
      }
      %lt3A_154 = arith.cmpi slt, %add3A_144, %select_n3A : i32
      %convert_element_type3A_155 = arith.extui %lt3A_154 : i1 to i32
      %cond3A_156 = arith.constant 0 : i32
      %cond3A_157 = arith.cmpi ne, %convert_element_type3A_155, %cond3A_156 : i32
      scf.if %cond3A_157 {
        %mul3A_194 = arith.constant 32 : i32
        %mul3A_195 = arith.muli %add3A_144, %mul3A_194 : i32
        %add3A_196 = arith.addi %mul3A_195, %add3A : i32
        %mul3A_197 = arith.constant 128 : i32
        %mul3A_198 = arith.muli %add3A_196, %mul3A_197 : i32
        %dma_start3A = tpu.memref_slice %arg2[%mul3A_198] : memref<320000xi32, #tpu.memory_space<hbm>> -> memref<128xi32, #tpu.memory_space<hbm>>
        %dma_start3A_199 = tpu.memref_slice %arg2[%mul3A_198] : memref<320000xi32, #tpu.memory_space<hbm>> -> memref<128xi32, #tpu.memory_space<hbm>>
        tpu.enqueue_dma source(%dma_start3A_199 : memref<128xi32, #tpu.memory_space<hbm>>) target(%arg6 : memref<128xi32, #tpu.memory_space<vmem>>) target_semaphore(%arg12 : memref<!tpu.dma_semaphore, #tpu.memory_space<semaphore_mem>>)
      } else {
      }
      %sub3A_158 = arith.constant 2 : i32
      %sub3A_159 = arith.subi %add3A_144, %sub3A_158 : i32
      %ge3A_160 = arith.constant 0 : i32
      %ge3A_161 = arith.cmpi sge, %sub3A_159, %ge3A_160 : i32
      %lt3A_162 = arith.cmpi slt, %sub3A_159, %select_n3A : i32
      %and3A_163 = arith.andi %ge3A_161, %lt3A_162 : i1
      %convert_element_type3A_164 = arith.extui %and3A_163 : i1 to i32
      %cond3A_165 = arith.constant 0 : i32
      %cond3A_166 = arith.cmpi ne, %convert_element_type3A_164, %cond3A_165 : i32
      scf.if %cond3A_166 {
        %dma_wait3A = arith.constant 0 : i32
        %dma_wait3A_194 = tpu.memref_slice %arg2[%dma_wait3A] : memref<320000xi32, #tpu.memory_space<hbm>> -> memref<128xi32, #tpu.memory_space<hbm>>
        %dma_wait3A_195 = arith.constant 0 : i32
        %dma_wait3A_196 = tpu.memref_slice %arg2[%dma_wait3A_195] : memref<320000xi32, #tpu.memory_space<hbm>> -> memref<128xi32, #tpu.memory_space<hbm>>
        tpu.wait_dma2 semaphore(%arg10 : memref<!tpu.dma_semaphore, #tpu.memory_space<semaphore_mem>>) src(%dma_wait3A_196 : memref<128xi32, #tpu.memory_space<hbm>>) dst(%arg4 : memref<128xi32, #tpu.memory_space<vmem>>)
        %dma_start3A = arith.constant 0 : i32
        %dma_start3A_197 = arith.constant 0 : i32
        %dma_start3A_198 = tpu.memref_slice %arg9[%dma_start3A, %dma_start3A_197] : memref<10000x16xf32, #tpu.memory_space<vmem_shared>> -> memref<10000x16xf32, #tpu.memory_space<vmem_shared>>
        tpu.enqueue_indirect_dma source(%arg8 : memref<128x16xf32, #tpu.memory_space<vmem>>) target(%dma_start3A_198 : memref<10000x16xf32, #tpu.memory_space<vmem_shared>>) offsets(%arg4 : memref<128xi32, #tpu.memory_space<vmem>>) semaphore(%arg14 : memref<!tpu.dma_semaphore, #tpu.memory_space<semaphore_mem>>) {add = true}
      } else {
      }
      %mul3A_167 = arith.constant 4 : i32
      %mul3A_168 = arith.muli %while3A_91, %mul3A_167 : i32
      %add3A_169 = arith.constant 3 : i32
      %add3A_170 = arith.addi %mul3A_168, %add3A_169 : i32
      %ge3A_171 = arith.constant 4 : i32
      %ge3A_172 = arith.cmpi sge, %add3A_170, %ge3A_171 : i32
      %sub3A_173 = arith.constant 4 : i32
      %sub3A_174 = arith.subi %add3A_170, %sub3A_173 : i32
      %lt3A_175 = arith.cmpi slt, %sub3A_174, %select_n3A : i32
      %and3A_176 = arith.andi %ge3A_172, %lt3A_175 : i1
      %convert_element_type3A_177 = arith.extui %and3A_176 : i1 to i32
      %cond3A_178 = arith.constant 0 : i32
      %cond3A_179 = arith.cmpi ne, %convert_element_type3A_177, %cond3A_178 : i32
      scf.if %cond3A_179 {
        %dma_wait3A = arith.constant 0 : i32
        %dma_wait3A_194 = arith.constant 0 : i32
        %dma_wait3A_195 = tpu.memref_slice %arg9[%dma_wait3A, %dma_wait3A_194] : memref<10000x16xf32, #tpu.memory_space<vmem_shared>> -> memref<10000x16xf32, #tpu.memory_space<vmem_shared>>
        tpu.wait_indirect_dma semaphore(%arg17 : memref<!tpu.dma_semaphore, #tpu.memory_space<semaphore_mem>>) src(%arg8 : memref<128x16xf32, #tpu.memory_space<vmem>>) dst(%dma_wait3A_195 : memref<10000x16xf32, #tpu.memory_space<vmem_shared>>)
      } else {
      }
      %lt3A_180 = arith.cmpi slt, %add3A_170, %select_n3A : i32
      %convert_element_type3A_181 = arith.extui %lt3A_180 : i1 to i32
      %cond3A_182 = arith.constant 0 : i32
      %cond3A_183 = arith.cmpi ne, %convert_element_type3A_181, %cond3A_182 : i32
      scf.if %cond3A_183 {
        %mul3A_194 = arith.constant 32 : i32
        %mul3A_195 = arith.muli %add3A_170, %mul3A_194 : i32
        %add3A_196 = arith.addi %mul3A_195, %add3A : i32
        %mul3A_197 = arith.constant 128 : i32
        %mul3A_198 = arith.muli %add3A_196, %mul3A_197 : i32
        %dma_start3A = tpu.memref_slice %arg2[%mul3A_198] : memref<320000xi32, #tpu.memory_space<hbm>> -> memref<128xi32, #tpu.memory_space<hbm>>
        %dma_start3A_199 = tpu.memref_slice %arg2[%mul3A_198] : memref<320000xi32, #tpu.memory_space<hbm>> -> memref<128xi32, #tpu.memory_space<hbm>>
        tpu.enqueue_dma source(%dma_start3A_199 : memref<128xi32, #tpu.memory_space<hbm>>) target(%arg7 : memref<128xi32, #tpu.memory_space<vmem>>) target_semaphore(%arg13 : memref<!tpu.dma_semaphore, #tpu.memory_space<semaphore_mem>>)
      } else {
      }
      %sub3A_184 = arith.constant 2 : i32
      %sub3A_185 = arith.subi %add3A_170, %sub3A_184 : i32
      %ge3A_186 = arith.constant 0 : i32
      %ge3A_187 = arith.cmpi sge, %sub3A_185, %ge3A_186 : i32
      %lt3A_188 = arith.cmpi slt, %sub3A_185, %select_n3A : i32
      %and3A_189 = arith.andi %ge3A_187, %lt3A_188 : i1
      %convert_element_type3A_190 = arith.extui %and3A_189 : i1 to i32
      %cond3A_191 = arith.constant 0 : i32
      %cond3A_192 = arith.cmpi ne, %convert_element_type3A_190, %cond3A_191 : i32
      scf.if %cond3A_192 {
        %dma_wait3A = arith.constant 0 : i32
        %dma_wait3A_194 = tpu.memref_slice %arg2[%dma_wait3A] : memref<320000xi32, #tpu.memory_space<hbm>> -> memref<128xi32, #tpu.memory_space<hbm>>
        %dma_wait3A_195 = arith.constant 0 : i32
        %dma_wait3A_196 = tpu.memref_slice %arg2[%dma_wait3A_195] : memref<320000xi32, #tpu.memory_space<hbm>> -> memref<128xi32, #tpu.memory_space<hbm>>
        tpu.wait_dma2 semaphore(%arg11 : memref<!tpu.dma_semaphore, #tpu.memory_space<semaphore_mem>>) src(%dma_wait3A_196 : memref<128xi32, #tpu.memory_space<hbm>>) dst(%arg5 : memref<128xi32, #tpu.memory_space<vmem>>)
        %dma_start3A = arith.constant 0 : i32
        %dma_start3A_197 = arith.constant 0 : i32
        %dma_start3A_198 = tpu.memref_slice %arg9[%dma_start3A, %dma_start3A_197] : memref<10000x16xf32, #tpu.memory_space<vmem_shared>> -> memref<10000x16xf32, #tpu.memory_space<vmem_shared>>
        tpu.enqueue_indirect_dma source(%arg8 : memref<128x16xf32, #tpu.memory_space<vmem>>) target(%dma_start3A_198 : memref<10000x16xf32, #tpu.memory_space<vmem_shared>>) offsets(%arg5 : memref<128xi32, #tpu.memory_space<vmem>>) semaphore(%arg15 : memref<!tpu.dma_semaphore, #tpu.memory_space<semaphore_mem>>) {add = true}
      } else {
      }
      %while3A_193 = arith.constant 0 : i32
      scf.yield %while3A_193 : i32
    }
    %while3A_88 = arith.constant 1 : i32
    %while3A_89 = scf.for %while3A_91 = %while3A_85 to %while3A_81 step %while3A_88 iter_args(%while3A_92 = %while3A_87) -> (i32)  : i32 {
      %mul3A_93 = arith.constant 4 : i32
      %mul3A_94 = arith.muli %while3A_91, %mul3A_93 : i32
      %add3A_95 = arith.constant 0 : i32
      %add3A_96 = arith.addi %mul3A_94, %add3A_95 : i32
      %ge3A = arith.constant 4 : i32
      %ge3A_97 = arith.cmpi sge, %add3A_96, %ge3A : i32
      %sub3A_98 = arith.constant 4 : i32
      %sub3A_99 = arith.subi %add3A_96, %sub3A_98 : i32
      %lt3A = arith.cmpi slt, %sub3A_99, %select_n3A : i32
      %and3A_100 = arith.andi %ge3A_97, %lt3A : i1
      %convert_element_type3A = arith.extui %and3A_100 : i1 to i32
      %cond3A = arith.constant 0 : i32
      %cond3A_101 = arith.cmpi ne, %convert_element_type3A, %cond3A : i32
      scf.if %cond3A_101 {
        %dma_wait3A = arith.constant 0 : i32
        %dma_wait3A_194 = arith.constant 0 : i32
        %dma_wait3A_195 = tpu.memref_slice %arg9[%dma_wait3A, %dma_wait3A_194] : memref<10000x16xf32, #tpu.memory_space<vmem_shared>> -> memref<10000x16xf32, #tpu.memory_space<vmem_shared>>
        tpu.wait_indirect_dma semaphore(%arg14 : memref<!tpu.dma_semaphore, #tpu.memory_space<semaphore_mem>>) src(%arg8 : memref<128x16xf32, #tpu.memory_space<vmem>>) dst(%dma_wait3A_195 : memref<10000x16xf32, #tpu.memory_space<vmem_shared>>)
      } else {
      }
      %lt3A_102 = arith.cmpi slt, %add3A_96, %select_n3A : i32
      %convert_element_type3A_103 = arith.extui %lt3A_102 : i1 to i32
      %cond3A_104 = arith.constant 0 : i32
      %cond3A_105 = arith.cmpi ne, %convert_element_type3A_103, %cond3A_104 : i32
      scf.if %cond3A_105 {
        %mul3A_194 = arith.constant 32 : i32
        %mul3A_195 = arith.muli %add3A_96, %mul3A_194 : i32
        %add3A_196 = arith.addi %mul3A_195, %add3A : i32
        %mul3A_197 = arith.constant 128 : i32
        %mul3A_198 = arith.muli %add3A_196, %mul3A_197 : i32
        %dma_start3A = tpu.memref_slice %arg2[%mul3A_198] : memref<320000xi32, #tpu.memory_space<hbm>> -> memref<128xi32, #tpu.memory_space<hbm>>
        %dma_start3A_199 = tpu.memref_slice %arg2[%mul3A_198] : memref<320000xi32, #tpu.memory_space<hbm>> -> memref<128xi32, #tpu.memory_space<hbm>>
        tpu.enqueue_dma source(%dma_start3A_199 : memref<128xi32, #tpu.memory_space<hbm>>) target(%arg4 : memref<128xi32, #tpu.memory_space<vmem>>) target_semaphore(%arg10 : memref<!tpu.dma_semaphore, #tpu.memory_space<semaphore_mem>>)
      } else {
      }
      %sub3A_106 = arith.constant 2 : i32
      %sub3A_107 = arith.subi %add3A_96, %sub3A_106 : i32
      %ge3A_108 = arith.constant 0 : i32
      %ge3A_109 = arith.cmpi sge, %sub3A_107, %ge3A_108 : i32
      %lt3A_110 = arith.cmpi slt, %sub3A_107, %select_n3A : i32
      %and3A_111 = arith.andi %ge3A_109, %lt3A_110 : i1
      %convert_element_type3A_112 = arith.extui %and3A_111 : i1 to i32
      %cond3A_113 = arith.constant 0 : i32
      %cond3A_114 = arith.cmpi ne, %convert_element_type3A_112, %cond3A_113 : i32
      scf.if %cond3A_114 {
        %dma_wait3A = arith.constant 0 : i32
        %dma_wait3A_194 = tpu.memref_slice %arg2[%dma_wait3A] : memref<320000xi32, #tpu.memory_space<hbm>> -> memref<128xi32, #tpu.memory_space<hbm>>
        %dma_wait3A_195 = arith.constant 0 : i32
        %dma_wait3A_196 = tpu.memref_slice %arg2[%dma_wait3A_195] : memref<320000xi32, #tpu.memory_space<hbm>> -> memref<128xi32, #tpu.memory_space<hbm>>
        tpu.wait_dma2 semaphore(%arg12 : memref<!tpu.dma_semaphore, #tpu.memory_space<semaphore_mem>>) src(%dma_wait3A_196 : memref<128xi32, #tpu.memory_space<hbm>>) dst(%arg6 : memref<128xi32, #tpu.memory_space<vmem>>)
        %dma_start3A = arith.constant 0 : i32
        %dma_start3A_197 = arith.constant 0 : i32
        %dma_start3A_198 = tpu.memref_slice %arg9[%dma_start3A, %dma_start3A_197] : memref<10000x16xf32, #tpu.memory_space<vmem_shared>> -> memref<10000x16xf32, #tpu.memory_space<vmem_shared>>
        tpu.enqueue_indirect_dma source(%arg8 : memref<128x16xf32, #tpu.memory_space<vmem>>) target(%dma_start3A_198 : memref<10000x16xf32, #tpu.memory_space<vmem_shared>>) offsets(%arg6 : memref<128xi32, #tpu.memory_space<vmem>>) semaphore(%arg16 : memref<!tpu.dma_semaphore, #tpu.memory_space<semaphore_mem>>) {add = true}
      } else {
      }
      %mul3A_115 = arith.constant 4 : i32
      %mul3A_116 = arith.muli %while3A_91, %mul3A_115 : i32
      %add3A_117 = arith.constant 1 : i32
      %add3A_118 = arith.addi %mul3A_116, %add3A_117 : i32
      %ge3A_119 = arith.constant 4 : i32
      %ge3A_120 = arith.cmpi sge, %add3A_118, %ge3A_119 : i32
      %sub3A_121 = arith.constant 4 : i32
      %sub3A_122 = arith.subi %add3A_118, %sub3A_121 : i32
      %lt3A_123 = arith.cmpi slt, %sub3A_122, %select_n3A : i32
      %and3A_124 = arith.andi %ge3A_120, %lt3A_123 : i1
      %convert_element_type3A_125 = arith.extui %and3A_124 : i1 to i32
      %cond3A_126 = arith.constant 0 : i32
      %cond3A_127 = arith.cmpi ne, %convert_element_type3A_125, %cond3A_126 : i32
      scf.if %cond3A_127 {
        %dma_wait3A = arith.constant 0 : i32
        %dma_wait3A_194 = arith.constant 0 : i32
        %dma_wait3A_195 = tpu.memref_slice %arg9[%dma_wait3A, %dma_wait3A_194] : memref<10000x16xf32, #tpu.memory_space<vmem_shared>> -> memref<10000x16xf32, #tpu.memory_space<vmem_shared>>
        tpu.wait_indirect_dma semaphore(%arg15 : memref<!tpu.dma_semaphore, #tpu.memory_space<semaphore_mem>>) src(%arg8 : memref<128x16xf32, #tpu.memory_space<vmem>>) dst(%dma_wait3A_195 : memref<10000x16xf32, #tpu.memory_space<vmem_shared>>)
      } else {
      }
      %lt3A_128 = arith.cmpi slt, %add3A_118, %select_n3A : i32
      %convert_element_type3A_129 = arith.extui %lt3A_128 : i1 to i32
      %cond3A_130 = arith.constant 0 : i32
      %cond3A_131 = arith.cmpi ne, %convert_element_type3A_129, %cond3A_130 : i32
      scf.if %cond3A_131 {
        %mul3A_194 = arith.constant 32 : i32
        %mul3A_195 = arith.muli %add3A_118, %mul3A_194 : i32
        %add3A_196 = arith.addi %mul3A_195, %add3A : i32
        %mul3A_197 = arith.constant 128 : i32
        %mul3A_198 = arith.muli %add3A_196, %mul3A_197 : i32
        %dma_start3A = tpu.memref_slice %arg2[%mul3A_198] : memref<320000xi32, #tpu.memory_space<hbm>> -> memref<128xi32, #tpu.memory_space<hbm>>
        %dma_start3A_199 = tpu.memref_slice %arg2[%mul3A_198] : memref<320000xi32, #tpu.memory_space<hbm>> -> memref<128xi32, #tpu.memory_space<hbm>>
        tpu.enqueue_dma source(%dma_start3A_199 : memref<128xi32, #tpu.memory_space<hbm>>) target(%arg5 : memref<128xi32, #tpu.memory_space<vmem>>) target_semaphore(%arg11 : memref<!tpu.dma_semaphore, #tpu.memory_space<semaphore_mem>>)
      } else {
      }
      %sub3A_132 = arith.constant 2 : i32
      %sub3A_133 = arith.subi %add3A_118, %sub3A_132 : i32
      %ge3A_134 = arith.constant 0 : i32
      %ge3A_135 = arith.cmpi sge, %sub3A_133, %ge3A_134 : i32
      %lt3A_136 = arith.cmpi slt, %sub3A_133, %select_n3A : i32
      %and3A_137 = arith.andi %ge3A_135, %lt3A_136 : i1
      %convert_element_type3A_138 = arith.extui %and3A_137 : i1 to i32
      %cond3A_139 = arith.constant 0 : i32
      %cond3A_140 = arith.cmpi ne, %convert_element_type3A_138, %cond3A_139 : i32
      scf.if %cond3A_140 {
        %dma_wait3A = arith.constant 0 : i32
        %dma_wait3A_194 = tpu.memref_slice %arg2[%dma_wait3A] : memref<320000xi32, #tpu.memory_space<hbm>> -> memref<128xi32, #tpu.memory_space<hbm>>
        %dma_wait3A_195 = arith.constant 0 : i32
        %dma_wait3A_196 = tpu.memref_slice %arg2[%dma_wait3A_195] : memref<320000xi32, #tpu.memory_space<hbm>> -> memref<128xi32, #tpu.memory_space<hbm>>
        tpu.wait_dma2 semaphore(%arg13 : memref<!tpu.dma_semaphore, #tpu.memory_space<semaphore_mem>>) src(%dma_wait3A_196 : memref<128xi32, #tpu.memory_space<hbm>>) dst(%arg7 : memref<128xi32, #tpu.memory_space<vmem>>)
        %dma_start3A = arith.constant 0 : i32
        %dma_start3A_197 = arith.constant 0 : i32
        %dma_start3A_198 = tpu.memref_slice %arg9[%dma_start3A, %dma_start3A_197] : memref<10000x16xf32, #tpu.memory_space<vmem_shared>> -> memref<10000x16xf32, #tpu.memory_space<vmem_shared>>
        tpu.enqueue_indirect_dma source(%arg8 : memref<128x16xf32, #tpu.memory_space<vmem>>) target(%dma_start3A_198 : memref<10000x16xf32, #tpu.memory_space<vmem_shared>>) offsets(%arg7 : memref<128xi32, #tpu.memory_space<vmem>>) semaphore(%arg17 : memref<!tpu.dma_semaphore, #tpu.memory_space<semaphore_mem>>) {add = true}
      } else {
      }
      %mul3A_141 = arith.constant 4 : i32
      %mul3A_142 = arith.muli %while3A_91, %mul3A_141 : i32
      %add3A_143 = arith.constant 2 : i32
      %add3A_144 = arith.addi %mul3A_142, %add3A_143 : i32
      %ge3A_145 = arith.constant 4 : i32
      %ge3A_146 = arith.cmpi sge, %add3A_144, %ge3A_145 : i32
      %sub3A_147 = arith.constant 4 : i32
      %sub3A_148 = arith.subi %add3A_144, %sub3A_147 : i32
      %lt3A_149 = arith.cmpi slt, %sub3A_148, %select_n3A : i32
      %and3A_150 = arith.andi %ge3A_146, %lt3A_149 : i1
      %convert_element_type3A_151 = arith.extui %and3A_150 : i1 to i32
      %cond3A_152 = arith.constant 0 : i32
      %cond3A_153 = arith.cmpi ne, %convert_element_type3A_151, %cond3A_152 : i32
      scf.if %cond3A_153 {
        %dma_wait3A = arith.constant 0 : i32
        %dma_wait3A_194 = arith.constant 0 : i32
        %dma_wait3A_195 = tpu.memref_slice %arg9[%dma_wait3A, %dma_wait3A_194] : memref<10000x16xf32, #tpu.memory_space<vmem_shared>> -> memref<10000x16xf32, #tpu.memory_space<vmem_shared>>
        tpu.wait_indirect_dma semaphore(%arg16 : memref<!tpu.dma_semaphore, #tpu.memory_space<semaphore_mem>>) src(%arg8 : memref<128x16xf32, #tpu.memory_space<vmem>>) dst(%dma_wait3A_195 : memref<10000x16xf32, #tpu.memory_space<vmem_shared>>)
      } else {
      }
      %lt3A_154 = arith.cmpi slt, %add3A_144, %select_n3A : i32
      %convert_element_type3A_155 = arith.extui %lt3A_154 : i1 to i32
      %cond3A_156 = arith.constant 0 : i32
      %cond3A_157 = arith.cmpi ne, %convert_element_type3A_155, %cond3A_156 : i32
      scf.if %cond3A_157 {
        %mul3A_194 = arith.constant 32 : i32
        %mul3A_195 = arith.muli %add3A_144, %mul3A_194 : i32
        %add3A_196 = arith.addi %mul3A_195, %add3A : i32
        %mul3A_197 = arith.constant 128 : i32
        %mul3A_198 = arith.muli %add3A_196, %mul3A_197 : i32
        %dma_start3A = tpu.memref_slice %arg2[%mul3A_198] : memref<320000xi32, #tpu.memory_space<hbm>> -> memref<128xi32, #tpu.memory_space<hbm>>
        %dma_start3A_199 = tpu.memref_slice %arg2[%mul3A_198] : memref<320000xi32, #tpu.memory_space<hbm>> -> memref<128xi32, #tpu.memory_space<hbm>>
        tpu.enqueue_dma source(%dma_start3A_199 : memref<128xi32, #tpu.memory_space<hbm>>) target(%arg6 : memref<128xi32, #tpu.memory_space<vmem>>) target_semaphore(%arg12 : memref<!tpu.dma_semaphore, #tpu.memory_space<semaphore_mem>>)
      } else {
      }
      %sub3A_158 = arith.constant 2 : i32
      %sub3A_159 = arith.subi %add3A_144, %sub3A_158 : i32
      %ge3A_160 = arith.constant 0 : i32
      %ge3A_161 = arith.cmpi sge, %sub3A_159, %ge3A_160 : i32
      %lt3A_162 = arith.cmpi slt, %sub3A_159, %select_n3A : i32
      %and3A_163 = arith.andi %ge3A_161, %lt3A_162 : i1
      %convert_element_type3A_164 = arith.extui %and3A_163 : i1 to i32
      %cond3A_165 = arith.constant 0 : i32
      %cond3A_166 = arith.cmpi ne, %convert_element_type3A_164, %cond3A_165 : i32
      scf.if %cond3A_166 {
        %dma_wait3A = arith.constant 0 : i32
        %dma_wait3A_194 = tpu.memref_slice %arg2[%dma_wait3A] : memref<320000xi32, #tpu.memory_space<hbm>> -> memref<128xi32, #tpu.memory_space<hbm>>
        %dma_wait3A_195 = arith.constant 0 : i32
        %dma_wait3A_196 = tpu.memref_slice %arg2[%dma_wait3A_195] : memref<320000xi32, #tpu.memory_space<hbm>> -> memref<128xi32, #tpu.memory_space<hbm>>
        tpu.wait_dma2 semaphore(%arg10 : memref<!tpu.dma_semaphore, #tpu.memory_space<semaphore_mem>>) src(%dma_wait3A_196 : memref<128xi32, #tpu.memory_space<hbm>>) dst(%arg4 : memref<128xi32, #tpu.memory_space<vmem>>)
        %dma_start3A = arith.constant 0 : i32
        %dma_start3A_197 = arith.constant 0 : i32
        %dma_start3A_198 = tpu.memref_slice %arg9[%dma_start3A, %dma_start3A_197] : memref<10000x16xf32, #tpu.memory_space<vmem_shared>> -> memref<10000x16xf32, #tpu.memory_space<vmem_shared>>
        tpu.enqueue_indirect_dma source(%arg8 : memref<128x16xf32, #tpu.memory_space<vmem>>) target(%dma_start3A_198 : memref<10000x16xf32, #tpu.memory_space<vmem_shared>>) offsets(%arg4 : memref<128xi32, #tpu.memory_space<vmem>>) semaphore(%arg14 : memref<!tpu.dma_semaphore, #tpu.memory_space<semaphore_mem>>) {add = true}
      } else {
      }
      %mul3A_167 = arith.constant 4 : i32
      %mul3A_168 = arith.muli %while3A_91, %mul3A_167 : i32
      %add3A_169 = arith.constant 3 : i32
      %add3A_170 = arith.addi %mul3A_168, %add3A_169 : i32
      %ge3A_171 = arith.constant 4 : i32
      %ge3A_172 = arith.cmpi sge, %add3A_170, %ge3A_171 : i32
      %sub3A_173 = arith.constant 4 : i32
      %sub3A_174 = arith.subi %add3A_170, %sub3A_173 : i32
      %lt3A_175 = arith.cmpi slt, %sub3A_174, %select_n3A : i32
      %and3A_176 = arith.andi %ge3A_172, %lt3A_175 : i1
      %convert_element_type3A_177 = arith.extui %and3A_176 : i1 to i32
      %cond3A_178 = arith.constant 0 : i32
      %cond3A_179 = arith.cmpi ne, %convert_element_type3A_177, %cond3A_178 : i32
      scf.if %cond3A_179 {
        %dma_wait3A = arith.constant 0 : i32
        %dma_wait3A_194 = arith.constant 0 : i32
        %dma_wait3A_195 = tpu.memref_slice %arg9[%dma_wait3A, %dma_wait3A_194] : memref<10000x16xf32, #tpu.memory_space<vmem_shared>> -> memref<10000x16xf32, #tpu.memory_space<vmem_shared>>
        tpu.wait_indirect_dma semaphore(%arg17 : memref<!tpu.dma_semaphore, #tpu.memory_space<semaphore_mem>>) src(%arg8 : memref<128x16xf32, #tpu.memory_space<vmem>>) dst(%dma_wait3A_195 : memref<10000x16xf32, #tpu.memory_space<vmem_shared>>)
      } else {
      }
      %lt3A_180 = arith.cmpi slt, %add3A_170, %select_n3A : i32
      %convert_element_type3A_181 = arith.extui %lt3A_180 : i1 to i32
      %cond3A_182 = arith.constant 0 : i32
      %cond3A_183 = arith.cmpi ne, %convert_element_type3A_181, %cond3A_182 : i32
      scf.if %cond3A_183 {
        %mul3A_194 = arith.constant 32 : i32
        %mul3A_195 = arith.muli %add3A_170, %mul3A_194 : i32
        %add3A_196 = arith.addi %mul3A_195, %add3A : i32
        %mul3A_197 = arith.constant 128 : i32
        %mul3A_198 = arith.muli %add3A_196, %mul3A_197 : i32
        %dma_start3A = tpu.memref_slice %arg2[%mul3A_198] : memref<320000xi32, #tpu.memory_space<hbm>> -> memref<128xi32, #tpu.memory_space<hbm>>
        %dma_start3A_199 = tpu.memref_slice %arg2[%mul3A_198] : memref<320000xi32, #tpu.memory_space<hbm>> -> memref<128xi32, #tpu.memory_space<hbm>>
        tpu.enqueue_dma source(%dma_start3A_199 : memref<128xi32, #tpu.memory_space<hbm>>) target(%arg7 : memref<128xi32, #tpu.memory_space<vmem>>) target_semaphore(%arg13 : memref<!tpu.dma_semaphore, #tpu.memory_space<semaphore_mem>>)
      } else {
      }
      %sub3A_184 = arith.constant 2 : i32
      %sub3A_185 = arith.subi %add3A_170, %sub3A_184 : i32
      %ge3A_186 = arith.constant 0 : i32
      %ge3A_187 = arith.cmpi sge, %sub3A_185, %ge3A_186 : i32
      %lt3A_188 = arith.cmpi slt, %sub3A_185, %select_n3A : i32
      %and3A_189 = arith.andi %ge3A_187, %lt3A_188 : i1
      %convert_element_type3A_190 = arith.extui %and3A_189 : i1 to i32
      %cond3A_191 = arith.constant 0 : i32
      %cond3A_192 = arith.cmpi ne, %convert_element_type3A_190, %cond3A_191 : i32
      scf.if %cond3A_192 {
        %dma_wait3A = arith.constant 0 : i32
        %dma_wait3A_194 = tpu.memref_slice %arg2[%dma_wait3A] : memref<320000xi32, #tpu.memory_space<hbm>> -> memref<128xi32, #tpu.memory_space<hbm>>
        %dma_wait3A_195 = arith.constant 0 : i32
        %dma_wait3A_196 = tpu.memref_slice %arg2[%dma_wait3A_195] : memref<320000xi32, #tpu.memory_space<hbm>> -> memref<128xi32, #tpu.memory_space<hbm>>
        tpu.wait_dma2 semaphore(%arg11 : memref<!tpu.dma_semaphore, #tpu.memory_space<semaphore_mem>>) src(%dma_wait3A_196 : memref<128xi32, #tpu.memory_space<hbm>>) dst(%arg5 : memref<128xi32, #tpu.memory_space<vmem>>)
        %dma_start3A = arith.constant 0 : i32
        %dma_start3A_197 = arith.constant 0 : i32
        %dma_start3A_198 = tpu.memref_slice %arg9[%dma_start3A, %dma_start3A_197] : memref<10000x16xf32, #tpu.memory_space<vmem_shared>> -> memref<10000x16xf32, #tpu.memory_space<vmem_shared>>
        tpu.enqueue_indirect_dma source(%arg8 : memref<128x16xf32, #tpu.memory_space<vmem>>) target(%dma_start3A_198 : memref<10000x16xf32, #tpu.memory_space<vmem_shared>>) offsets(%arg5 : memref<128xi32, #tpu.memory_space<vmem>>) semaphore(%arg15 : memref<!tpu.dma_semaphore, #tpu.memory_space<semaphore_mem>>) {add = true}
      } else {
      }
      %while3A_193 = arith.constant 0 : i32
      scf.yield %while3A_193 : i32
    }
    %barrier3A_90 = arith.constant 0 : index
    tpu.barrier barrier_id(%barrier3A_90)
    "tpu.region"() ({
      %run_scoped3A = tpu.sem_alloc : memref<!tpu.dma_semaphore, #tpu.memory_space<semaphore_mem>>
      %dma_start3A = arith.constant 0 : i32
      %dma_start3A_91 = tpu.memref_slice %arg3[%arg0, %mul3A_2, %dma_start3A] : memref<2x10000x8xf32, #tpu.memory_space<hbm>> -> memref<1x625x8xf32, #tpu.memory_space<hbm>>
      %dma_start3A_92 = tpu.memref_squeeze %dma_start3A_91 : memref<1x625x8xf32, #tpu.memory_space<hbm>> -> memref<625x8xf32, #tpu.memory_space<hbm>>
      %dma_start3A_93 = arith.constant 0 : i32
      %dma_start3A_94 = tpu.memref_slice %arg9[%mul3A_2, %dma_start3A_93] : memref<10000x16xf32, #tpu.memory_space<vmem_shared>> -> memref<625x8xf32, #tpu.memory_space<vmem_shared>>
      tpu.enqueue_dma source(%dma_start3A_94 : memref<625x8xf32, #tpu.memory_space<vmem_shared>>) target(%dma_start3A_92 : memref<625x8xf32, #tpu.memory_space<hbm>>) target_semaphore(%run_scoped3A : memref<!tpu.dma_semaphore, #tpu.memory_space<semaphore_mem>>)
      %dma_wait3A = arith.constant 0 : i32
      %dma_wait3A_95 = tpu.memref_slice %arg3[%arg0, %mul3A_2, %dma_wait3A] : memref<2x10000x8xf32, #tpu.memory_space<hbm>> -> memref<1x625x8xf32, #tpu.memory_space<hbm>>
      %dma_wait3A_96 = tpu.memref_squeeze %dma_wait3A_95 : memref<1x625x8xf32, #tpu.memory_space<hbm>> -> memref<625x8xf32, #tpu.memory_space<hbm>>
      %dma_wait3A_97 = arith.constant 0 : i32
      %dma_wait3A_98 = tpu.memref_slice %arg9[%mul3A_2, %dma_wait3A_97] : memref<10000x16xf32, #tpu.memory_space<vmem_shared>> -> memref<625x8xf32, #tpu.memory_space<vmem_shared>>
      tpu.wait_dma2 semaphore(%run_scoped3A : memref<!tpu.dma_semaphore, #tpu.memory_space<semaphore_mem>>) src(%dma_wait3A_98 : memref<625x8xf32, #tpu.memory_space<vmem_shared>>) dst(%dma_wait3A_96 : memref<625x8xf32, #tpu.memory_space<hbm>>)
      tpu.yield
    }) : () -> ()
    return
  }
}

#map = affine_map<(d0, d1) -> (0, 0)>
#map1 = affine_map<(d0, d1) -> (0)>
#map2 = affine_map<(d0, d1) -> (0, 0, 0)>
module attributes {stable_mosaic.version = 14 : i64} {
  func.func @k(%arg0: i32, %arg1: i32, %arg2: memref<10000x64xf32, #tpu.memory_space<hbm>>, %arg3: memref<320000xi32, #tpu.memory_space<hbm>>, %arg4: memref<320000xi32, #tpu.memory_space<hbm>>, %arg5: memref<2x10112x64xf32, #tpu.memory_space<hbm>>, %arg6: memref<128xi32, #tpu.memory_space<vmem>>, %arg7: memref<128xi32, #tpu.memory_space<vmem>>, %arg8: memref<128xi32, #tpu.memory_space<vmem>>, %arg9: memref<128xi32, #tpu.memory_space<vmem>>, %arg10: memref<128xi32, #tpu.memory_space<vmem>>, %arg11: memref<128xi32, #tpu.memory_space<vmem>>, %arg12: memref<128xi32, #tpu.memory_space<vmem>>, %arg13: memref<128xi32, #tpu.memory_space<vmem>>, %arg14: memref<128x64xf32, #tpu.memory_space<vmem>>, %arg15: memref<128x64xf32, #tpu.memory_space<vmem>>, %arg16: memref<128x64xf32, #tpu.memory_space<vmem>>, %arg17: memref<128x64xf32, #tpu.memory_space<vmem>>, %arg18: memref<10112x64xf32, #tpu.memory_space<vmem_shared>>, %arg19: memref<!tpu.dma_semaphore, #tpu.memory_space<semaphore_mem>>, %arg20: memref<!tpu.dma_semaphore, #tpu.memory_space<semaphore_mem>>, %arg21: memref<!tpu.dma_semaphore, #tpu.memory_space<semaphore_mem>>, %arg22: memref<!tpu.dma_semaphore, #tpu.memory_space<semaphore_mem>>, %arg23: memref<!tpu.dma_semaphore, #tpu.memory_space<semaphore_mem>>, %arg24: memref<!tpu.dma_semaphore, #tpu.memory_space<semaphore_mem>>, %arg25: memref<!tpu.dma_semaphore, #tpu.memory_space<semaphore_mem>>, %arg26: memref<!tpu.dma_semaphore, #tpu.memory_space<semaphore_mem>>, %arg27: memref<!tpu.dma_semaphore, #tpu.memory_space<semaphore_mem>>, %arg28: memref<!tpu.dma_semaphore, #tpu.memory_space<semaphore_mem>>, %arg29: memref<!tpu.dma_semaphore, #tpu.memory_space<semaphore_mem>>, %arg30: memref<!tpu.dma_semaphore, #tpu.memory_space<semaphore_mem>>, %arg31: memref<!tpu.dma_semaphore, #tpu.memory_space<semaphore_mem>>, %arg32: memref<!tpu.dma_semaphore, #tpu.memory_space<semaphore_mem>>, %arg33: memref<!tpu.dma_semaphore, #tpu.memory_space<semaphore_mem>>, %arg34: memref<!tpu.dma_semaphore, #tpu.memory_space<semaphore_mem>>) attributes {dimension_semantics = [#tpu.dimension_semantics<core_parallel>, #tpu.dimension_semantics<subcore_parallel>], iteration_bounds = array<i64: 2, 16>, scalar_prefetch = 0 : i64, scratch_operands = 29 : i64, tpu.core_type = #tpu.core_type<sc_vector_subcore>, window_params = [{transform_indices = #map}, {transform_indices = #map1}, {transform_indices = #map1}, {transform_indices = #map2}]} {
    %mul3A = arith.constant 16 : i32
    %mul3A_0 = arith.muli %arg0, %mul3A : i32
    %add3A = arith.addi %mul3A_0, %arg1 : i32
    %mul3A_1 = arith.constant 632 : i32
    %mul3A_2 = arith.muli %arg1, %mul3A_1 : i32
    %sub3A = arith.constant 2500 : i32
    %sub3A_3 = arith.subi %sub3A, %add3A : i32
    %add3A_4 = arith.constant 32 : i32
    %add3A_5 = arith.addi %sub3A_3, %add3A_4 : i32
    %sub3A_6 = arith.constant 1 : i32
    %sub3A_7 = arith.subi %add3A_5, %sub3A_6 : i32
    %jit3A = arith.constant 32 : i32
    %div3A = arith.divsi %sub3A_7, %jit3A : i32
    %sign3A = arith.constant 0 : i32
    %sign3A_8 = arith.cmpi sgt, %sub3A_7, %sign3A : i32
    %sign3A_9 = arith.extui %sign3A_8 : i1 to i32
    %sign3A_10 = arith.constant 0 : i32
    %sign3A_11 = arith.cmpi slt, %sub3A_7, %sign3A_10 : i32
    %sign3A_12 = arith.extui %sign3A_11 : i1 to i32
    %sign3A_13 = arith.subi %sign3A_9, %sign3A_12 : i32
    %sign3A_14 = arith.constant 0 : i32
    %sign3A_15 = arith.cmpi sgt, %jit3A, %sign3A_14 : i32
    %sign3A_16 = arith.extui %sign3A_15 : i1 to i32
    %sign3A_17 = arith.constant 0 : i32
    %sign3A_18 = arith.cmpi slt, %jit3A, %sign3A_17 : i32
    %sign3A_19 = arith.extui %sign3A_18 : i1 to i32
    %sign3A_20 = arith.subi %sign3A_16, %sign3A_19 : i32
    %ne3A = arith.cmpi ne, %sign3A_13, %sign3A_20 : i32
    %rem3A = arith.remsi %sub3A_7, %jit3A : i32
    %ne3A_21 = arith.constant 0 : i32
    %ne3A_22 = arith.cmpi ne, %rem3A, %ne3A_21 : i32
    %and3A = arith.andi %ne3A, %ne3A_22 : i1
    %sub3A_23 = arith.constant 1 : i32
    %sub3A_24 = arith.subi %div3A, %sub3A_23 : i32
    %select_n3A = arith.select %and3A, %sub3A_24, %div3A : i32
    %broadcast_in_dim3A = arith.constant 0.000000e+00 : f32
    %broadcast_in_dim3A_25 = vector.broadcast %broadcast_in_dim3A : f32 to vector<16xf32>
    %scan3A = arith.constant 0 : i32
    %scan3A_26 = arith.constant 0 : i32
    %scan3A_27 = arith.constant 128 : i32
    %scan3A_28 = arith.addi %scan3A_26, %scan3A_27 : i32
    %scan3A_29 = arith.constant 1 : i32
    %scan3A_30 = scf.for %scan3A_82 = %scan3A_26 to %scan3A_28 step %scan3A_29 iter_args(%scan3A_83 = %scan3A) -> (i32)  : i32 {
      %swap3A = arith.index_cast %scan3A_82 : i32 to index
      %swap3A_84 = arith.constant 0 : index
      %swap3A_85 = tpu.vector_load %arg14[%swap3A, %swap3A_84] {strides = array<i32>} : memref<128x64xf32, #tpu.memory_space<vmem>>, vector<1x16xf32>,
      %swap3A_86 = vector.shape_cast %swap3A_85 : vector<1x16xf32> to vector<16xf32>
      %swap3A_87 = vector.shape_cast %broadcast_in_dim3A_25 : vector<16xf32> to vector<1x16xf32>
      tpu.vector_store %arg14[%swap3A, %swap3A_84], %swap3A_87 {strides = array<i32>} : memref<128x64xf32, #tpu.memory_space<vmem>>, vector<1x16xf32>,
      %swap3A_88 = arith.index_cast %scan3A_82 : i32 to index
      %swap3A_89 = arith.constant 16 : index
      %swap3A_90 = tpu.vector_load %arg14[%swap3A_88, %swap3A_89] {strides = array<i32>} : memref<128x64xf32, #tpu.memory_space<vmem>>, vector<1x16xf32>,
      %swap3A_91 = vector.shape_cast %swap3A_90 : vector<1x16xf32> to vector<16xf32>
      %swap3A_92 = vector.shape_cast %broadcast_in_dim3A_25 : vector<16xf32> to vector<1x16xf32>
      tpu.vector_store %arg14[%swap3A_88, %swap3A_89], %swap3A_92 {strides = array<i32>} : memref<128x64xf32, #tpu.memory_space<vmem>>, vector<1x16xf32>,
      %swap3A_93 = arith.index_cast %scan3A_82 : i32 to index
      %swap3A_94 = arith.constant 32 : index
      %swap3A_95 = tpu.vector_load %arg14[%swap3A_93, %swap3A_94] {strides = array<i32>} : memref<128x64xf32, #tpu.memory_space<vmem>>, vector<1x16xf32>,
      %swap3A_96 = vector.shape_cast %swap3A_95 : vector<1x16xf32> to vector<16xf32>
      %swap3A_97 = vector.shape_cast %broadcast_in_dim3A_25 : vector<16xf32> to vector<1x16xf32>
      tpu.vector_store %arg14[%swap3A_93, %swap3A_94], %swap3A_97 {strides = array<i32>} : memref<128x64xf32, #tpu.memory_space<vmem>>, vector<1x16xf32>,
      %swap3A_98 = arith.index_cast %scan3A_82 : i32 to index
      %swap3A_99 = arith.constant 48 : index
      %swap3A_100 = tpu.vector_load %arg14[%swap3A_98, %swap3A_99] {strides = array<i32>} : memref<128x64xf32, #tpu.memory_space<vmem>>, vector<1x16xf32>,
      %swap3A_101 = vector.shape_cast %swap3A_100 : vector<1x16xf32> to vector<16xf32>
      %swap3A_102 = vector.shape_cast %broadcast_in_dim3A_25 : vector<16xf32> to vector<1x16xf32>
      tpu.vector_store %arg14[%swap3A_98, %swap3A_99], %swap3A_102 {strides = array<i32>} : memref<128x64xf32, #tpu.memory_space<vmem>>, vector<1x16xf32>,
      %scan3A_103 = arith.constant 0 : i32
      scf.yield %scan3A_103 : i32
    }
    %scan3A_31 = arith.constant 128 : i32
    %add3A_32 = arith.constant 0 : i32
    %add3A_33 = arith.addi %mul3A_2, %add3A_32 : i32
    "tpu.region"() ({
      %run_scoped3A = tpu.sem_alloc : memref<!tpu.dma_semaphore, #tpu.memory_space<semaphore_mem>>
      %dma_start3A = arith.constant 0 : i32
      %dma_start3A_82 = tpu.memref_slice %arg18[%add3A_33, %dma_start3A] : memref<10112x64xf32, #tpu.memory_space<vmem_shared>> -> memref<128x64xf32, #tpu.memory_space<vmem_shared>>
      %dma_start3A_83 = arith.constant 0 : i32
      %dma_start3A_84 = tpu.memref_slice %arg18[%add3A_33, %dma_start3A_83] : memref<10112x64xf32, #tpu.memory_space<vmem_shared>> -> memref<128x64xf32, #tpu.memory_space<vmem_shared>>
      tpu.enqueue_dma source(%arg14 : memref<128x64xf32, #tpu.memory_space<vmem>>) target(%dma_start3A_84 : memref<128x64xf32, #tpu.memory_space<vmem_shared>>) target_semaphore(%run_scoped3A : memref<!tpu.dma_semaphore, #tpu.memory_space<semaphore_mem>>)
      %dma_wait3A = arith.constant 0 : i32
      %dma_wait3A_85 = tpu.memref_slice %arg18[%add3A_33, %dma_wait3A] : memref<10112x64xf32, #tpu.memory_space<vmem_shared>> -> memref<128x64xf32, #tpu.memory_space<vmem_shared>>
      %dma_wait3A_86 = arith.constant 0 : i32
      %dma_wait3A_87 = tpu.memref_slice %arg18[%add3A_33, %dma_wait3A_86] : memref<10112x64xf32, #tpu.memory_space<vmem_shared>> -> memref<128x64xf32, #tpu.memory_space<vmem_shared>>
      tpu.wait_dma2 semaphore(%run_scoped3A : memref<!tpu.dma_semaphore, #tpu.memory_space<semaphore_mem>>) src(%arg14 : memref<128x64xf32, #tpu.memory_space<vmem>>) dst(%dma_wait3A_87 : memref<128x64xf32, #tpu.memory_space<vmem_shared>>)
      tpu.yield
    }) : () -> ()
    %add3A_34 = arith.constant 128 : i32
    %add3A_35 = arith.addi %mul3A_2, %add3A_34 : i32
    "tpu.region"() ({
      %run_scoped3A = tpu.sem_alloc : memref<!tpu.dma_semaphore, #tpu.memory_space<semaphore_mem>>
      %dma_start3A = arith.constant 0 : i32
      %dma_start3A_82 = tpu.memref_slice %arg18[%add3A_35, %dma_start3A] : memref<10112x64xf32, #tpu.memory_space<vmem_shared>> -> memref<128x64xf32, #tpu.memory_space<vmem_shared>>
      %dma_start3A_83 = arith.constant 0 : i32
      %dma_start3A_84 = tpu.memref_slice %arg18[%add3A_35, %dma_start3A_83] : memref<10112x64xf32, #tpu.memory_space<vmem_shared>> -> memref<128x64xf32, #tpu.memory_space<vmem_shared>>
      tpu.enqueue_dma source(%arg14 : memref<128x64xf32, #tpu.memory_space<vmem>>) target(%dma_start3A_84 : memref<128x64xf32, #tpu.memory_space<vmem_shared>>) target_semaphore(%run_scoped3A : memref<!tpu.dma_semaphore, #tpu.memory_space<semaphore_mem>>)
      %dma_wait3A = arith.constant 0 : i32
      %dma_wait3A_85 = tpu.memref_slice %arg18[%add3A_35, %dma_wait3A] : memref<10112x64xf32, #tpu.memory_space<vmem_shared>> -> memref<128x64xf32, #tpu.memory_space<vmem_shared>>
      %dma_wait3A_86 = arith.constant 0 : i32
      %dma_wait3A_87 = tpu.memref_slice %arg18[%add3A_35, %dma_wait3A_86] : memref<10112x64xf32, #tpu.memory_space<vmem_shared>> -> memref<128x64xf32, #tpu.memory_space<vmem_shared>>
      tpu.wait_dma2 semaphore(%run_scoped3A : memref<!tpu.dma_semaphore, #tpu.memory_space<semaphore_mem>>) src(%arg14 : memref<128x64xf32, #tpu.memory_space<vmem>>) dst(%dma_wait3A_87 : memref<128x64xf32, #tpu.memory_space<vmem_shared>>)
      tpu.yield
    }) : () -> ()
    %add3A_36 = arith.constant 256 : i32
    %add3A_37 = arith.addi %mul3A_2, %add3A_36 : i32
    "tpu.region"() ({
      %run_scoped3A = tpu.sem_alloc : memref<!tpu.dma_semaphore, #tpu.memory_space<semaphore_mem>>
      %dma_start3A = arith.constant 0 : i32
      %dma_start3A_82 = tpu.memref_slice %arg18[%add3A_37, %dma_start3A] : memref<10112x64xf32, #tpu.memory_space<vmem_shared>> -> memref<128x64xf32, #tpu.memory_space<vmem_shared>>
      %dma_start3A_83 = arith.constant 0 : i32
      %dma_start3A_84 = tpu.memref_slice %arg18[%add3A_37, %dma_start3A_83] : memref<10112x64xf32, #tpu.memory_space<vmem_shared>> -> memref<128x64xf32, #tpu.memory_space<vmem_shared>>
      tpu.enqueue_dma source(%arg14 : memref<128x64xf32, #tpu.memory_space<vmem>>) target(%dma_start3A_84 : memref<128x64xf32, #tpu.memory_space<vmem_shared>>) target_semaphore(%run_scoped3A : memref<!tpu.dma_semaphore, #tpu.memory_space<semaphore_mem>>)
      %dma_wait3A = arith.constant 0 : i32
      %dma_wait3A_85 = tpu.memref_slice %arg18[%add3A_37, %dma_wait3A] : memref<10112x64xf32, #tpu.memory_space<vmem_shared>> -> memref<128x64xf32, #tpu.memory_space<vmem_shared>>
      %dma_wait3A_86 = arith.constant 0 : i32
      %dma_wait3A_87 = tpu.memref_slice %arg18[%add3A_37, %dma_wait3A_86] : memref<10112x64xf32, #tpu.memory_space<vmem_shared>> -> memref<128x64xf32, #tpu.memory_space<vmem_shared>>
      tpu.wait_dma2 semaphore(%run_scoped3A : memref<!tpu.dma_semaphore, #tpu.memory_space<semaphore_mem>>) src(%arg14 : memref<128x64xf32, #tpu.memory_space<vmem>>) dst(%dma_wait3A_87 : memref<128x64xf32, #tpu.memory_space<vmem_shared>>)
      tpu.yield
    }) : () -> ()
    %add3A_38 = arith.constant 384 : i32
    %add3A_39 = arith.addi %mul3A_2, %add3A_38 : i32
    "tpu.region"() ({
      %run_scoped3A = tpu.sem_alloc : memref<!tpu.dma_semaphore, #tpu.memory_space<semaphore_mem>>
      %dma_start3A = arith.constant 0 : i32
      %dma_start3A_82 = tpu.memref_slice %arg18[%add3A_39, %dma_start3A] : memref<10112x64xf32, #tpu.memory_space<vmem_shared>> -> memref<128x64xf32, #tpu.memory_space<vmem_shared>>
      %dma_start3A_83 = arith.constant 0 : i32
      %dma_start3A_84 = tpu.memref_slice %arg18[%add3A_39, %dma_start3A_83] : memref<10112x64xf32, #tpu.memory_space<vmem_shared>> -> memref<128x64xf32, #tpu.memory_space<vmem_shared>>
      tpu.enqueue_dma source(%arg14 : memref<128x64xf32, #tpu.memory_space<vmem>>) target(%dma_start3A_84 : memref<128x64xf32, #tpu.memory_space<vmem_shared>>) target_semaphore(%run_scoped3A : memref<!tpu.dma_semaphore, #tpu.memory_space<semaphore_mem>>)
      %dma_wait3A = arith.constant 0 : i32
      %dma_wait3A_85 = tpu.memref_slice %arg18[%add3A_39, %dma_wait3A] : memref<10112x64xf32, #tpu.memory_space<vmem_shared>> -> memref<128x64xf32, #tpu.memory_space<vmem_shared>>
      %dma_wait3A_86 = arith.constant 0 : i32
      %dma_wait3A_87 = tpu.memref_slice %arg18[%add3A_39, %dma_wait3A_86] : memref<10112x64xf32, #tpu.memory_space<vmem_shared>> -> memref<128x64xf32, #tpu.memory_space<vmem_shared>>
      tpu.wait_dma2 semaphore(%run_scoped3A : memref<!tpu.dma_semaphore, #tpu.memory_space<semaphore_mem>>) src(%arg14 : memref<128x64xf32, #tpu.memory_space<vmem>>) dst(%dma_wait3A_87 : memref<128x64xf32, #tpu.memory_space<vmem_shared>>)
      tpu.yield
    }) : () -> ()
    %add3A_40 = arith.constant 512 : i32
    %add3A_41 = arith.addi %mul3A_2, %add3A_40 : i32
    "tpu.region"() ({
      %run_scoped3A = tpu.sem_alloc : memref<!tpu.dma_semaphore, #tpu.memory_space<semaphore_mem>>
      %dma_start3A = arith.constant 0 : i32
      %dma_start3A_82 = arith.constant 0 : i32
      %dma_start3A_83 = tpu.memref_slice %arg14[%dma_start3A, %dma_start3A_82] : memref<128x64xf32, #tpu.memory_space<vmem>> -> memref<120x64xf32, #tpu.memory_space<vmem>>
      %dma_start3A_84 = arith.constant 0 : i32
      %dma_start3A_85 = tpu.memref_slice %arg18[%add3A_41, %dma_start3A_84] : memref<10112x64xf32, #tpu.memory_space<vmem_shared>> -> memref<120x64xf32, #tpu.memory_space<vmem_shared>>
      %dma_start3A_86 = arith.constant 0 : i32
      %dma_start3A_87 = tpu.memref_slice %arg18[%add3A_41, %dma_start3A_86] : memref<10112x64xf32, #tpu.memory_space<vmem_shared>> -> memref<120x64xf32, #tpu.memory_space<vmem_shared>>
      %dma_start3A_88 = arith.constant 0 : i32
      %dma_start3A_89 = arith.constant 0 : i32
      %dma_start3A_90 = tpu.memref_slice %arg14[%dma_start3A_88, %dma_start3A_89] : memref<128x64xf32, #tpu.memory_space<vmem>> -> memref<120x64xf32, #tpu.memory_space<vmem>>
      tpu.enqueue_dma source(%dma_start3A_90 : memref<120x64xf32, #tpu.memory_space<vmem>>) target(%dma_start3A_87 : memref<120x64xf32, #tpu.memory_space<vmem_shared>>) target_semaphore(%run_scoped3A : memref<!tpu.dma_semaphore, #tpu.memory_space<semaphore_mem>>)
      %dma_wait3A = arith.constant 0 : i32
      %dma_wait3A_91 = arith.constant 0 : i32
      %dma_wait3A_92 = tpu.memref_slice %arg14[%dma_wait3A, %dma_wait3A_91] : memref<128x64xf32, #tpu.memory_space<vmem>> -> memref<120x64xf32, #tpu.memory_space<vmem>>
      %dma_wait3A_93 = arith.constant 0 : i32
      %dma_wait3A_94 = tpu.memref_slice %arg18[%add3A_41, %dma_wait3A_93] : memref<10112x64xf32, #tpu.memory_space<vmem_shared>> -> memref<120x64xf32, #tpu.memory_space<vmem_shared>>
      %dma_wait3A_95 = arith.constant 0 : i32
      %dma_wait3A_96 = tpu.memref_slice %arg18[%add3A_41, %dma_wait3A_95] : memref<10112x64xf32, #tpu.memory_space<vmem_shared>> -> memref<120x64xf32, #tpu.memory_space<vmem_shared>>
      %dma_wait3A_97 = arith.constant 0 : i32
      %dma_wait3A_98 = arith.constant 0 : i32
      %dma_wait3A_99 = tpu.memref_slice %arg14[%dma_wait3A_97, %dma_wait3A_98] : memref<128x64xf32, #tpu.memory_space<vmem>> -> memref<120x64xf32, #tpu.memory_space<vmem>>
      tpu.wait_dma2 semaphore(%run_scoped3A : memref<!tpu.dma_semaphore, #tpu.memory_space<semaphore_mem>>) src(%dma_wait3A_99 : memref<120x64xf32, #tpu.memory_space<vmem>>) dst(%dma_wait3A_96 : memref<120x64xf32, #tpu.memory_space<vmem_shared>>)
      tpu.yield
    }) : () -> ()
    %barrier3A = arith.constant 0 : index
    tpu.barrier barrier_id(%barrier3A)
    %add3A_42 = arith.constant 8 : i32
    %add3A_43 = arith.addi %select_n3A, %add3A_42 : i32
    %sub3A_44 = arith.constant 1 : i32
    %sub3A_45 = arith.subi %add3A_43, %sub3A_44 : i32
    %jit3A_46 = arith.constant 4 : i32
    %div3A_47 = arith.divsi %sub3A_45, %jit3A_46 : i32
    %sign3A_48 = arith.constant 0 : i32
    %sign3A_49 = arith.cmpi sgt, %sub3A_45, %sign3A_48 : i32
    %sign3A_50 = arith.extui %sign3A_49 : i1 to i32
    %sign3A_51 = arith.constant 0 : i32
    %sign3A_52 = arith.cmpi slt, %sub3A_45, %sign3A_51 : i32
    %sign3A_53 = arith.extui %sign3A_52 : i1 to i32
    %sign3A_54 = arith.subi %sign3A_50, %sign3A_53 : i32
    %sign3A_55 = arith.constant 0 : i32
    %sign3A_56 = arith.cmpi sgt, %jit3A_46, %sign3A_55 : i32
    %sign3A_57 = arith.extui %sign3A_56 : i1 to i32
    %sign3A_58 = arith.constant 0 : i32
    %sign3A_59 = arith.cmpi slt, %jit3A_46, %sign3A_58 : i32
    %sign3A_60 = arith.extui %sign3A_59 : i1 to i32
    %sign3A_61 = arith.subi %sign3A_57, %sign3A_60 : i32
    %ne3A_62 = arith.cmpi ne, %sign3A_54, %sign3A_61 : i32
    %rem3A_63 = arith.remsi %sub3A_45, %jit3A_46 : i32
    %ne3A_64 = arith.constant 0 : i32
    %ne3A_65 = arith.cmpi ne, %rem3A_63, %ne3A_64 : i32
    %and3A_66 = arith.andi %ne3A_62, %ne3A_65 : i1
    %sub3A_67 = arith.constant 1 : i32
    %sub3A_68 = arith.subi %div3A_47, %sub3A_67 : i32
    %select_n3A_69 = arith.select %and3A_66, %sub3A_68, %div3A_47 : i32
    %while3A = arith.constant 0 : i32
    %while3A_70 = arith.constant 0 : i32
    %while3A_71 = arith.subi %select_n3A_69, %while3A : i32
    %while3A_72 = arith.addi %while3A, %while3A_71 : i32
    %while3A_73 = arith.constant 1 : i32
    %while3A_74 = arith.divsi %while3A_71, %while3A_73 : i32
    %while3A_75 = arith.muli %while3A_74, %while3A_73 : i32
    %while3A_76 = arith.addi %while3A, %while3A_75 : i32
    %while3A_77 = arith.constant 1 : i32
    %while3A_78 = scf.for %while3A_82 = %while3A to %while3A_76 step %while3A_77 iter_args(%while3A_83 = %while3A_70) -> (i32)  : i32 {
      %mul3A_84 = arith.constant 4 : i32
      %mul3A_85 = arith.muli %while3A_82, %mul3A_84 : i32
      %add3A_86 = arith.constant 0 : i32
      %add3A_87 = arith.addi %mul3A_85, %add3A_86 : i32
      %ge3A = arith.constant 4 : i32
      %ge3A_88 = arith.cmpi sge, %add3A_87, %ge3A : i32
      %sub3A_89 = arith.constant 4 : i32
      %sub3A_90 = arith.subi %add3A_87, %sub3A_89 : i32
      %lt3A = arith.cmpi slt, %sub3A_90, %select_n3A : i32
      %and3A_91 = arith.andi %ge3A_88, %lt3A : i1
      %convert_element_type3A = arith.extui %and3A_91 : i1 to i32
      %cond3A = arith.constant 0 : i32
      %cond3A_92 = arith.cmpi ne, %convert_element_type3A, %cond3A : i32
      scf.if %cond3A_92 {
        %dma_wait3A = arith.constant 0 : i32
        %dma_wait3A_221 = arith.constant 0 : i32
        %dma_wait3A_222 = tpu.memref_slice %arg18[%dma_wait3A, %dma_wait3A_221] : memref<10112x64xf32, #tpu.memory_space<vmem_shared>> -> memref<10112x64xf32, #tpu.memory_space<vmem_shared>>
        tpu.wait_indirect_dma semaphore(%arg31 : memref<!tpu.dma_semaphore, #tpu.memory_space<semaphore_mem>>) src(%arg14 : memref<128x64xf32, #tpu.memory_space<vmem>>) dst(%dma_wait3A_222 : memref<10112x64xf32, #tpu.memory_space<vmem_shared>>)
      } else {
      }
      %lt3A_93 = arith.cmpi slt, %add3A_87, %select_n3A : i32
      %convert_element_type3A_94 = arith.extui %lt3A_93 : i1 to i32
      %cond3A_95 = arith.constant 0 : i32
      %cond3A_96 = arith.cmpi ne, %convert_element_type3A_94, %cond3A_95 : i32
      scf.if %cond3A_96 {
        %mul3A_221 = arith.constant 32 : i32
        %mul3A_222 = arith.muli %add3A_87, %mul3A_221 : i32
        %add3A_223 = arith.addi %mul3A_222, %add3A : i32
        %mul3A_224 = arith.constant 128 : i32
        %mul3A_225 = arith.muli %add3A_223, %mul3A_224 : i32
        %dma_start3A = tpu.memref_slice %arg3[%mul3A_225] : memref<320000xi32, #tpu.memory_space<hbm>> -> memref<128xi32, #tpu.memory_space<hbm>>
        %dma_start3A_226 = tpu.memref_slice %arg3[%mul3A_225] : memref<320000xi32, #tpu.memory_space<hbm>> -> memref<128xi32, #tpu.memory_space<hbm>>
        tpu.enqueue_dma source(%dma_start3A_226 : memref<128xi32, #tpu.memory_space<hbm>>) target(%arg6 : memref<128xi32, #tpu.memory_space<vmem>>) target_semaphore(%arg19 : memref<!tpu.dma_semaphore, #tpu.memory_space<semaphore_mem>>)
        %mul3A_227 = arith.constant 128 : i32
        %mul3A_228 = arith.muli %add3A_223, %mul3A_227 : i32
        %dma_start3A_229 = tpu.memref_slice %arg4[%mul3A_228] : memref<320000xi32, #tpu.memory_space<hbm>> -> memref<128xi32, #tpu.memory_space<hbm>>
        %dma_start3A_230 = tpu.memref_slice %arg4[%mul3A_228] : memref<320000xi32, #tpu.memory_space<hbm>> -> memref<128xi32, #tpu.memory_space<hbm>>
        tpu.enqueue_dma source(%dma_start3A_230 : memref<128xi32, #tpu.memory_space<hbm>>) target(%arg10 : memref<128xi32, #tpu.memory_space<vmem>>) target_semaphore(%arg23 : memref<!tpu.dma_semaphore, #tpu.memory_space<semaphore_mem>>)
      } else {
      }
      %sub3A_97 = arith.constant 1 : i32
      %sub3A_98 = arith.subi %add3A_87, %sub3A_97 : i32
      %ge3A_99 = arith.constant 0 : i32
      %ge3A_100 = arith.cmpi sge, %sub3A_98, %ge3A_99 : i32
      %lt3A_101 = arith.cmpi slt, %sub3A_98, %select_n3A : i32
      %and3A_102 = arith.andi %ge3A_100, %lt3A_101 : i1
      %convert_element_type3A_103 = arith.extui %and3A_102 : i1 to i32
      %cond3A_104 = arith.constant 0 : i32
      %cond3A_105 = arith.cmpi ne, %convert_element_type3A_103, %cond3A_104 : i32
      scf.if %cond3A_105 {
        %dma_wait3A = arith.constant 0 : i32
        %dma_wait3A_221 = tpu.memref_slice %arg3[%dma_wait3A] : memref<320000xi32, #tpu.memory_space<hbm>> -> memref<128xi32, #tpu.memory_space<hbm>>
        %dma_wait3A_222 = arith.constant 0 : i32
        %dma_wait3A_223 = tpu.memref_slice %arg3[%dma_wait3A_222] : memref<320000xi32, #tpu.memory_space<hbm>> -> memref<128xi32, #tpu.memory_space<hbm>>
        tpu.wait_dma2 semaphore(%arg22 : memref<!tpu.dma_semaphore, #tpu.memory_space<semaphore_mem>>) src(%dma_wait3A_223 : memref<128xi32, #tpu.memory_space<hbm>>) dst(%arg9 : memref<128xi32, #tpu.memory_space<vmem>>)
        %dma_start3A = arith.constant 0 : i32
        %dma_start3A_224 = arith.constant 0 : i32
        %dma_start3A_225 = tpu.memref_slice %arg2[%dma_start3A, %dma_start3A_224] : memref<10000x64xf32, #tpu.memory_space<hbm>> -> memref<10000x64xf32, #tpu.memory_space<hbm>>
        tpu.enqueue_indirect_dma source(%dma_start3A_225 : memref<10000x64xf32, #tpu.memory_space<hbm>>) target(%arg17 : memref<128x64xf32, #tpu.memory_space<vmem>>) offsets(%arg9 : memref<128xi32, #tpu.memory_space<vmem>>) semaphore(%arg30 : memref<!tpu.dma_semaphore, #tpu.memory_space<semaphore_mem>>)
      } else {
      }
      %sub3A_106 = arith.constant 2 : i32
      %sub3A_107 = arith.subi %add3A_87, %sub3A_106 : i32
      %ge3A_108 = arith.constant 0 : i32
      %ge3A_109 = arith.cmpi sge, %sub3A_107, %ge3A_108 : i32
      %lt3A_110 = arith.cmpi slt, %sub3A_107, %select_n3A : i32
      %and3A_111 = arith.andi %ge3A_109, %lt3A_110 : i1
      %convert_element_type3A_112 = arith.extui %and3A_111 : i1 to i32
      %cond3A_113 = arith.constant 0 : i32
      %cond3A_114 = arith.cmpi ne, %convert_element_type3A_112, %cond3A_113 : i32
      scf.if %cond3A_114 {
        %dma_wait3A = arith.constant 0 : i32
        %dma_wait3A_221 = tpu.memref_slice %arg4[%dma_wait3A] : memref<320000xi32, #tpu.memory_space<hbm>> -> memref<128xi32, #tpu.memory_space<hbm>>
        %dma_wait3A_222 = arith.constant 0 : i32
        %dma_wait3A_223 = tpu.memref_slice %arg4[%dma_wait3A_222] : memref<320000xi32, #tpu.memory_space<hbm>> -> memref<128xi32, #tpu.memory_space<hbm>>
        tpu.wait_dma2 semaphore(%arg25 : memref<!tpu.dma_semaphore, #tpu.memory_space<semaphore_mem>>) src(%dma_wait3A_223 : memref<128xi32, #tpu.memory_space<hbm>>) dst(%arg12 : memref<128xi32, #tpu.memory_space<vmem>>)
        %dma_wait3A_224 = arith.constant 0 : i32
        %dma_wait3A_225 = arith.constant 0 : i32
        %dma_wait3A_226 = tpu.memref_slice %arg2[%dma_wait3A_224, %dma_wait3A_225] : memref<10000x64xf32, #tpu.memory_space<hbm>> -> memref<10000x64xf32, #tpu.memory_space<hbm>>
        tpu.wait_indirect_dma semaphore(%arg29 : memref<!tpu.dma_semaphore, #tpu.memory_space<semaphore_mem>>) src(%dma_wait3A_226 : memref<10000x64xf32, #tpu.memory_space<hbm>>) dst(%arg16 : memref<128x64xf32, #tpu.memory_space<vmem>>)
        %dma_start3A = arith.constant 0 : i32
        %dma_start3A_227 = arith.constant 0 : i32
        %dma_start3A_228 = tpu.memref_slice %arg18[%dma_start3A, %dma_start3A_227] : memref<10112x64xf32, #tpu.memory_space<vmem_shared>> -> memref<10112x64xf32, #tpu.memory_space<vmem_shared>>
        tpu.enqueue_indirect_dma source(%arg16 : memref<128x64xf32, #tpu.memory_space<vmem>>) target(%dma_start3A_228 : memref<10112x64xf32, #tpu.memory_space<vmem_shared>>) offsets(%arg12 : memref<128xi32, #tpu.memory_space<vmem>>) semaphore(%arg33 : memref<!tpu.dma_semaphore, #tpu.memory_space<semaphore_mem>>) {add = true}
      } else {
      }
      %mul3A_115 = arith.constant 4 : i32
      %mul3A_116 = arith.muli %while3A_82, %mul3A_115 : i32
      %add3A_117 = arith.constant 1 : i32
      %add3A_118 = arith.addi %mul3A_116, %add3A_117 : i32
      %ge3A_119 = arith.constant 4 : i32
      %ge3A_120 = arith.cmpi sge, %add3A_118, %ge3A_119 : i32
      %sub3A_121 = arith.constant 4 : i32
      %sub3A_122 = arith.subi %add3A_118, %sub3A_121 : i32
      %lt3A_123 = arith.cmpi slt, %sub3A_122, %select_n3A : i32
      %and3A_124 = arith.andi %ge3A_120, %lt3A_123 : i1
      %convert_element_type3A_125 = arith.extui %and3A_124 : i1 to i32
      %cond3A_126 = arith.constant 0 : i32
      %cond3A_127 = arith.cmpi ne, %convert_element_type3A_125, %cond3A_126 : i32
      scf.if %cond3A_127 {
        %dma_wait3A = arith.constant 0 : i32
        %dma_wait3A_221 = arith.constant 0 : i32
        %dma_wait3A_222 = tpu.memref_slice %arg18[%dma_wait3A, %dma_wait3A_221] : memref<10112x64xf32, #tpu.memory_space<vmem_shared>> -> memref<10112x64xf32, #tpu.memory_space<vmem_shared>>
        tpu.wait_indirect_dma semaphore(%arg32 : memref<!tpu.dma_semaphore, #tpu.memory_space<semaphore_mem>>) src(%arg15 : memref<128x64xf32, #tpu.memory_space<vmem>>) dst(%dma_wait3A_222 : memref<10112x64xf32, #tpu.memory_space<vmem_shared>>)
      } else {
      }
      %lt3A_128 = arith.cmpi slt, %add3A_118, %select_n3A : i32
      %convert_element_type3A_129 = arith.extui %lt3A_128 : i1 to i32
      %cond3A_130 = arith.constant 0 : i32
      %cond3A_131 = arith.cmpi ne, %convert_element_type3A_129, %cond3A_130 : i32
      scf.if %cond3A_131 {
        %mul3A_221 = arith.constant 32 : i32
        %mul3A_222 = arith.muli %add3A_118, %mul3A_221 : i32
        %add3A_223 = arith.addi %mul3A_222, %add3A : i32
        %mul3A_224 = arith.constant 128 : i32
        %mul3A_225 = arith.muli %add3A_223, %mul3A_224 : i32
        %dma_start3A = tpu.memref_slice %arg3[%mul3A_225] : memref<320000xi32, #tpu.memory_space<hbm>> -> memref<128xi32, #tpu.memory_space<hbm>>
        %dma_start3A_226 = tpu.memref_slice %arg3[%mul3A_225] : memref<320000xi32, #tpu.memory_space<hbm>> -> memref<128xi32, #tpu.memory_space<hbm>>
        tpu.enqueue_dma source(%dma_start3A_226 : memref<128xi32, #tpu.memory_space<hbm>>) target(%arg7 : memref<128xi32, #tpu.memory_space<vmem>>) target_semaphore(%arg20 : memref<!tpu.dma_semaphore, #tpu.memory_space<semaphore_mem>>)
        %mul3A_227 = arith.constant 128 : i32
        %mul3A_228 = arith.muli %add3A_223, %mul3A_227 : i32
        %dma_start3A_229 = tpu.memref_slice %arg4[%mul3A_228] : memref<320000xi32, #tpu.memory_space<hbm>> -> memref<128xi32, #tpu.memory_space<hbm>>
        %dma_start3A_230 = tpu.memref_slice %arg4[%mul3A_228] : memref<320000xi32, #tpu.memory_space<hbm>> -> memref<128xi32, #tpu.memory_space<hbm>>
        tpu.enqueue_dma source(%dma_start3A_230 : memref<128xi32, #tpu.memory_space<hbm>>) target(%arg11 : memref<128xi32, #tpu.memory_space<vmem>>) target_semaphore(%arg24 : memref<!tpu.dma_semaphore, #tpu.memory_space<semaphore_mem>>)
      } else {
      }
      %sub3A_132 = arith.constant 1 : i32
      %sub3A_133 = arith.subi %add3A_118, %sub3A_132 : i32
      %ge3A_134 = arith.constant 0 : i32
      %ge3A_135 = arith.cmpi sge, %sub3A_133, %ge3A_134 : i32
      %lt3A_136 = arith.cmpi slt, %sub3A_133, %select_n3A : i32
      %and3A_137 = arith.andi %ge3A_135, %lt3A_136 : i1
      %convert_element_type3A_138 = arith.extui %and3A_137 : i1 to i32
      %cond3A_139 = arith.constant 0 : i32
      %cond3A_140 = arith.cmpi ne, %convert_element_type3A_138, %cond3A_139 : i32
      scf.if %cond3A_140 {
        %dma_wait3A = arith.constant 0 : i32
        %dma_wait3A_221 = tpu.memref_slice %arg3[%dma_wait3A] : memref<320000xi32, #tpu.memory_space<hbm>> -> memref<128xi32, #tpu.memory_space<hbm>>
        %dma_wait3A_222 = arith.constant 0 : i32
        %dma_wait3A_223 = tpu.memref_slice %arg3[%dma_wait3A_222] : memref<320000xi32, #tpu.memory_space<hbm>> -> memref<128xi32, #tpu.memory_space<hbm>>
        tpu.wait_dma2 semaphore(%arg19 : memref<!tpu.dma_semaphore, #tpu.memory_space<semaphore_mem>>) src(%dma_wait3A_223 : memref<128xi32, #tpu.memory_space<hbm>>) dst(%arg6 : memref<128xi32, #tpu.memory_space<vmem>>)
        %dma_start3A = arith.constant 0 : i32
        %dma_start3A_224 = arith.constant 0 : i32
        %dma_start3A_225 = tpu.memref_slice %arg2[%dma_start3A, %dma_start3A_224] : memref<10000x64xf32, #tpu.memory_space<hbm>> -> memref<10000x64xf32, #tpu.memory_space<hbm>>
        tpu.enqueue_indirect_dma source(%dma_start3A_225 : memref<10000x64xf32, #tpu.memory_space<hbm>>) target(%arg14 : memref<128x64xf32, #tpu.memory_space<vmem>>) offsets(%arg6 : memref<128xi32, #tpu.memory_space<vmem>>) semaphore(%arg27 : memref<!tpu.dma_semaphore, #tpu.memory_space<semaphore_mem>>)
      } else {
      }
      %sub3A_141 = arith.constant 2 : i32
      %sub3A_142 = arith.subi %add3A_118, %sub3A_141 : i32
      %ge3A_143 = arith.constant 0 : i32
      %ge3A_144 = arith.cmpi sge, %sub3A_142, %ge3A_143 : i32
      %lt3A_145 = arith.cmpi slt, %sub3A_142, %select_n3A : i32
      %and3A_146 = arith.andi %ge3A_144, %lt3A_145 : i1
      %convert_element_type3A_147 = arith.extui %and3A_146 : i1 to i32
      %cond3A_148 = arith.constant 0 : i32
      %cond3A_149 = arith.cmpi ne, %convert_element_type3A_147, %cond3A_148 : i32
      scf.if %cond3A_149 {
        %dma_wait3A = arith.constant 0 : i32
        %dma_wait3A_221 = tpu.memref_slice %arg4[%dma_wait3A] : memref<320000xi32, #tpu.memory_space<hbm>> -> memref<128xi32, #tpu.memory_space<hbm>>
        %dma_wait3A_222 = arith.constant 0 : i32
        %dma_wait3A_223 = tpu.memref_slice %arg4[%dma_wait3A_222] : memref<320000xi32, #tpu.memory_space<hbm>> -> memref<128xi32, #tpu.memory_space<hbm>>
        tpu.wait_dma2 semaphore(%arg26 : memref<!tpu.dma_semaphore, #tpu.memory_space<semaphore_mem>>) src(%dma_wait3A_223 : memref<128xi32, #tpu.memory_space<hbm>>) dst(%arg13 : memref<128xi32, #tpu.memory_space<vmem>>)
        %dma_wait3A_224 = arith.constant 0 : i32
        %dma_wait3A_225 = arith.constant 0 : i32
        %dma_wait3A_226 = tpu.memref_slice %arg2[%dma_wait3A_224, %dma_wait3A_225] : memref<10000x64xf32, #tpu.memory_space<hbm>> -> memref<10000x64xf32, #tpu.memory_space<hbm>>
        tpu.wait_indirect_dma semaphore(%arg30 : memref<!tpu.dma_semaphore, #tpu.memory_space<semaphore_mem>>) src(%dma_wait3A_226 : memref<10000x64xf32, #tpu.memory_space<hbm>>) dst(%arg17 : memref<128x64xf32, #tpu.memory_space<vmem>>)
        %dma_start3A = arith.constant 0 : i32
        %dma_start3A_227 = arith.constant 0 : i32
        %dma_start3A_228 = tpu.memref_slice %arg18[%dma_start3A, %dma_start3A_227] : memref<10112x64xf32, #tpu.memory_space<vmem_shared>> -> memref<10112x64xf32, #tpu.memory_space<vmem_shared>>
        tpu.enqueue_indirect_dma source(%arg17 : memref<128x64xf32, #tpu.memory_space<vmem>>) target(%dma_start3A_228 : memref<10112x64xf32, #tpu.memory_space<vmem_shared>>) offsets(%arg13 : memref<128xi32, #tpu.memory_space<vmem>>) semaphore(%arg34 : memref<!tpu.dma_semaphore, #tpu.memory_space<semaphore_mem>>) {add = true}
      } else {
      }
      %mul3A_150 = arith.constant 4 : i32
      %mul3A_151 = arith.muli %while3A_82, %mul3A_150 : i32
      %add3A_152 = arith.constant 2 : i32
      %add3A_153 = arith.addi %mul3A_151, %add3A_152 : i32
      %ge3A_154 = arith.constant 4 : i32
      %ge3A_155 = arith.cmpi sge, %add3A_153, %ge3A_154 : i32
      %sub3A_156 = arith.constant 4 : i32
      %sub3A_157 = arith.subi %add3A_153, %sub3A_156 : i32
      %lt3A_158 = arith.cmpi slt, %sub3A_157, %select_n3A : i32
      %and3A_159 = arith.andi %ge3A_155, %lt3A_158 : i1
      %convert_element_type3A_160 = arith.extui %and3A_159 : i1 to i32
      %cond3A_161 = arith.constant 0 : i32
      %cond3A_162 = arith.cmpi ne, %convert_element_type3A_160, %cond3A_161 : i32
      scf.if %cond3A_162 {
        %dma_wait3A = arith.constant 0 : i32
        %dma_wait3A_221 = arith.constant 0 : i32
        %dma_wait3A_222 = tpu.memref_slice %arg18[%dma_wait3A, %dma_wait3A_221] : memref<10112x64xf32, #tpu.memory_space<vmem_shared>> -> memref<10112x64xf32, #tpu.memory_space<vmem_shared>>
        tpu.wait_indirect_dma semaphore(%arg33 : memref<!tpu.dma_semaphore, #tpu.memory_space<semaphore_mem>>) src(%arg16 : memref<128x64xf32, #tpu.memory_space<vmem>>) dst(%dma_wait3A_222 : memref<10112x64xf32, #tpu.memory_space<vmem_shared>>)
      } else {
      }
      %lt3A_163 = arith.cmpi slt, %add3A_153, %select_n3A : i32
      %convert_element_type3A_164 = arith.extui %lt3A_163 : i1 to i32
      %cond3A_165 = arith.constant 0 : i32
      %cond3A_166 = arith.cmpi ne, %convert_element_type3A_164, %cond3A_165 : i32
      scf.if %cond3A_166 {
        %mul3A_221 = arith.constant 32 : i32
        %mul3A_222 = arith.muli %add3A_153, %mul3A_221 : i32
        %add3A_223 = arith.addi %mul3A_222, %add3A : i32
        %mul3A_224 = arith.constant 128 : i32
        %mul3A_225 = arith.muli %add3A_223, %mul3A_224 : i32
        %dma_start3A = tpu.memref_slice %arg3[%mul3A_225] : memref<320000xi32, #tpu.memory_space<hbm>> -> memref<128xi32, #tpu.memory_space<hbm>>
        %dma_start3A_226 = tpu.memref_slice %arg3[%mul3A_225] : memref<320000xi32, #tpu.memory_space<hbm>> -> memref<128xi32, #tpu.memory_space<hbm>>
        tpu.enqueue_dma source(%dma_start3A_226 : memref<128xi32, #tpu.memory_space<hbm>>) target(%arg8 : memref<128xi32, #tpu.memory_space<vmem>>) target_semaphore(%arg21 : memref<!tpu.dma_semaphore, #tpu.memory_space<semaphore_mem>>)
        %mul3A_227 = arith.constant 128 : i32
        %mul3A_228 = arith.muli %add3A_223, %mul3A_227 : i32
        %dma_start3A_229 = tpu.memref_slice %arg4[%mul3A_228] : memref<320000xi32, #tpu.memory_space<hbm>> -> memref<128xi32, #tpu.memory_space<hbm>>
        %dma_start3A_230 = tpu.memref_slice %arg4[%mul3A_228] : memref<320000xi32, #tpu.memory_space<hbm>> -> memref<128xi32, #tpu.memory_space<hbm>>
        tpu.enqueue_dma source(%dma_start3A_230 : memref<128xi32, #tpu.memory_space<hbm>>) target(%arg12 : memref<128xi32, #tpu.memory_space<vmem>>) target_semaphore(%arg25 : memref<!tpu.dma_semaphore, #tpu.memory_space<semaphore_mem>>)
      } else {
      }
      %sub3A_167 = arith.constant 1 : i32
      %sub3A_168 = arith.subi %add3A_153, %sub3A_167 : i32
      %ge3A_169 = arith.constant 0 : i32
      %ge3A_170 = arith.cmpi sge, %sub3A_168, %ge3A_169 : i32
      %lt3A_171 = arith.cmpi slt, %sub3A_168, %select_n3A : i32
      %and3A_172 = arith.andi %ge3A_170, %lt3A_171 : i1
      %convert_element_type3A_173 = arith.extui %and3A_172 : i1 to i32
      %cond3A_174 = arith.constant 0 : i32
      %cond3A_175 = arith.cmpi ne, %convert_element_type3A_173, %cond3A_174 : i32
      scf.if %cond3A_175 {
        %dma_wait3A = arith.constant 0 : i32
        %dma_wait3A_221 = tpu.memref_slice %arg3[%dma_wait3A] : memref<320000xi32, #tpu.memory_space<hbm>> -> memref<128xi32, #tpu.memory_space<hbm>>
        %dma_wait3A_222 = arith.constant 0 : i32
        %dma_wait3A_223 = tpu.memref_slice %arg3[%dma_wait3A_222] : memref<320000xi32, #tpu.memory_space<hbm>> -> memref<128xi32, #tpu.memory_space<hbm>>
        tpu.wait_dma2 semaphore(%arg20 : memref<!tpu.dma_semaphore, #tpu.memory_space<semaphore_mem>>) src(%dma_wait3A_223 : memref<128xi32, #tpu.memory_space<hbm>>) dst(%arg7 : memref<128xi32, #tpu.memory_space<vmem>>)
        %dma_start3A = arith.constant 0 : i32
        %dma_start3A_224 = arith.constant 0 : i32
        %dma_start3A_225 = tpu.memref_slice %arg2[%dma_start3A, %dma_start3A_224] : memref<10000x64xf32, #tpu.memory_space<hbm>> -> memref<10000x64xf32, #tpu.memory_space<hbm>>
        tpu.enqueue_indirect_dma source(%dma_start3A_225 : memref<10000x64xf32, #tpu.memory_space<hbm>>) target(%arg15 : memref<128x64xf32, #tpu.memory_space<vmem>>) offsets(%arg7 : memref<128xi32, #tpu.memory_space<vmem>>) semaphore(%arg28 : memref<!tpu.dma_semaphore, #tpu.memory_space<semaphore_mem>>)
      } else {
      }
      %sub3A_176 = arith.constant 2 : i32
      %sub3A_177 = arith.subi %add3A_153, %sub3A_176 : i32
      %ge3A_178 = arith.constant 0 : i32
      %ge3A_179 = arith.cmpi sge, %sub3A_177, %ge3A_178 : i32
      %lt3A_180 = arith.cmpi slt, %sub3A_177, %select_n3A : i32
      %and3A_181 = arith.andi %ge3A_179, %lt3A_180 : i1
      %convert_element_type3A_182 = arith.extui %and3A_181 : i1 to i32
      %cond3A_183 = arith.constant 0 : i32
      %cond3A_184 = arith.cmpi ne, %convert_element_type3A_182, %cond3A_183 : i32
      scf.if %cond3A_184 {
        %dma_wait3A = arith.constant 0 : i32
        %dma_wait3A_221 = tpu.memref_slice %arg4[%dma_wait3A] : memref<320000xi32, #tpu.memory_space<hbm>> -> memref<128xi32, #tpu.memory_space<hbm>>
        %dma_wait3A_222 = arith.constant 0 : i32
        %dma_wait3A_223 = tpu.memref_slice %arg4[%dma_wait3A_222] : memref<320000xi32, #tpu.memory_space<hbm>> -> memref<128xi32, #tpu.memory_space<hbm>>
        tpu.wait_dma2 semaphore(%arg23 : memref<!tpu.dma_semaphore, #tpu.memory_space<semaphore_mem>>) src(%dma_wait3A_223 : memref<128xi32, #tpu.memory_space<hbm>>) dst(%arg10 : memref<128xi32, #tpu.memory_space<vmem>>)
        %dma_wait3A_224 = arith.constant 0 : i32
        %dma_wait3A_225 = arith.constant 0 : i32
        %dma_wait3A_226 = tpu.memref_slice %arg2[%dma_wait3A_224, %dma_wait3A_225] : memref<10000x64xf32, #tpu.memory_space<hbm>> -> memref<10000x64xf32, #tpu.memory_space<hbm>>
        tpu.wait_indirect_dma semaphore(%arg27 : memref<!tpu.dma_semaphore, #tpu.memory_space<semaphore_mem>>) src(%dma_wait3A_226 : memref<10000x64xf32, #tpu.memory_space<hbm>>) dst(%arg14 : memref<128x64xf32, #tpu.memory_space<vmem>>)
        %dma_start3A = arith.constant 0 : i32
        %dma_start3A_227 = arith.constant 0 : i32
        %dma_start3A_228 = tpu.memref_slice %arg18[%dma_start3A, %dma_start3A_227] : memref<10112x64xf32, #tpu.memory_space<vmem_shared>> -> memref<10112x64xf32, #tpu.memory_space<vmem_shared>>
        tpu.enqueue_indirect_dma source(%arg14 : memref<128x64xf32, #tpu.memory_space<vmem>>) target(%dma_start3A_228 : memref<10112x64xf32, #tpu.memory_space<vmem_shared>>) offsets(%arg10 : memref<128xi32, #tpu.memory_space<vmem>>) semaphore(%arg31 : memref<!tpu.dma_semaphore, #tpu.memory_space<semaphore_mem>>) {add = true}
      } else {
      }
      %mul3A_185 = arith.constant 4 : i32
      %mul3A_186 = arith.muli %while3A_82, %mul3A_185 : i32
      %add3A_187 = arith.constant 3 : i32
      %add3A_188 = arith.addi %mul3A_186, %add3A_187 : i32
      %ge3A_189 = arith.constant 4 : i32
      %ge3A_190 = arith.cmpi sge, %add3A_188, %ge3A_189 : i32
      %sub3A_191 = arith.constant 4 : i32
      %sub3A_192 = arith.subi %add3A_188, %sub3A_191 : i32
      %lt3A_193 = arith.cmpi slt, %sub3A_192, %select_n3A : i32
      %and3A_194 = arith.andi %ge3A_190, %lt3A_193 : i1
      %convert_element_type3A_195 = arith.extui %and3A_194 : i1 to i32
      %cond3A_196 = arith.constant 0 : i32
      %cond3A_197 = arith.cmpi ne, %convert_element_type3A_195, %cond3A_196 : i32
      scf.if %cond3A_197 {
        %dma_wait3A = arith.constant 0 : i32
        %dma_wait3A_221 = arith.constant 0 : i32
        %dma_wait3A_222 = tpu.memref_slice %arg18[%dma_wait3A, %dma_wait3A_221] : memref<10112x64xf32, #tpu.memory_space<vmem_shared>> -> memref<10112x64xf32, #tpu.memory_space<vmem_shared>>
        tpu.wait_indirect_dma semaphore(%arg34 : memref<!tpu.dma_semaphore, #tpu.memory_space<semaphore_mem>>) src(%arg17 : memref<128x64xf32, #tpu.memory_space<vmem>>) dst(%dma_wait3A_222 : memref<10112x64xf32, #tpu.memory_space<vmem_shared>>)
      } else {
      }
      %lt3A_198 = arith.cmpi slt, %add3A_188, %select_n3A : i32
      %convert_element_type3A_199 = arith.extui %lt3A_198 : i1 to i32
      %cond3A_200 = arith.constant 0 : i32
      %cond3A_201 = arith.cmpi ne, %convert_element_type3A_199, %cond3A_200 : i32
      scf.if %cond3A_201 {
        %mul3A_221 = arith.constant 32 : i32
        %mul3A_222 = arith.muli %add3A_188, %mul3A_221 : i32
        %add3A_223 = arith.addi %mul3A_222, %add3A : i32
        %mul3A_224 = arith.constant 128 : i32
        %mul3A_225 = arith.muli %add3A_223, %mul3A_224 : i32
        %dma_start3A = tpu.memref_slice %arg3[%mul3A_225] : memref<320000xi32, #tpu.memory_space<hbm>> -> memref<128xi32, #tpu.memory_space<hbm>>
        %dma_start3A_226 = tpu.memref_slice %arg3[%mul3A_225] : memref<320000xi32, #tpu.memory_space<hbm>> -> memref<128xi32, #tpu.memory_space<hbm>>
        tpu.enqueue_dma source(%dma_start3A_226 : memref<128xi32, #tpu.memory_space<hbm>>) target(%arg9 : memref<128xi32, #tpu.memory_space<vmem>>) target_semaphore(%arg22 : memref<!tpu.dma_semaphore, #tpu.memory_space<semaphore_mem>>)
        %mul3A_227 = arith.constant 128 : i32
        %mul3A_228 = arith.muli %add3A_223, %mul3A_227 : i32
        %dma_start3A_229 = tpu.memref_slice %arg4[%mul3A_228] : memref<320000xi32, #tpu.memory_space<hbm>> -> memref<128xi32, #tpu.memory_space<hbm>>
        %dma_start3A_230 = tpu.memref_slice %arg4[%mul3A_228] : memref<320000xi32, #tpu.memory_space<hbm>> -> memref<128xi32, #tpu.memory_space<hbm>>
        tpu.enqueue_dma source(%dma_start3A_230 : memref<128xi32, #tpu.memory_space<hbm>>) target(%arg13 : memref<128xi32, #tpu.memory_space<vmem>>) target_semaphore(%arg26 : memref<!tpu.dma_semaphore, #tpu.memory_space<semaphore_mem>>)
      } else {
      }
      %sub3A_202 = arith.constant 1 : i32
      %sub3A_203 = arith.subi %add3A_188, %sub3A_202 : i32
      %ge3A_204 = arith.constant 0 : i32
      %ge3A_205 = arith.cmpi sge, %sub3A_203, %ge3A_204 : i32
      %lt3A_206 = arith.cmpi slt, %sub3A_203, %select_n3A : i32
      %and3A_207 = arith.andi %ge3A_205, %lt3A_206 : i1
      %convert_element_type3A_208 = arith.extui %and3A_207 : i1 to i32
      %cond3A_209 = arith.constant 0 : i32
      %cond3A_210 = arith.cmpi ne, %convert_element_type3A_208, %cond3A_209 : i32
      scf.if %cond3A_210 {
        %dma_wait3A = arith.constant 0 : i32
        %dma_wait3A_221 = tpu.memref_slice %arg3[%dma_wait3A] : memref<320000xi32, #tpu.memory_space<hbm>> -> memref<128xi32, #tpu.memory_space<hbm>>
        %dma_wait3A_222 = arith.constant 0 : i32
        %dma_wait3A_223 = tpu.memref_slice %arg3[%dma_wait3A_222] : memref<320000xi32, #tpu.memory_space<hbm>> -> memref<128xi32, #tpu.memory_space<hbm>>
        tpu.wait_dma2 semaphore(%arg21 : memref<!tpu.dma_semaphore, #tpu.memory_space<semaphore_mem>>) src(%dma_wait3A_223 : memref<128xi32, #tpu.memory_space<hbm>>) dst(%arg8 : memref<128xi32, #tpu.memory_space<vmem>>)
        %dma_start3A = arith.constant 0 : i32
        %dma_start3A_224 = arith.constant 0 : i32
        %dma_start3A_225 = tpu.memref_slice %arg2[%dma_start3A, %dma_start3A_224] : memref<10000x64xf32, #tpu.memory_space<hbm>> -> memref<10000x64xf32, #tpu.memory_space<hbm>>
        tpu.enqueue_indirect_dma source(%dma_start3A_225 : memref<10000x64xf32, #tpu.memory_space<hbm>>) target(%arg16 : memref<128x64xf32, #tpu.memory_space<vmem>>) offsets(%arg8 : memref<128xi32, #tpu.memory_space<vmem>>) semaphore(%arg29 : memref<!tpu.dma_semaphore, #tpu.memory_space<semaphore_mem>>)
      } else {
      }
      %sub3A_211 = arith.constant 2 : i32
      %sub3A_212 = arith.subi %add3A_188, %sub3A_211 : i32
      %ge3A_213 = arith.constant 0 : i32
      %ge3A_214 = arith.cmpi sge, %sub3A_212, %ge3A_213 : i32
      %lt3A_215 = arith.cmpi slt, %sub3A_212, %select_n3A : i32
      %and3A_216 = arith.andi %ge3A_214, %lt3A_215 : i1
      %convert_element_type3A_217 = arith.extui %and3A_216 : i1 to i32
      %cond3A_218 = arith.constant 0 : i32
      %cond3A_219 = arith.cmpi ne, %convert_element_type3A_217, %cond3A_218 : i32
      scf.if %cond3A_219 {
        %dma_wait3A = arith.constant 0 : i32
        %dma_wait3A_221 = tpu.memref_slice %arg4[%dma_wait3A] : memref<320000xi32, #tpu.memory_space<hbm>> -> memref<128xi32, #tpu.memory_space<hbm>>
        %dma_wait3A_222 = arith.constant 0 : i32
        %dma_wait3A_223 = tpu.memref_slice %arg4[%dma_wait3A_222] : memref<320000xi32, #tpu.memory_space<hbm>> -> memref<128xi32, #tpu.memory_space<hbm>>
        tpu.wait_dma2 semaphore(%arg24 : memref<!tpu.dma_semaphore, #tpu.memory_space<semaphore_mem>>) src(%dma_wait3A_223 : memref<128xi32, #tpu.memory_space<hbm>>) dst(%arg11 : memref<128xi32, #tpu.memory_space<vmem>>)
        %dma_wait3A_224 = arith.constant 0 : i32
        %dma_wait3A_225 = arith.constant 0 : i32
        %dma_wait3A_226 = tpu.memref_slice %arg2[%dma_wait3A_224, %dma_wait3A_225] : memref<10000x64xf32, #tpu.memory_space<hbm>> -> memref<10000x64xf32, #tpu.memory_space<hbm>>
        tpu.wait_indirect_dma semaphore(%arg28 : memref<!tpu.dma_semaphore, #tpu.memory_space<semaphore_mem>>) src(%dma_wait3A_226 : memref<10000x64xf32, #tpu.memory_space<hbm>>) dst(%arg15 : memref<128x64xf32, #tpu.memory_space<vmem>>)
        %dma_start3A = arith.constant 0 : i32
        %dma_start3A_227 = arith.constant 0 : i32
        %dma_start3A_228 = tpu.memref_slice %arg18[%dma_start3A, %dma_start3A_227] : memref<10112x64xf32, #tpu.memory_space<vmem_shared>> -> memref<10112x64xf32, #tpu.memory_space<vmem_shared>>
        tpu.enqueue_indirect_dma source(%arg15 : memref<128x64xf32, #tpu.memory_space<vmem>>) target(%dma_start3A_228 : memref<10112x64xf32, #tpu.memory_space<vmem_shared>>) offsets(%arg11 : memref<128xi32, #tpu.memory_space<vmem>>) semaphore(%arg32 : memref<!tpu.dma_semaphore, #tpu.memory_space<semaphore_mem>>) {add = true}
      } else {
      }
      %while3A_220 = arith.constant 0 : i32
      scf.yield %while3A_220 : i32
    }
    %while3A_79 = arith.constant 1 : i32
    %while3A_80 = scf.for %while3A_82 = %while3A_76 to %while3A_72 step %while3A_79 iter_args(%while3A_83 = %while3A_78) -> (i32)  : i32 {
      %mul3A_84 = arith.constant 4 : i32
      %mul3A_85 = arith.muli %while3A_82, %mul3A_84 : i32
      %add3A_86 = arith.constant 0 : i32
      %add3A_87 = arith.addi %mul3A_85, %add3A_86 : i32
      %ge3A = arith.constant 4 : i32
      %ge3A_88 = arith.cmpi sge, %add3A_87, %ge3A : i32
      %sub3A_89 = arith.constant 4 : i32
      %sub3A_90 = arith.subi %add3A_87, %sub3A_89 : i32
      %lt3A = arith.cmpi slt, %sub3A_90, %select_n3A : i32
      %and3A_91 = arith.andi %ge3A_88, %lt3A : i1
      %convert_element_type3A = arith.extui %and3A_91 : i1 to i32
      %cond3A = arith.constant 0 : i32
      %cond3A_92 = arith.cmpi ne, %convert_element_type3A, %cond3A : i32
      scf.if %cond3A_92 {
        %dma_wait3A = arith.constant 0 : i32
        %dma_wait3A_221 = arith.constant 0 : i32
        %dma_wait3A_222 = tpu.memref_slice %arg18[%dma_wait3A, %dma_wait3A_221] : memref<10112x64xf32, #tpu.memory_space<vmem_shared>> -> memref<10112x64xf32, #tpu.memory_space<vmem_shared>>
        tpu.wait_indirect_dma semaphore(%arg31 : memref<!tpu.dma_semaphore, #tpu.memory_space<semaphore_mem>>) src(%arg14 : memref<128x64xf32, #tpu.memory_space<vmem>>) dst(%dma_wait3A_222 : memref<10112x64xf32, #tpu.memory_space<vmem_shared>>)
      } else {
      }
      %lt3A_93 = arith.cmpi slt, %add3A_87, %select_n3A : i32
      %convert_element_type3A_94 = arith.extui %lt3A_93 : i1 to i32
      %cond3A_95 = arith.constant 0 : i32
      %cond3A_96 = arith.cmpi ne, %convert_element_type3A_94, %cond3A_95 : i32
      scf.if %cond3A_96 {
        %mul3A_221 = arith.constant 32 : i32
        %mul3A_222 = arith.muli %add3A_87, %mul3A_221 : i32
        %add3A_223 = arith.addi %mul3A_222, %add3A : i32
        %mul3A_224 = arith.constant 128 : i32
        %mul3A_225 = arith.muli %add3A_223, %mul3A_224 : i32
        %dma_start3A = tpu.memref_slice %arg3[%mul3A_225] : memref<320000xi32, #tpu.memory_space<hbm>> -> memref<128xi32, #tpu.memory_space<hbm>>
        %dma_start3A_226 = tpu.memref_slice %arg3[%mul3A_225] : memref<320000xi32, #tpu.memory_space<hbm>> -> memref<128xi32, #tpu.memory_space<hbm>>
        tpu.enqueue_dma source(%dma_start3A_226 : memref<128xi32, #tpu.memory_space<hbm>>) target(%arg6 : memref<128xi32, #tpu.memory_space<vmem>>) target_semaphore(%arg19 : memref<!tpu.dma_semaphore, #tpu.memory_space<semaphore_mem>>)
        %mul3A_227 = arith.constant 128 : i32
        %mul3A_228 = arith.muli %add3A_223, %mul3A_227 : i32
        %dma_start3A_229 = tpu.memref_slice %arg4[%mul3A_228] : memref<320000xi32, #tpu.memory_space<hbm>> -> memref<128xi32, #tpu.memory_space<hbm>>
        %dma_start3A_230 = tpu.memref_slice %arg4[%mul3A_228] : memref<320000xi32, #tpu.memory_space<hbm>> -> memref<128xi32, #tpu.memory_space<hbm>>
        tpu.enqueue_dma source(%dma_start3A_230 : memref<128xi32, #tpu.memory_space<hbm>>) target(%arg10 : memref<128xi32, #tpu.memory_space<vmem>>) target_semaphore(%arg23 : memref<!tpu.dma_semaphore, #tpu.memory_space<semaphore_mem>>)
      } else {
      }
      %sub3A_97 = arith.constant 1 : i32
      %sub3A_98 = arith.subi %add3A_87, %sub3A_97 : i32
      %ge3A_99 = arith.constant 0 : i32
      %ge3A_100 = arith.cmpi sge, %sub3A_98, %ge3A_99 : i32
      %lt3A_101 = arith.cmpi slt, %sub3A_98, %select_n3A : i32
      %and3A_102 = arith.andi %ge3A_100, %lt3A_101 : i1
      %convert_element_type3A_103 = arith.extui %and3A_102 : i1 to i32
      %cond3A_104 = arith.constant 0 : i32
      %cond3A_105 = arith.cmpi ne, %convert_element_type3A_103, %cond3A_104 : i32
      scf.if %cond3A_105 {
        %dma_wait3A = arith.constant 0 : i32
        %dma_wait3A_221 = tpu.memref_slice %arg3[%dma_wait3A] : memref<320000xi32, #tpu.memory_space<hbm>> -> memref<128xi32, #tpu.memory_space<hbm>>
        %dma_wait3A_222 = arith.constant 0 : i32
        %dma_wait3A_223 = tpu.memref_slice %arg3[%dma_wait3A_222] : memref<320000xi32, #tpu.memory_space<hbm>> -> memref<128xi32, #tpu.memory_space<hbm>>
        tpu.wait_dma2 semaphore(%arg22 : memref<!tpu.dma_semaphore, #tpu.memory_space<semaphore_mem>>) src(%dma_wait3A_223 : memref<128xi32, #tpu.memory_space<hbm>>) dst(%arg9 : memref<128xi32, #tpu.memory_space<vmem>>)
        %dma_start3A = arith.constant 0 : i32
        %dma_start3A_224 = arith.constant 0 : i32
        %dma_start3A_225 = tpu.memref_slice %arg2[%dma_start3A, %dma_start3A_224] : memref<10000x64xf32, #tpu.memory_space<hbm>> -> memref<10000x64xf32, #tpu.memory_space<hbm>>
        tpu.enqueue_indirect_dma source(%dma_start3A_225 : memref<10000x64xf32, #tpu.memory_space<hbm>>) target(%arg17 : memref<128x64xf32, #tpu.memory_space<vmem>>) offsets(%arg9 : memref<128xi32, #tpu.memory_space<vmem>>) semaphore(%arg30 : memref<!tpu.dma_semaphore, #tpu.memory_space<semaphore_mem>>)
      } else {
      }
      %sub3A_106 = arith.constant 2 : i32
      %sub3A_107 = arith.subi %add3A_87, %sub3A_106 : i32
      %ge3A_108 = arith.constant 0 : i32
      %ge3A_109 = arith.cmpi sge, %sub3A_107, %ge3A_108 : i32
      %lt3A_110 = arith.cmpi slt, %sub3A_107, %select_n3A : i32
      %and3A_111 = arith.andi %ge3A_109, %lt3A_110 : i1
      %convert_element_type3A_112 = arith.extui %and3A_111 : i1 to i32
      %cond3A_113 = arith.constant 0 : i32
      %cond3A_114 = arith.cmpi ne, %convert_element_type3A_112, %cond3A_113 : i32
      scf.if %cond3A_114 {
        %dma_wait3A = arith.constant 0 : i32
        %dma_wait3A_221 = tpu.memref_slice %arg4[%dma_wait3A] : memref<320000xi32, #tpu.memory_space<hbm>> -> memref<128xi32, #tpu.memory_space<hbm>>
        %dma_wait3A_222 = arith.constant 0 : i32
        %dma_wait3A_223 = tpu.memref_slice %arg4[%dma_wait3A_222] : memref<320000xi32, #tpu.memory_space<hbm>> -> memref<128xi32, #tpu.memory_space<hbm>>
        tpu.wait_dma2 semaphore(%arg25 : memref<!tpu.dma_semaphore, #tpu.memory_space<semaphore_mem>>) src(%dma_wait3A_223 : memref<128xi32, #tpu.memory_space<hbm>>) dst(%arg12 : memref<128xi32, #tpu.memory_space<vmem>>)
        %dma_wait3A_224 = arith.constant 0 : i32
        %dma_wait3A_225 = arith.constant 0 : i32
        %dma_wait3A_226 = tpu.memref_slice %arg2[%dma_wait3A_224, %dma_wait3A_225] : memref<10000x64xf32, #tpu.memory_space<hbm>> -> memref<10000x64xf32, #tpu.memory_space<hbm>>
        tpu.wait_indirect_dma semaphore(%arg29 : memref<!tpu.dma_semaphore, #tpu.memory_space<semaphore_mem>>) src(%dma_wait3A_226 : memref<10000x64xf32, #tpu.memory_space<hbm>>) dst(%arg16 : memref<128x64xf32, #tpu.memory_space<vmem>>)
        %dma_start3A = arith.constant 0 : i32
        %dma_start3A_227 = arith.constant 0 : i32
        %dma_start3A_228 = tpu.memref_slice %arg18[%dma_start3A, %dma_start3A_227] : memref<10112x64xf32, #tpu.memory_space<vmem_shared>> -> memref<10112x64xf32, #tpu.memory_space<vmem_shared>>
        tpu.enqueue_indirect_dma source(%arg16 : memref<128x64xf32, #tpu.memory_space<vmem>>) target(%dma_start3A_228 : memref<10112x64xf32, #tpu.memory_space<vmem_shared>>) offsets(%arg12 : memref<128xi32, #tpu.memory_space<vmem>>) semaphore(%arg33 : memref<!tpu.dma_semaphore, #tpu.memory_space<semaphore_mem>>) {add = true}
      } else {
      }
      %mul3A_115 = arith.constant 4 : i32
      %mul3A_116 = arith.muli %while3A_82, %mul3A_115 : i32
      %add3A_117 = arith.constant 1 : i32
      %add3A_118 = arith.addi %mul3A_116, %add3A_117 : i32
      %ge3A_119 = arith.constant 4 : i32
      %ge3A_120 = arith.cmpi sge, %add3A_118, %ge3A_119 : i32
      %sub3A_121 = arith.constant 4 : i32
      %sub3A_122 = arith.subi %add3A_118, %sub3A_121 : i32
      %lt3A_123 = arith.cmpi slt, %sub3A_122, %select_n3A : i32
      %and3A_124 = arith.andi %ge3A_120, %lt3A_123 : i1
      %convert_element_type3A_125 = arith.extui %and3A_124 : i1 to i32
      %cond3A_126 = arith.constant 0 : i32
      %cond3A_127 = arith.cmpi ne, %convert_element_type3A_125, %cond3A_126 : i32
      scf.if %cond3A_127 {
        %dma_wait3A = arith.constant 0 : i32
        %dma_wait3A_221 = arith.constant 0 : i32
        %dma_wait3A_222 = tpu.memref_slice %arg18[%dma_wait3A, %dma_wait3A_221] : memref<10112x64xf32, #tpu.memory_space<vmem_shared>> -> memref<10112x64xf32, #tpu.memory_space<vmem_shared>>
        tpu.wait_indirect_dma semaphore(%arg32 : memref<!tpu.dma_semaphore, #tpu.memory_space<semaphore_mem>>) src(%arg15 : memref<128x64xf32, #tpu.memory_space<vmem>>) dst(%dma_wait3A_222 : memref<10112x64xf32, #tpu.memory_space<vmem_shared>>)
      } else {
      }
      %lt3A_128 = arith.cmpi slt, %add3A_118, %select_n3A : i32
      %convert_element_type3A_129 = arith.extui %lt3A_128 : i1 to i32
      %cond3A_130 = arith.constant 0 : i32
      %cond3A_131 = arith.cmpi ne, %convert_element_type3A_129, %cond3A_130 : i32
      scf.if %cond3A_131 {
        %mul3A_221 = arith.constant 32 : i32
        %mul3A_222 = arith.muli %add3A_118, %mul3A_221 : i32
        %add3A_223 = arith.addi %mul3A_222, %add3A : i32
        %mul3A_224 = arith.constant 128 : i32
        %mul3A_225 = arith.muli %add3A_223, %mul3A_224 : i32
        %dma_start3A = tpu.memref_slice %arg3[%mul3A_225] : memref<320000xi32, #tpu.memory_space<hbm>> -> memref<128xi32, #tpu.memory_space<hbm>>
        %dma_start3A_226 = tpu.memref_slice %arg3[%mul3A_225] : memref<320000xi32, #tpu.memory_space<hbm>> -> memref<128xi32, #tpu.memory_space<hbm>>
        tpu.enqueue_dma source(%dma_start3A_226 : memref<128xi32, #tpu.memory_space<hbm>>) target(%arg7 : memref<128xi32, #tpu.memory_space<vmem>>) target_semaphore(%arg20 : memref<!tpu.dma_semaphore, #tpu.memory_space<semaphore_mem>>)
        %mul3A_227 = arith.constant 128 : i32
        %mul3A_228 = arith.muli %add3A_223, %mul3A_227 : i32
        %dma_start3A_229 = tpu.memref_slice %arg4[%mul3A_228] : memref<320000xi32, #tpu.memory_space<hbm>> -> memref<128xi32, #tpu.memory_space<hbm>>
        %dma_start3A_230 = tpu.memref_slice %arg4[%mul3A_228] : memref<320000xi32, #tpu.memory_space<hbm>> -> memref<128xi32, #tpu.memory_space<hbm>>
        tpu.enqueue_dma source(%dma_start3A_230 : memref<128xi32, #tpu.memory_space<hbm>>) target(%arg11 : memref<128xi32, #tpu.memory_space<vmem>>) target_semaphore(%arg24 : memref<!tpu.dma_semaphore, #tpu.memory_space<semaphore_mem>>)
      } else {
      }
      %sub3A_132 = arith.constant 1 : i32
      %sub3A_133 = arith.subi %add3A_118, %sub3A_132 : i32
      %ge3A_134 = arith.constant 0 : i32
      %ge3A_135 = arith.cmpi sge, %sub3A_133, %ge3A_134 : i32
      %lt3A_136 = arith.cmpi slt, %sub3A_133, %select_n3A : i32
      %and3A_137 = arith.andi %ge3A_135, %lt3A_136 : i1
      %convert_element_type3A_138 = arith.extui %and3A_137 : i1 to i32
      %cond3A_139 = arith.constant 0 : i32
      %cond3A_140 = arith.cmpi ne, %convert_element_type3A_138, %cond3A_139 : i32
      scf.if %cond3A_140 {
        %dma_wait3A = arith.constant 0 : i32
        %dma_wait3A_221 = tpu.memref_slice %arg3[%dma_wait3A] : memref<320000xi32, #tpu.memory_space<hbm>> -> memref<128xi32, #tpu.memory_space<hbm>>
        %dma_wait3A_222 = arith.constant 0 : i32
        %dma_wait3A_223 = tpu.memref_slice %arg3[%dma_wait3A_222] : memref<320000xi32, #tpu.memory_space<hbm>> -> memref<128xi32, #tpu.memory_space<hbm>>
        tpu.wait_dma2 semaphore(%arg19 : memref<!tpu.dma_semaphore, #tpu.memory_space<semaphore_mem>>) src(%dma_wait3A_223 : memref<128xi32, #tpu.memory_space<hbm>>) dst(%arg6 : memref<128xi32, #tpu.memory_space<vmem>>)
        %dma_start3A = arith.constant 0 : i32
        %dma_start3A_224 = arith.constant 0 : i32
        %dma_start3A_225 = tpu.memref_slice %arg2[%dma_start3A, %dma_start3A_224] : memref<10000x64xf32, #tpu.memory_space<hbm>> -> memref<10000x64xf32, #tpu.memory_space<hbm>>
        tpu.enqueue_indirect_dma source(%dma_start3A_225 : memref<10000x64xf32, #tpu.memory_space<hbm>>) target(%arg14 : memref<128x64xf32, #tpu.memory_space<vmem>>) offsets(%arg6 : memref<128xi32, #tpu.memory_space<vmem>>) semaphore(%arg27 : memref<!tpu.dma_semaphore, #tpu.memory_space<semaphore_mem>>)
      } else {
      }
      %sub3A_141 = arith.constant 2 : i32
      %sub3A_142 = arith.subi %add3A_118, %sub3A_141 : i32
      %ge3A_143 = arith.constant 0 : i32
      %ge3A_144 = arith.cmpi sge, %sub3A_142, %ge3A_143 : i32
      %lt3A_145 = arith.cmpi slt, %sub3A_142, %select_n3A : i32
      %and3A_146 = arith.andi %ge3A_144, %lt3A_145 : i1
      %convert_element_type3A_147 = arith.extui %and3A_146 : i1 to i32
      %cond3A_148 = arith.constant 0 : i32
      %cond3A_149 = arith.cmpi ne, %convert_element_type3A_147, %cond3A_148 : i32
      scf.if %cond3A_149 {
        %dma_wait3A = arith.constant 0 : i32
        %dma_wait3A_221 = tpu.memref_slice %arg4[%dma_wait3A] : memref<320000xi32, #tpu.memory_space<hbm>> -> memref<128xi32, #tpu.memory_space<hbm>>
        %dma_wait3A_222 = arith.constant 0 : i32
        %dma_wait3A_223 = tpu.memref_slice %arg4[%dma_wait3A_222] : memref<320000xi32, #tpu.memory_space<hbm>> -> memref<128xi32, #tpu.memory_space<hbm>>
        tpu.wait_dma2 semaphore(%arg26 : memref<!tpu.dma_semaphore, #tpu.memory_space<semaphore_mem>>) src(%dma_wait3A_223 : memref<128xi32, #tpu.memory_space<hbm>>) dst(%arg13 : memref<128xi32, #tpu.memory_space<vmem>>)
        %dma_wait3A_224 = arith.constant 0 : i32
        %dma_wait3A_225 = arith.constant 0 : i32
        %dma_wait3A_226 = tpu.memref_slice %arg2[%dma_wait3A_224, %dma_wait3A_225] : memref<10000x64xf32, #tpu.memory_space<hbm>> -> memref<10000x64xf32, #tpu.memory_space<hbm>>
        tpu.wait_indirect_dma semaphore(%arg30 : memref<!tpu.dma_semaphore, #tpu.memory_space<semaphore_mem>>) src(%dma_wait3A_226 : memref<10000x64xf32, #tpu.memory_space<hbm>>) dst(%arg17 : memref<128x64xf32, #tpu.memory_space<vmem>>)
        %dma_start3A = arith.constant 0 : i32
        %dma_start3A_227 = arith.constant 0 : i32
        %dma_start3A_228 = tpu.memref_slice %arg18[%dma_start3A, %dma_start3A_227] : memref<10112x64xf32, #tpu.memory_space<vmem_shared>> -> memref<10112x64xf32, #tpu.memory_space<vmem_shared>>
        tpu.enqueue_indirect_dma source(%arg17 : memref<128x64xf32, #tpu.memory_space<vmem>>) target(%dma_start3A_228 : memref<10112x64xf32, #tpu.memory_space<vmem_shared>>) offsets(%arg13 : memref<128xi32, #tpu.memory_space<vmem>>) semaphore(%arg34 : memref<!tpu.dma_semaphore, #tpu.memory_space<semaphore_mem>>) {add = true}
      } else {
      }
      %mul3A_150 = arith.constant 4 : i32
      %mul3A_151 = arith.muli %while3A_82, %mul3A_150 : i32
      %add3A_152 = arith.constant 2 : i32
      %add3A_153 = arith.addi %mul3A_151, %add3A_152 : i32
      %ge3A_154 = arith.constant 4 : i32
      %ge3A_155 = arith.cmpi sge, %add3A_153, %ge3A_154 : i32
      %sub3A_156 = arith.constant 4 : i32
      %sub3A_157 = arith.subi %add3A_153, %sub3A_156 : i32
      %lt3A_158 = arith.cmpi slt, %sub3A_157, %select_n3A : i32
      %and3A_159 = arith.andi %ge3A_155, %lt3A_158 : i1
      %convert_element_type3A_160 = arith.extui %and3A_159 : i1 to i32
      %cond3A_161 = arith.constant 0 : i32
      %cond3A_162 = arith.cmpi ne, %convert_element_type3A_160, %cond3A_161 : i32
      scf.if %cond3A_162 {
        %dma_wait3A = arith.constant 0 : i32
        %dma_wait3A_221 = arith.constant 0 : i32
        %dma_wait3A_222 = tpu.memref_slice %arg18[%dma_wait3A, %dma_wait3A_221] : memref<10112x64xf32, #tpu.memory_space<vmem_shared>> -> memref<10112x64xf32, #tpu.memory_space<vmem_shared>>
        tpu.wait_indirect_dma semaphore(%arg33 : memref<!tpu.dma_semaphore, #tpu.memory_space<semaphore_mem>>) src(%arg16 : memref<128x64xf32, #tpu.memory_space<vmem>>) dst(%dma_wait3A_222 : memref<10112x64xf32, #tpu.memory_space<vmem_shared>>)
      } else {
      }
      %lt3A_163 = arith.cmpi slt, %add3A_153, %select_n3A : i32
      %convert_element_type3A_164 = arith.extui %lt3A_163 : i1 to i32
      %cond3A_165 = arith.constant 0 : i32
      %cond3A_166 = arith.cmpi ne, %convert_element_type3A_164, %cond3A_165 : i32
      scf.if %cond3A_166 {
        %mul3A_221 = arith.constant 32 : i32
        %mul3A_222 = arith.muli %add3A_153, %mul3A_221 : i32
        %add3A_223 = arith.addi %mul3A_222, %add3A : i32
        %mul3A_224 = arith.constant 128 : i32
        %mul3A_225 = arith.muli %add3A_223, %mul3A_224 : i32
        %dma_start3A = tpu.memref_slice %arg3[%mul3A_225] : memref<320000xi32, #tpu.memory_space<hbm>> -> memref<128xi32, #tpu.memory_space<hbm>>
        %dma_start3A_226 = tpu.memref_slice %arg3[%mul3A_225] : memref<320000xi32, #tpu.memory_space<hbm>> -> memref<128xi32, #tpu.memory_space<hbm>>
        tpu.enqueue_dma source(%dma_start3A_226 : memref<128xi32, #tpu.memory_space<hbm>>) target(%arg8 : memref<128xi32, #tpu.memory_space<vmem>>) target_semaphore(%arg21 : memref<!tpu.dma_semaphore, #tpu.memory_space<semaphore_mem>>)
        %mul3A_227 = arith.constant 128 : i32
        %mul3A_228 = arith.muli %add3A_223, %mul3A_227 : i32
        %dma_start3A_229 = tpu.memref_slice %arg4[%mul3A_228] : memref<320000xi32, #tpu.memory_space<hbm>> -> memref<128xi32, #tpu.memory_space<hbm>>
        %dma_start3A_230 = tpu.memref_slice %arg4[%mul3A_228] : memref<320000xi32, #tpu.memory_space<hbm>> -> memref<128xi32, #tpu.memory_space<hbm>>
        tpu.enqueue_dma source(%dma_start3A_230 : memref<128xi32, #tpu.memory_space<hbm>>) target(%arg12 : memref<128xi32, #tpu.memory_space<vmem>>) target_semaphore(%arg25 : memref<!tpu.dma_semaphore, #tpu.memory_space<semaphore_mem>>)
      } else {
      }
      %sub3A_167 = arith.constant 1 : i32
      %sub3A_168 = arith.subi %add3A_153, %sub3A_167 : i32
      %ge3A_169 = arith.constant 0 : i32
      %ge3A_170 = arith.cmpi sge, %sub3A_168, %ge3A_169 : i32
      %lt3A_171 = arith.cmpi slt, %sub3A_168, %select_n3A : i32
      %and3A_172 = arith.andi %ge3A_170, %lt3A_171 : i1
      %convert_element_type3A_173 = arith.extui %and3A_172 : i1 to i32
      %cond3A_174 = arith.constant 0 : i32
      %cond3A_175 = arith.cmpi ne, %convert_element_type3A_173, %cond3A_174 : i32
      scf.if %cond3A_175 {
        %dma_wait3A = arith.constant 0 : i32
        %dma_wait3A_221 = tpu.memref_slice %arg3[%dma_wait3A] : memref<320000xi32, #tpu.memory_space<hbm>> -> memref<128xi32, #tpu.memory_space<hbm>>
        %dma_wait3A_222 = arith.constant 0 : i32
        %dma_wait3A_223 = tpu.memref_slice %arg3[%dma_wait3A_222] : memref<320000xi32, #tpu.memory_space<hbm>> -> memref<128xi32, #tpu.memory_space<hbm>>
        tpu.wait_dma2 semaphore(%arg20 : memref<!tpu.dma_semaphore, #tpu.memory_space<semaphore_mem>>) src(%dma_wait3A_223 : memref<128xi32, #tpu.memory_space<hbm>>) dst(%arg7 : memref<128xi32, #tpu.memory_space<vmem>>)
        %dma_start3A = arith.constant 0 : i32
        %dma_start3A_224 = arith.constant 0 : i32
        %dma_start3A_225 = tpu.memref_slice %arg2[%dma_start3A, %dma_start3A_224] : memref<10000x64xf32, #tpu.memory_space<hbm>> -> memref<10000x64xf32, #tpu.memory_space<hbm>>
        tpu.enqueue_indirect_dma source(%dma_start3A_225 : memref<10000x64xf32, #tpu.memory_space<hbm>>) target(%arg15 : memref<128x64xf32, #tpu.memory_space<vmem>>) offsets(%arg7 : memref<128xi32, #tpu.memory_space<vmem>>) semaphore(%arg28 : memref<!tpu.dma_semaphore, #tpu.memory_space<semaphore_mem>>)
      } else {
      }
      %sub3A_176 = arith.constant 2 : i32
      %sub3A_177 = arith.subi %add3A_153, %sub3A_176 : i32
      %ge3A_178 = arith.constant 0 : i32
      %ge3A_179 = arith.cmpi sge, %sub3A_177, %ge3A_178 : i32
      %lt3A_180 = arith.cmpi slt, %sub3A_177, %select_n3A : i32
      %and3A_181 = arith.andi %ge3A_179, %lt3A_180 : i1
      %convert_element_type3A_182 = arith.extui %and3A_181 : i1 to i32
      %cond3A_183 = arith.constant 0 : i32
      %cond3A_184 = arith.cmpi ne, %convert_element_type3A_182, %cond3A_183 : i32
      scf.if %cond3A_184 {
        %dma_wait3A = arith.constant 0 : i32
        %dma_wait3A_221 = tpu.memref_slice %arg4[%dma_wait3A] : memref<320000xi32, #tpu.memory_space<hbm>> -> memref<128xi32, #tpu.memory_space<hbm>>
        %dma_wait3A_222 = arith.constant 0 : i32
        %dma_wait3A_223 = tpu.memref_slice %arg4[%dma_wait3A_222] : memref<320000xi32, #tpu.memory_space<hbm>> -> memref<128xi32, #tpu.memory_space<hbm>>
        tpu.wait_dma2 semaphore(%arg23 : memref<!tpu.dma_semaphore, #tpu.memory_space<semaphore_mem>>) src(%dma_wait3A_223 : memref<128xi32, #tpu.memory_space<hbm>>) dst(%arg10 : memref<128xi32, #tpu.memory_space<vmem>>)
        %dma_wait3A_224 = arith.constant 0 : i32
        %dma_wait3A_225 = arith.constant 0 : i32
        %dma_wait3A_226 = tpu.memref_slice %arg2[%dma_wait3A_224, %dma_wait3A_225] : memref<10000x64xf32, #tpu.memory_space<hbm>> -> memref<10000x64xf32, #tpu.memory_space<hbm>>
        tpu.wait_indirect_dma semaphore(%arg27 : memref<!tpu.dma_semaphore, #tpu.memory_space<semaphore_mem>>) src(%dma_wait3A_226 : memref<10000x64xf32, #tpu.memory_space<hbm>>) dst(%arg14 : memref<128x64xf32, #tpu.memory_space<vmem>>)
        %dma_start3A = arith.constant 0 : i32
        %dma_start3A_227 = arith.constant 0 : i32
        %dma_start3A_228 = tpu.memref_slice %arg18[%dma_start3A, %dma_start3A_227] : memref<10112x64xf32, #tpu.memory_space<vmem_shared>> -> memref<10112x64xf32, #tpu.memory_space<vmem_shared>>
        tpu.enqueue_indirect_dma source(%arg14 : memref<128x64xf32, #tpu.memory_space<vmem>>) target(%dma_start3A_228 : memref<10112x64xf32, #tpu.memory_space<vmem_shared>>) offsets(%arg10 : memref<128xi32, #tpu.memory_space<vmem>>) semaphore(%arg31 : memref<!tpu.dma_semaphore, #tpu.memory_space<semaphore_mem>>) {add = true}
      } else {
      }
      %mul3A_185 = arith.constant 4 : i32
      %mul3A_186 = arith.muli %while3A_82, %mul3A_185 : i32
      %add3A_187 = arith.constant 3 : i32
      %add3A_188 = arith.addi %mul3A_186, %add3A_187 : i32
      %ge3A_189 = arith.constant 4 : i32
      %ge3A_190 = arith.cmpi sge, %add3A_188, %ge3A_189 : i32
      %sub3A_191 = arith.constant 4 : i32
      %sub3A_192 = arith.subi %add3A_188, %sub3A_191 : i32
      %lt3A_193 = arith.cmpi slt, %sub3A_192, %select_n3A : i32
      %and3A_194 = arith.andi %ge3A_190, %lt3A_193 : i1
      %convert_element_type3A_195 = arith.extui %and3A_194 : i1 to i32
      %cond3A_196 = arith.constant 0 : i32
      %cond3A_197 = arith.cmpi ne, %convert_element_type3A_195, %cond3A_196 : i32
      scf.if %cond3A_197 {
        %dma_wait3A = arith.constant 0 : i32
        %dma_wait3A_221 = arith.constant 0 : i32
        %dma_wait3A_222 = tpu.memref_slice %arg18[%dma_wait3A, %dma_wait3A_221] : memref<10112x64xf32, #tpu.memory_space<vmem_shared>> -> memref<10112x64xf32, #tpu.memory_space<vmem_shared>>
        tpu.wait_indirect_dma semaphore(%arg34 : memref<!tpu.dma_semaphore, #tpu.memory_space<semaphore_mem>>) src(%arg17 : memref<128x64xf32, #tpu.memory_space<vmem>>) dst(%dma_wait3A_222 : memref<10112x64xf32, #tpu.memory_space<vmem_shared>>)
      } else {
      }
      %lt3A_198 = arith.cmpi slt, %add3A_188, %select_n3A : i32
      %convert_element_type3A_199 = arith.extui %lt3A_198 : i1 to i32
      %cond3A_200 = arith.constant 0 : i32
      %cond3A_201 = arith.cmpi ne, %convert_element_type3A_199, %cond3A_200 : i32
      scf.if %cond3A_201 {
        %mul3A_221 = arith.constant 32 : i32
        %mul3A_222 = arith.muli %add3A_188, %mul3A_221 : i32
        %add3A_223 = arith.addi %mul3A_222, %add3A : i32
        %mul3A_224 = arith.constant 128 : i32
        %mul3A_225 = arith.muli %add3A_223, %mul3A_224 : i32
        %dma_start3A = tpu.memref_slice %arg3[%mul3A_225] : memref<320000xi32, #tpu.memory_space<hbm>> -> memref<128xi32, #tpu.memory_space<hbm>>
        %dma_start3A_226 = tpu.memref_slice %arg3[%mul3A_225] : memref<320000xi32, #tpu.memory_space<hbm>> -> memref<128xi32, #tpu.memory_space<hbm>>
        tpu.enqueue_dma source(%dma_start3A_226 : memref<128xi32, #tpu.memory_space<hbm>>) target(%arg9 : memref<128xi32, #tpu.memory_space<vmem>>) target_semaphore(%arg22 : memref<!tpu.dma_semaphore, #tpu.memory_space<semaphore_mem>>)
        %mul3A_227 = arith.constant 128 : i32
        %mul3A_228 = arith.muli %add3A_223, %mul3A_227 : i32
        %dma_start3A_229 = tpu.memref_slice %arg4[%mul3A_228] : memref<320000xi32, #tpu.memory_space<hbm>> -> memref<128xi32, #tpu.memory_space<hbm>>
        %dma_start3A_230 = tpu.memref_slice %arg4[%mul3A_228] : memref<320000xi32, #tpu.memory_space<hbm>> -> memref<128xi32, #tpu.memory_space<hbm>>
        tpu.enqueue_dma source(%dma_start3A_230 : memref<128xi32, #tpu.memory_space<hbm>>) target(%arg13 : memref<128xi32, #tpu.memory_space<vmem>>) target_semaphore(%arg26 : memref<!tpu.dma_semaphore, #tpu.memory_space<semaphore_mem>>)
      } else {
      }
      %sub3A_202 = arith.constant 1 : i32
      %sub3A_203 = arith.subi %add3A_188, %sub3A_202 : i32
      %ge3A_204 = arith.constant 0 : i32
      %ge3A_205 = arith.cmpi sge, %sub3A_203, %ge3A_204 : i32
      %lt3A_206 = arith.cmpi slt, %sub3A_203, %select_n3A : i32
      %and3A_207 = arith.andi %ge3A_205, %lt3A_206 : i1
      %convert_element_type3A_208 = arith.extui %and3A_207 : i1 to i32
      %cond3A_209 = arith.constant 0 : i32
      %cond3A_210 = arith.cmpi ne, %convert_element_type3A_208, %cond3A_209 : i32
      scf.if %cond3A_210 {
        %dma_wait3A = arith.constant 0 : i32
        %dma_wait3A_221 = tpu.memref_slice %arg3[%dma_wait3A] : memref<320000xi32, #tpu.memory_space<hbm>> -> memref<128xi32, #tpu.memory_space<hbm>>
        %dma_wait3A_222 = arith.constant 0 : i32
        %dma_wait3A_223 = tpu.memref_slice %arg3[%dma_wait3A_222] : memref<320000xi32, #tpu.memory_space<hbm>> -> memref<128xi32, #tpu.memory_space<hbm>>
        tpu.wait_dma2 semaphore(%arg21 : memref<!tpu.dma_semaphore, #tpu.memory_space<semaphore_mem>>) src(%dma_wait3A_223 : memref<128xi32, #tpu.memory_space<hbm>>) dst(%arg8 : memref<128xi32, #tpu.memory_space<vmem>>)
        %dma_start3A = arith.constant 0 : i32
        %dma_start3A_224 = arith.constant 0 : i32
        %dma_start3A_225 = tpu.memref_slice %arg2[%dma_start3A, %dma_start3A_224] : memref<10000x64xf32, #tpu.memory_space<hbm>> -> memref<10000x64xf32, #tpu.memory_space<hbm>>
        tpu.enqueue_indirect_dma source(%dma_start3A_225 : memref<10000x64xf32, #tpu.memory_space<hbm>>) target(%arg16 : memref<128x64xf32, #tpu.memory_space<vmem>>) offsets(%arg8 : memref<128xi32, #tpu.memory_space<vmem>>) semaphore(%arg29 : memref<!tpu.dma_semaphore, #tpu.memory_space<semaphore_mem>>)
      } else {
      }
      %sub3A_211 = arith.constant 2 : i32
      %sub3A_212 = arith.subi %add3A_188, %sub3A_211 : i32
      %ge3A_213 = arith.constant 0 : i32
      %ge3A_214 = arith.cmpi sge, %sub3A_212, %ge3A_213 : i32
      %lt3A_215 = arith.cmpi slt, %sub3A_212, %select_n3A : i32
      %and3A_216 = arith.andi %ge3A_214, %lt3A_215 : i1
      %convert_element_type3A_217 = arith.extui %and3A_216 : i1 to i32
      %cond3A_218 = arith.constant 0 : i32
      %cond3A_219 = arith.cmpi ne, %convert_element_type3A_217, %cond3A_218 : i32
      scf.if %cond3A_219 {
        %dma_wait3A = arith.constant 0 : i32
        %dma_wait3A_221 = tpu.memref_slice %arg4[%dma_wait3A] : memref<320000xi32, #tpu.memory_space<hbm>> -> memref<128xi32, #tpu.memory_space<hbm>>
        %dma_wait3A_222 = arith.constant 0 : i32
        %dma_wait3A_223 = tpu.memref_slice %arg4[%dma_wait3A_222] : memref<320000xi32, #tpu.memory_space<hbm>> -> memref<128xi32, #tpu.memory_space<hbm>>
        tpu.wait_dma2 semaphore(%arg24 : memref<!tpu.dma_semaphore, #tpu.memory_space<semaphore_mem>>) src(%dma_wait3A_223 : memref<128xi32, #tpu.memory_space<hbm>>) dst(%arg11 : memref<128xi32, #tpu.memory_space<vmem>>)
        %dma_wait3A_224 = arith.constant 0 : i32
        %dma_wait3A_225 = arith.constant 0 : i32
        %dma_wait3A_226 = tpu.memref_slice %arg2[%dma_wait3A_224, %dma_wait3A_225] : memref<10000x64xf32, #tpu.memory_space<hbm>> -> memref<10000x64xf32, #tpu.memory_space<hbm>>
        tpu.wait_indirect_dma semaphore(%arg28 : memref<!tpu.dma_semaphore, #tpu.memory_space<semaphore_mem>>) src(%dma_wait3A_226 : memref<10000x64xf32, #tpu.memory_space<hbm>>) dst(%arg15 : memref<128x64xf32, #tpu.memory_space<vmem>>)
        %dma_start3A = arith.constant 0 : i32
        %dma_start3A_227 = arith.constant 0 : i32
        %dma_start3A_228 = tpu.memref_slice %arg18[%dma_start3A, %dma_start3A_227] : memref<10112x64xf32, #tpu.memory_space<vmem_shared>> -> memref<10112x64xf32, #tpu.memory_space<vmem_shared>>
        tpu.enqueue_indirect_dma source(%arg15 : memref<128x64xf32, #tpu.memory_space<vmem>>) target(%dma_start3A_228 : memref<10112x64xf32, #tpu.memory_space<vmem_shared>>) offsets(%arg11 : memref<128xi32, #tpu.memory_space<vmem>>) semaphore(%arg32 : memref<!tpu.dma_semaphore, #tpu.memory_space<semaphore_mem>>) {add = true}
      } else {
      }
      %while3A_220 = arith.constant 0 : i32
      scf.yield %while3A_220 : i32
    }
    %barrier3A_81 = arith.constant 0 : index
    tpu.barrier barrier_id(%barrier3A_81)
    "tpu.region"() ({
      %run_scoped3A = tpu.sem_alloc : memref<!tpu.dma_semaphore, #tpu.memory_space<semaphore_mem>>
      %dma_start3A = arith.constant 0 : i32
      %dma_start3A_82 = tpu.memref_slice %arg5[%arg0, %mul3A_2, %dma_start3A] : memref<2x10112x64xf32, #tpu.memory_space<hbm>> -> memref<1x632x64xf32, #tpu.memory_space<hbm>>
      %dma_start3A_83 = tpu.memref_squeeze %dma_start3A_82 : memref<1x632x64xf32, #tpu.memory_space<hbm>> -> memref<632x64xf32, #tpu.memory_space<hbm>>
      %dma_start3A_84 = arith.constant 0 : i32
      %dma_start3A_85 = tpu.memref_slice %arg18[%mul3A_2, %dma_start3A_84] : memref<10112x64xf32, #tpu.memory_space<vmem_shared>> -> memref<632x64xf32, #tpu.memory_space<vmem_shared>>
      tpu.enqueue_dma source(%dma_start3A_85 : memref<632x64xf32, #tpu.memory_space<vmem_shared>>) target(%dma_start3A_83 : memref<632x64xf32, #tpu.memory_space<hbm>>) target_semaphore(%run_scoped3A : memref<!tpu.dma_semaphore, #tpu.memory_space<semaphore_mem>>)
      %dma_wait3A = arith.constant 0 : i32
      %dma_wait3A_86 = tpu.memref_slice %arg5[%arg0, %mul3A_2, %dma_wait3A] : memref<2x10112x64xf32, #tpu.memory_space<hbm>> -> memref<1x632x64xf32, #tpu.memory_space<hbm>>
      %dma_wait3A_87 = tpu.memref_squeeze %dma_wait3A_86 : memref<1x632x64xf32, #tpu.memory_space<hbm>> -> memref<632x64xf32, #tpu.memory_space<hbm>>
      %dma_wait3A_88 = arith.constant 0 : i32
      %dma_wait3A_89 = tpu.memref_slice %arg18[%mul3A_2, %dma_wait3A_88] : memref<10112x64xf32, #tpu.memory_space<vmem_shared>> -> memref<632x64xf32, #tpu.memory_space<vmem_shared>>
      tpu.wait_dma2 semaphore(%run_scoped3A : memref<!tpu.dma_semaphore, #tpu.memory_space<semaphore_mem>>) src(%dma_wait3A_89 : memref<632x64xf32, #tpu.memory_space<vmem_shared>>) dst(%dma_wait3A_87 : memref<632x64xf32, #tpu.memory_space<hbm>>)
      tpu.yield
    }) : () -> ()
    return
  }
}

#map = affine_map<(d0, d1) -> (0, 0)>
#map1 = affine_map<(d0, d1) -> (0)>
#map2 = affine_map<(d0, d1) -> (0, 0, 0)>
module attributes {stable_mosaic.version = 14 : i64} {
  func.func @k(%arg0: i32, %arg1: i32, %arg2: memref<10000x128xf32, #tpu.memory_space<hbm>>, %arg3: memref<320000xi32, #tpu.memory_space<hbm>>, %arg4: memref<320000xi32, #tpu.memory_space<hbm>>, %arg5: memref<2x10112x128xf32, #tpu.memory_space<hbm>>, %arg6: memref<128xi32, #tpu.memory_space<vmem>>, %arg7: memref<128xi32, #tpu.memory_space<vmem>>, %arg8: memref<128xi32, #tpu.memory_space<vmem>>, %arg9: memref<128xi32, #tpu.memory_space<vmem>>, %arg10: memref<128xi32, #tpu.memory_space<vmem>>, %arg11: memref<128xi32, #tpu.memory_space<vmem>>, %arg12: memref<128x128xf32, #tpu.memory_space<vmem>>, %arg13: memref<128x128xf32, #tpu.memory_space<vmem>>, %arg14: memref<128x128xf32, #tpu.memory_space<vmem>>, %arg15: memref<10112x128xf32, #tpu.memory_space<vmem_shared>>, %arg16: memref<!tpu.dma_semaphore, #tpu.memory_space<semaphore_mem>>, %arg17: memref<!tpu.dma_semaphore, #tpu.memory_space<semaphore_mem>>, %arg18: memref<!tpu.dma_semaphore, #tpu.memory_space<semaphore_mem>>, %arg19: memref<!tpu.dma_semaphore, #tpu.memory_space<semaphore_mem>>, %arg20: memref<!tpu.dma_semaphore, #tpu.memory_space<semaphore_mem>>, %arg21: memref<!tpu.dma_semaphore, #tpu.memory_space<semaphore_mem>>, %arg22: memref<!tpu.dma_semaphore, #tpu.memory_space<semaphore_mem>>, %arg23: memref<!tpu.dma_semaphore, #tpu.memory_space<semaphore_mem>>, %arg24: memref<!tpu.dma_semaphore, #tpu.memory_space<semaphore_mem>>, %arg25: memref<!tpu.dma_semaphore, #tpu.memory_space<semaphore_mem>>, %arg26: memref<!tpu.dma_semaphore, #tpu.memory_space<semaphore_mem>>, %arg27: memref<!tpu.dma_semaphore, #tpu.memory_space<semaphore_mem>>) attributes {dimension_semantics = [#tpu.dimension_semantics<core_parallel>, #tpu.dimension_semantics<subcore_parallel>], iteration_bounds = array<i64: 2, 16>, scalar_prefetch = 0 : i64, scratch_operands = 22 : i64, tpu.core_type = #tpu.core_type<sc_vector_subcore>, window_params = [{transform_indices = #map}, {transform_indices = #map1}, {transform_indices = #map1}, {transform_indices = #map2}]} {
    %mul3A = arith.constant 16 : i32
    %mul3A_0 = arith.muli %arg0, %mul3A : i32
    %add3A = arith.addi %mul3A_0, %arg1 : i32
    %mul3A_1 = arith.constant 632 : i32
    %mul3A_2 = arith.muli %arg1, %mul3A_1 : i32
    %sub3A = arith.constant 2500 : i32
    %sub3A_3 = arith.subi %sub3A, %add3A : i32
    %add3A_4 = arith.constant 32 : i32
    %add3A_5 = arith.addi %sub3A_3, %add3A_4 : i32
    %sub3A_6 = arith.constant 1 : i32
    %sub3A_7 = arith.subi %add3A_5, %sub3A_6 : i32
    %jit3A = arith.constant 32 : i32
    %div3A = arith.divsi %sub3A_7, %jit3A : i32
    %sign3A = arith.constant 0 : i32
    %sign3A_8 = arith.cmpi sgt, %sub3A_7, %sign3A : i32
    %sign3A_9 = arith.extui %sign3A_8 : i1 to i32
    %sign3A_10 = arith.constant 0 : i32
    %sign3A_11 = arith.cmpi slt, %sub3A_7, %sign3A_10 : i32
    %sign3A_12 = arith.extui %sign3A_11 : i1 to i32
    %sign3A_13 = arith.subi %sign3A_9, %sign3A_12 : i32
    %sign3A_14 = arith.constant 0 : i32
    %sign3A_15 = arith.cmpi sgt, %jit3A, %sign3A_14 : i32
    %sign3A_16 = arith.extui %sign3A_15 : i1 to i32
    %sign3A_17 = arith.constant 0 : i32
    %sign3A_18 = arith.cmpi slt, %jit3A, %sign3A_17 : i32
    %sign3A_19 = arith.extui %sign3A_18 : i1 to i32
    %sign3A_20 = arith.subi %sign3A_16, %sign3A_19 : i32
    %ne3A = arith.cmpi ne, %sign3A_13, %sign3A_20 : i32
    %rem3A = arith.remsi %sub3A_7, %jit3A : i32
    %ne3A_21 = arith.constant 0 : i32
    %ne3A_22 = arith.cmpi ne, %rem3A, %ne3A_21 : i32
    %and3A = arith.andi %ne3A, %ne3A_22 : i1
    %sub3A_23 = arith.constant 1 : i32
    %sub3A_24 = arith.subi %div3A, %sub3A_23 : i32
    %select_n3A = arith.select %and3A, %sub3A_24, %div3A : i32
    %broadcast_in_dim3A = arith.constant 0.000000e+00 : f32
    %broadcast_in_dim3A_25 = vector.broadcast %broadcast_in_dim3A : f32 to vector<16xf32>
    %scan3A = arith.constant 0 : i32
    %scan3A_26 = arith.constant 0 : i32
    %scan3A_27 = arith.constant 128 : i32
    %scan3A_28 = arith.addi %scan3A_26, %scan3A_27 : i32
    %scan3A_29 = arith.constant 1 : i32
    %scan3A_30 = scf.for %scan3A_82 = %scan3A_26 to %scan3A_28 step %scan3A_29 iter_args(%scan3A_83 = %scan3A) -> (i32)  : i32 {
      %swap3A = arith.index_cast %scan3A_82 : i32 to index
      %swap3A_84 = arith.constant 0 : index
      %swap3A_85 = tpu.vector_load %arg12[%swap3A, %swap3A_84] {strides = array<i32>} : memref<128x128xf32, #tpu.memory_space<vmem>>, vector<1x16xf32>,
      %swap3A_86 = vector.shape_cast %swap3A_85 : vector<1x16xf32> to vector<16xf32>
      %swap3A_87 = vector.shape_cast %broadcast_in_dim3A_25 : vector<16xf32> to vector<1x16xf32>
      tpu.vector_store %arg12[%swap3A, %swap3A_84], %swap3A_87 {strides = array<i32>} : memref<128x128xf32, #tpu.memory_space<vmem>>, vector<1x16xf32>,
      %swap3A_88 = arith.index_cast %scan3A_82 : i32 to index
      %swap3A_89 = arith.constant 16 : index
      %swap3A_90 = tpu.vector_load %arg12[%swap3A_88, %swap3A_89] {strides = array<i32>} : memref<128x128xf32, #tpu.memory_space<vmem>>, vector<1x16xf32>,
      %swap3A_91 = vector.shape_cast %swap3A_90 : vector<1x16xf32> to vector<16xf32>
      %swap3A_92 = vector.shape_cast %broadcast_in_dim3A_25 : vector<16xf32> to vector<1x16xf32>
      tpu.vector_store %arg12[%swap3A_88, %swap3A_89], %swap3A_92 {strides = array<i32>} : memref<128x128xf32, #tpu.memory_space<vmem>>, vector<1x16xf32>,
      %swap3A_93 = arith.index_cast %scan3A_82 : i32 to index
      %swap3A_94 = arith.constant 32 : index
      %swap3A_95 = tpu.vector_load %arg12[%swap3A_93, %swap3A_94] {strides = array<i32>} : memref<128x128xf32, #tpu.memory_space<vmem>>, vector<1x16xf32>,
      %swap3A_96 = vector.shape_cast %swap3A_95 : vector<1x16xf32> to vector<16xf32>
      %swap3A_97 = vector.shape_cast %broadcast_in_dim3A_25 : vector<16xf32> to vector<1x16xf32>
      tpu.vector_store %arg12[%swap3A_93, %swap3A_94], %swap3A_97 {strides = array<i32>} : memref<128x128xf32, #tpu.memory_space<vmem>>, vector<1x16xf32>,
      %swap3A_98 = arith.index_cast %scan3A_82 : i32 to index
      %swap3A_99 = arith.constant 48 : index
      %swap3A_100 = tpu.vector_load %arg12[%swap3A_98, %swap3A_99] {strides = array<i32>} : memref<128x128xf32, #tpu.memory_space<vmem>>, vector<1x16xf32>,
      %swap3A_101 = vector.shape_cast %swap3A_100 : vector<1x16xf32> to vector<16xf32>
      %swap3A_102 = vector.shape_cast %broadcast_in_dim3A_25 : vector<16xf32> to vector<1x16xf32>
      tpu.vector_store %arg12[%swap3A_98, %swap3A_99], %swap3A_102 {strides = array<i32>} : memref<128x128xf32, #tpu.memory_space<vmem>>, vector<1x16xf32>,
      %swap3A_103 = arith.index_cast %scan3A_82 : i32 to index
      %swap3A_104 = arith.constant 64 : index
      %swap3A_105 = tpu.vector_load %arg12[%swap3A_103, %swap3A_104] {strides = array<i32>} : memref<128x128xf32, #tpu.memory_space<vmem>>, vector<1x16xf32>,
      %swap3A_106 = vector.shape_cast %swap3A_105 : vector<1x16xf32> to vector<16xf32>
      %swap3A_107 = vector.shape_cast %broadcast_in_dim3A_25 : vector<16xf32> to vector<1x16xf32>
      tpu.vector_store %arg12[%swap3A_103, %swap3A_104], %swap3A_107 {strides = array<i32>} : memref<128x128xf32, #tpu.memory_space<vmem>>, vector<1x16xf32>,
      %swap3A_108 = arith.index_cast %scan3A_82 : i32 to index
      %swap3A_109 = arith.constant 80 : index
      %swap3A_110 = tpu.vector_load %arg12[%swap3A_108, %swap3A_109] {strides = array<i32>} : memref<128x128xf32, #tpu.memory_space<vmem>>, vector<1x16xf32>,
      %swap3A_111 = vector.shape_cast %swap3A_110 : vector<1x16xf32> to vector<16xf32>
      %swap3A_112 = vector.shape_cast %broadcast_in_dim3A_25 : vector<16xf32> to vector<1x16xf32>
      tpu.vector_store %arg12[%swap3A_108, %swap3A_109], %swap3A_112 {strides = array<i32>} : memref<128x128xf32, #tpu.memory_space<vmem>>, vector<1x16xf32>,
      %swap3A_113 = arith.index_cast %scan3A_82 : i32 to index
      %swap3A_114 = arith.constant 96 : index
      %swap3A_115 = tpu.vector_load %arg12[%swap3A_113, %swap3A_114] {strides = array<i32>} : memref<128x128xf32, #tpu.memory_space<vmem>>, vector<1x16xf32>,
      %swap3A_116 = vector.shape_cast %swap3A_115 : vector<1x16xf32> to vector<16xf32>
      %swap3A_117 = vector.shape_cast %broadcast_in_dim3A_25 : vector<16xf32> to vector<1x16xf32>
      tpu.vector_store %arg12[%swap3A_113, %swap3A_114], %swap3A_117 {strides = array<i32>} : memref<128x128xf32, #tpu.memory_space<vmem>>, vector<1x16xf32>,
      %swap3A_118 = arith.index_cast %scan3A_82 : i32 to index
      %swap3A_119 = arith.constant 112 : index
      %swap3A_120 = tpu.vector_load %arg12[%swap3A_118, %swap3A_119] {strides = array<i32>} : memref<128x128xf32, #tpu.memory_space<vmem>>, vector<1x16xf32>,
      %swap3A_121 = vector.shape_cast %swap3A_120 : vector<1x16xf32> to vector<16xf32>
      %swap3A_122 = vector.shape_cast %broadcast_in_dim3A_25 : vector<16xf32> to vector<1x16xf32>
      tpu.vector_store %arg12[%swap3A_118, %swap3A_119], %swap3A_122 {strides = array<i32>} : memref<128x128xf32, #tpu.memory_space<vmem>>, vector<1x16xf32>,
      %scan3A_123 = arith.constant 0 : i32
      scf.yield %scan3A_123 : i32
    }
    %scan3A_31 = arith.constant 128 : i32
    %add3A_32 = arith.constant 0 : i32
    %add3A_33 = arith.addi %mul3A_2, %add3A_32 : i32
    "tpu.region"() ({
      %run_scoped3A = tpu.sem_alloc : memref<!tpu.dma_semaphore, #tpu.memory_space<semaphore_mem>>
      %dma_start3A = arith.constant 0 : i32
      %dma_start3A_82 = tpu.memref_slice %arg15[%add3A_33, %dma_start3A] : memref<10112x128xf32, #tpu.memory_space<vmem_shared>> -> memref<128x128xf32, #tpu.memory_space<vmem_shared>>
      %dma_start3A_83 = arith.constant 0 : i32
      %dma_start3A_84 = tpu.memref_slice %arg15[%add3A_33, %dma_start3A_83] : memref<10112x128xf32, #tpu.memory_space<vmem_shared>> -> memref<128x128xf32, #tpu.memory_space<vmem_shared>>
      tpu.enqueue_dma source(%arg12 : memref<128x128xf32, #tpu.memory_space<vmem>>) target(%dma_start3A_84 : memref<128x128xf32, #tpu.memory_space<vmem_shared>>) target_semaphore(%run_scoped3A : memref<!tpu.dma_semaphore, #tpu.memory_space<semaphore_mem>>)
      %dma_wait3A = arith.constant 0 : i32
      %dma_wait3A_85 = tpu.memref_slice %arg15[%add3A_33, %dma_wait3A] : memref<10112x128xf32, #tpu.memory_space<vmem_shared>> -> memref<128x128xf32, #tpu.memory_space<vmem_shared>>
      %dma_wait3A_86 = arith.constant 0 : i32
      %dma_wait3A_87 = tpu.memref_slice %arg15[%add3A_33, %dma_wait3A_86] : memref<10112x128xf32, #tpu.memory_space<vmem_shared>> -> memref<128x128xf32, #tpu.memory_space<vmem_shared>>
      tpu.wait_dma2 semaphore(%run_scoped3A : memref<!tpu.dma_semaphore, #tpu.memory_space<semaphore_mem>>) src(%arg12 : memref<128x128xf32, #tpu.memory_space<vmem>>) dst(%dma_wait3A_87 : memref<128x128xf32, #tpu.memory_space<vmem_shared>>)
      tpu.yield
    }) : () -> ()
    %add3A_34 = arith.constant 128 : i32
    %add3A_35 = arith.addi %mul3A_2, %add3A_34 : i32
    "tpu.region"() ({
      %run_scoped3A = tpu.sem_alloc : memref<!tpu.dma_semaphore, #tpu.memory_space<semaphore_mem>>
      %dma_start3A = arith.constant 0 : i32
      %dma_start3A_82 = tpu.memref_slice %arg15[%add3A_35, %dma_start3A] : memref<10112x128xf32, #tpu.memory_space<vmem_shared>> -> memref<128x128xf32, #tpu.memory_space<vmem_shared>>
      %dma_start3A_83 = arith.constant 0 : i32
      %dma_start3A_84 = tpu.memref_slice %arg15[%add3A_35, %dma_start3A_83] : memref<10112x128xf32, #tpu.memory_space<vmem_shared>> -> memref<128x128xf32, #tpu.memory_space<vmem_shared>>
      tpu.enqueue_dma source(%arg12 : memref<128x128xf32, #tpu.memory_space<vmem>>) target(%dma_start3A_84 : memref<128x128xf32, #tpu.memory_space<vmem_shared>>) target_semaphore(%run_scoped3A : memref<!tpu.dma_semaphore, #tpu.memory_space<semaphore_mem>>)
      %dma_wait3A = arith.constant 0 : i32
      %dma_wait3A_85 = tpu.memref_slice %arg15[%add3A_35, %dma_wait3A] : memref<10112x128xf32, #tpu.memory_space<vmem_shared>> -> memref<128x128xf32, #tpu.memory_space<vmem_shared>>
      %dma_wait3A_86 = arith.constant 0 : i32
      %dma_wait3A_87 = tpu.memref_slice %arg15[%add3A_35, %dma_wait3A_86] : memref<10112x128xf32, #tpu.memory_space<vmem_shared>> -> memref<128x128xf32, #tpu.memory_space<vmem_shared>>
      tpu.wait_dma2 semaphore(%run_scoped3A : memref<!tpu.dma_semaphore, #tpu.memory_space<semaphore_mem>>) src(%arg12 : memref<128x128xf32, #tpu.memory_space<vmem>>) dst(%dma_wait3A_87 : memref<128x128xf32, #tpu.memory_space<vmem_shared>>)
      tpu.yield
    }) : () -> ()
    %add3A_36 = arith.constant 256 : i32
    %add3A_37 = arith.addi %mul3A_2, %add3A_36 : i32
    "tpu.region"() ({
      %run_scoped3A = tpu.sem_alloc : memref<!tpu.dma_semaphore, #tpu.memory_space<semaphore_mem>>
      %dma_start3A = arith.constant 0 : i32
      %dma_start3A_82 = tpu.memref_slice %arg15[%add3A_37, %dma_start3A] : memref<10112x128xf32, #tpu.memory_space<vmem_shared>> -> memref<128x128xf32, #tpu.memory_space<vmem_shared>>
      %dma_start3A_83 = arith.constant 0 : i32
      %dma_start3A_84 = tpu.memref_slice %arg15[%add3A_37, %dma_start3A_83] : memref<10112x128xf32, #tpu.memory_space<vmem_shared>> -> memref<128x128xf32, #tpu.memory_space<vmem_shared>>
      tpu.enqueue_dma source(%arg12 : memref<128x128xf32, #tpu.memory_space<vmem>>) target(%dma_start3A_84 : memref<128x128xf32, #tpu.memory_space<vmem_shared>>) target_semaphore(%run_scoped3A : memref<!tpu.dma_semaphore, #tpu.memory_space<semaphore_mem>>)
      %dma_wait3A = arith.constant 0 : i32
      %dma_wait3A_85 = tpu.memref_slice %arg15[%add3A_37, %dma_wait3A] : memref<10112x128xf32, #tpu.memory_space<vmem_shared>> -> memref<128x128xf32, #tpu.memory_space<vmem_shared>>
      %dma_wait3A_86 = arith.constant 0 : i32
      %dma_wait3A_87 = tpu.memref_slice %arg15[%add3A_37, %dma_wait3A_86] : memref<10112x128xf32, #tpu.memory_space<vmem_shared>> -> memref<128x128xf32, #tpu.memory_space<vmem_shared>>
      tpu.wait_dma2 semaphore(%run_scoped3A : memref<!tpu.dma_semaphore, #tpu.memory_space<semaphore_mem>>) src(%arg12 : memref<128x128xf32, #tpu.memory_space<vmem>>) dst(%dma_wait3A_87 : memref<128x128xf32, #tpu.memory_space<vmem_shared>>)
      tpu.yield
    }) : () -> ()
    %add3A_38 = arith.constant 384 : i32
    %add3A_39 = arith.addi %mul3A_2, %add3A_38 : i32
    "tpu.region"() ({
      %run_scoped3A = tpu.sem_alloc : memref<!tpu.dma_semaphore, #tpu.memory_space<semaphore_mem>>
      %dma_start3A = arith.constant 0 : i32
      %dma_start3A_82 = tpu.memref_slice %arg15[%add3A_39, %dma_start3A] : memref<10112x128xf32, #tpu.memory_space<vmem_shared>> -> memref<128x128xf32, #tpu.memory_space<vmem_shared>>
      %dma_start3A_83 = arith.constant 0 : i32
      %dma_start3A_84 = tpu.memref_slice %arg15[%add3A_39, %dma_start3A_83] : memref<10112x128xf32, #tpu.memory_space<vmem_shared>> -> memref<128x128xf32, #tpu.memory_space<vmem_shared>>
      tpu.enqueue_dma source(%arg12 : memref<128x128xf32, #tpu.memory_space<vmem>>) target(%dma_start3A_84 : memref<128x128xf32, #tpu.memory_space<vmem_shared>>) target_semaphore(%run_scoped3A : memref<!tpu.dma_semaphore, #tpu.memory_space<semaphore_mem>>)
      %dma_wait3A = arith.constant 0 : i32
      %dma_wait3A_85 = tpu.memref_slice %arg15[%add3A_39, %dma_wait3A] : memref<10112x128xf32, #tpu.memory_space<vmem_shared>> -> memref<128x128xf32, #tpu.memory_space<vmem_shared>>
      %dma_wait3A_86 = arith.constant 0 : i32
      %dma_wait3A_87 = tpu.memref_slice %arg15[%add3A_39, %dma_wait3A_86] : memref<10112x128xf32, #tpu.memory_space<vmem_shared>> -> memref<128x128xf32, #tpu.memory_space<vmem_shared>>
      tpu.wait_dma2 semaphore(%run_scoped3A : memref<!tpu.dma_semaphore, #tpu.memory_space<semaphore_mem>>) src(%arg12 : memref<128x128xf32, #tpu.memory_space<vmem>>) dst(%dma_wait3A_87 : memref<128x128xf32, #tpu.memory_space<vmem_shared>>)
      tpu.yield
    }) : () -> ()
    %add3A_40 = arith.constant 512 : i32
    %add3A_41 = arith.addi %mul3A_2, %add3A_40 : i32
    "tpu.region"() ({
      %run_scoped3A = tpu.sem_alloc : memref<!tpu.dma_semaphore, #tpu.memory_space<semaphore_mem>>
      %dma_start3A = arith.constant 0 : i32
      %dma_start3A_82 = arith.constant 0 : i32
      %dma_start3A_83 = tpu.memref_slice %arg12[%dma_start3A, %dma_start3A_82] : memref<128x128xf32, #tpu.memory_space<vmem>> -> memref<120x128xf32, #tpu.memory_space<vmem>>
      %dma_start3A_84 = arith.constant 0 : i32
      %dma_start3A_85 = tpu.memref_slice %arg15[%add3A_41, %dma_start3A_84] : memref<10112x128xf32, #tpu.memory_space<vmem_shared>> -> memref<120x128xf32, #tpu.memory_space<vmem_shared>>
      %dma_start3A_86 = arith.constant 0 : i32
      %dma_start3A_87 = tpu.memref_slice %arg15[%add3A_41, %dma_start3A_86] : memref<10112x128xf32, #tpu.memory_space<vmem_shared>> -> memref<120x128xf32, #tpu.memory_space<vmem_shared>>
      %dma_start3A_88 = arith.constant 0 : i32
      %dma_start3A_89 = arith.constant 0 : i32
      %dma_start3A_90 = tpu.memref_slice %arg12[%dma_start3A_88, %dma_start3A_89] : memref<128x128xf32, #tpu.memory_space<vmem>> -> memref<120x128xf32, #tpu.memory_space<vmem>>
      tpu.enqueue_dma source(%dma_start3A_90 : memref<120x128xf32, #tpu.memory_space<vmem>>) target(%dma_start3A_87 : memref<120x128xf32, #tpu.memory_space<vmem_shared>>) target_semaphore(%run_scoped3A : memref<!tpu.dma_semaphore, #tpu.memory_space<semaphore_mem>>)
      %dma_wait3A = arith.constant 0 : i32
      %dma_wait3A_91 = arith.constant 0 : i32
      %dma_wait3A_92 = tpu.memref_slice %arg12[%dma_wait3A, %dma_wait3A_91] : memref<128x128xf32, #tpu.memory_space<vmem>> -> memref<120x128xf32, #tpu.memory_space<vmem>>
      %dma_wait3A_93 = arith.constant 0 : i32
      %dma_wait3A_94 = tpu.memref_slice %arg15[%add3A_41, %dma_wait3A_93] : memref<10112x128xf32, #tpu.memory_space<vmem_shared>> -> memref<120x128xf32, #tpu.memory_space<vmem_shared>>
      %dma_wait3A_95 = arith.constant 0 : i32
      %dma_wait3A_96 = tpu.memref_slice %arg15[%add3A_41, %dma_wait3A_95] : memref<10112x128xf32, #tpu.memory_space<vmem_shared>> -> memref<120x128xf32, #tpu.memory_space<vmem_shared>>
      %dma_wait3A_97 = arith.constant 0 : i32
      %dma_wait3A_98 = arith.constant 0 : i32
      %dma_wait3A_99 = tpu.memref_slice %arg12[%dma_wait3A_97, %dma_wait3A_98] : memref<128x128xf32, #tpu.memory_space<vmem>> -> memref<120x128xf32, #tpu.memory_space<vmem>>
      tpu.wait_dma2 semaphore(%run_scoped3A : memref<!tpu.dma_semaphore, #tpu.memory_space<semaphore_mem>>) src(%dma_wait3A_99 : memref<120x128xf32, #tpu.memory_space<vmem>>) dst(%dma_wait3A_96 : memref<120x128xf32, #tpu.memory_space<vmem_shared>>)
      tpu.yield
    }) : () -> ()
    %barrier3A = arith.constant 0 : index
    tpu.barrier barrier_id(%barrier3A)
    %add3A_42 = arith.constant 6 : i32
    %add3A_43 = arith.addi %select_n3A, %add3A_42 : i32
    %sub3A_44 = arith.constant 1 : i32
    %sub3A_45 = arith.subi %add3A_43, %sub3A_44 : i32
    %jit3A_46 = arith.constant 3 : i32
    %div3A_47 = arith.divsi %sub3A_45, %jit3A_46 : i32
    %sign3A_48 = arith.constant 0 : i32
    %sign3A_49 = arith.cmpi sgt, %sub3A_45, %sign3A_48 : i32
    %sign3A_50 = arith.extui %sign3A_49 : i1 to i32
    %sign3A_51 = arith.constant 0 : i32
    %sign3A_52 = arith.cmpi slt, %sub3A_45, %sign3A_51 : i32
    %sign3A_53 = arith.extui %sign3A_52 : i1 to i32
    %sign3A_54 = arith.subi %sign3A_50, %sign3A_53 : i32
    %sign3A_55 = arith.constant 0 : i32
    %sign3A_56 = arith.cmpi sgt, %jit3A_46, %sign3A_55 : i32
    %sign3A_57 = arith.extui %sign3A_56 : i1 to i32
    %sign3A_58 = arith.constant 0 : i32
    %sign3A_59 = arith.cmpi slt, %jit3A_46, %sign3A_58 : i32
    %sign3A_60 = arith.extui %sign3A_59 : i1 to i32
    %sign3A_61 = arith.subi %sign3A_57, %sign3A_60 : i32
    %ne3A_62 = arith.cmpi ne, %sign3A_54, %sign3A_61 : i32
    %rem3A_63 = arith.remsi %sub3A_45, %jit3A_46 : i32
    %ne3A_64 = arith.constant 0 : i32
    %ne3A_65 = arith.cmpi ne, %rem3A_63, %ne3A_64 : i32
    %and3A_66 = arith.andi %ne3A_62, %ne3A_65 : i1
    %sub3A_67 = arith.constant 1 : i32
    %sub3A_68 = arith.subi %div3A_47, %sub3A_67 : i32
    %select_n3A_69 = arith.select %and3A_66, %sub3A_68, %div3A_47 : i32
    %while3A = arith.constant 0 : i32
    %while3A_70 = arith.constant 0 : i32
    %while3A_71 = arith.subi %select_n3A_69, %while3A : i32
    %while3A_72 = arith.addi %while3A, %while3A_71 : i32
    %while3A_73 = arith.constant 1 : i32
    %while3A_74 = arith.divsi %while3A_71, %while3A_73 : i32
    %while3A_75 = arith.muli %while3A_74, %while3A_73 : i32
    %while3A_76 = arith.addi %while3A, %while3A_75 : i32
    %while3A_77 = arith.constant 1 : i32
    %while3A_78 = scf.for %while3A_82 = %while3A to %while3A_76 step %while3A_77 iter_args(%while3A_83 = %while3A_70) -> (i32)  : i32 {
      %mul3A_84 = arith.constant 3 : i32
      %mul3A_85 = arith.muli %while3A_82, %mul3A_84 : i32
      %add3A_86 = arith.constant 0 : i32
      %add3A_87 = arith.addi %mul3A_85, %add3A_86 : i32
      %ge3A = arith.constant 3 : i32
      %ge3A_88 = arith.cmpi sge, %add3A_87, %ge3A : i32
      %sub3A_89 = arith.constant 3 : i32
      %sub3A_90 = arith.subi %add3A_87, %sub3A_89 : i32
      %lt3A = arith.cmpi slt, %sub3A_90, %select_n3A : i32
      %and3A_91 = arith.andi %ge3A_88, %lt3A : i1
      %convert_element_type3A = arith.extui %and3A_91 : i1 to i32
      %cond3A = arith.constant 0 : i32
      %cond3A_92 = arith.cmpi ne, %convert_element_type3A, %cond3A : i32
      scf.if %cond3A_92 {
        %dma_wait3A = arith.constant 0 : i32
        %dma_wait3A_186 = arith.constant 0 : i32
        %dma_wait3A_187 = tpu.memref_slice %arg15[%dma_wait3A, %dma_wait3A_186] : memref<10112x128xf32, #tpu.memory_space<vmem_shared>> -> memref<10112x128xf32, #tpu.memory_space<vmem_shared>>
        tpu.wait_indirect_dma semaphore(%arg25 : memref<!tpu.dma_semaphore, #tpu.memory_space<semaphore_mem>>) src(%arg12 : memref<128x128xf32, #tpu.memory_space<vmem>>) dst(%dma_wait3A_187 : memref<10112x128xf32, #tpu.memory_space<vmem_shared>>)
      } else {
      }
      %lt3A_93 = arith.cmpi slt, %add3A_87, %select_n3A : i32
      %convert_element_type3A_94 = arith.extui %lt3A_93 : i1 to i32
      %cond3A_95 = arith.constant 0 : i32
      %cond3A_96 = arith.cmpi ne, %convert_element_type3A_94, %cond3A_95 : i32
      scf.if %cond3A_96 {
        %mul3A_186 = arith.constant 32 : i32
        %mul3A_187 = arith.muli %add3A_87, %mul3A_186 : i32
        %add3A_188 = arith.addi %mul3A_187, %add3A : i32
        %mul3A_189 = arith.constant 128 : i32
        %mul3A_190 = arith.muli %add3A_188, %mul3A_189 : i32
        %dma_start3A = tpu.memref_slice %arg3[%mul3A_190] : memref<320000xi32, #tpu.memory_space<hbm>> -> memref<128xi32, #tpu.memory_space<hbm>>
        %dma_start3A_191 = tpu.memref_slice %arg3[%mul3A_190] : memref<320000xi32, #tpu.memory_space<hbm>> -> memref<128xi32, #tpu.memory_space<hbm>>
        tpu.enqueue_dma source(%dma_start3A_191 : memref<128xi32, #tpu.memory_space<hbm>>) target(%arg6 : memref<128xi32, #tpu.memory_space<vmem>>) target_semaphore(%arg16 : memref<!tpu.dma_semaphore, #tpu.memory_space<semaphore_mem>>)
        %mul3A_192 = arith.constant 128 : i32
        %mul3A_193 = arith.muli %add3A_188, %mul3A_192 : i32
        %dma_start3A_194 = tpu.memref_slice %arg4[%mul3A_193] : memref<320000xi32, #tpu.memory_space<hbm>> -> memref<128xi32, #tpu.memory_space<hbm>>
        %dma_start3A_195 = tpu.memref_slice %arg4[%mul3A_193] : memref<320000xi32, #tpu.memory_space<hbm>> -> memref<128xi32, #tpu.memory_space<hbm>>
        tpu.enqueue_dma source(%dma_start3A_195 : memref<128xi32, #tpu.memory_space<hbm>>) target(%arg9 : memref<128xi32, #tpu.memory_space<vmem>>) target_semaphore(%arg19 : memref<!tpu.dma_semaphore, #tpu.memory_space<semaphore_mem>>)
      } else {
      }
      %sub3A_97 = arith.constant 1 : i32
      %sub3A_98 = arith.subi %add3A_87, %sub3A_97 : i32
      %ge3A_99 = arith.constant 0 : i32
      %ge3A_100 = arith.cmpi sge, %sub3A_98, %ge3A_99 : i32
      %lt3A_101 = arith.cmpi slt, %sub3A_98, %select_n3A : i32
      %and3A_102 = arith.andi %ge3A_100, %lt3A_101 : i1
      %convert_element_type3A_103 = arith.extui %and3A_102 : i1 to i32
      %cond3A_104 = arith.constant 0 : i32
      %cond3A_105 = arith.cmpi ne, %convert_element_type3A_103, %cond3A_104 : i32
      scf.if %cond3A_105 {
        %dma_wait3A = arith.constant 0 : i32
        %dma_wait3A_186 = tpu.memref_slice %arg3[%dma_wait3A] : memref<320000xi32, #tpu.memory_space<hbm>> -> memref<128xi32, #tpu.memory_space<hbm>>
        %dma_wait3A_187 = arith.constant 0 : i32
        %dma_wait3A_188 = tpu.memref_slice %arg3[%dma_wait3A_187] : memref<320000xi32, #tpu.memory_space<hbm>> -> memref<128xi32, #tpu.memory_space<hbm>>
        tpu.wait_dma2 semaphore(%arg18 : memref<!tpu.dma_semaphore, #tpu.memory_space<semaphore_mem>>) src(%dma_wait3A_188 : memref<128xi32, #tpu.memory_space<hbm>>) dst(%arg8 : memref<128xi32, #tpu.memory_space<vmem>>)
        %dma_start3A = arith.constant 0 : i32
        %dma_start3A_189 = arith.constant 0 : i32
        %dma_start3A_190 = tpu.memref_slice %arg2[%dma_start3A, %dma_start3A_189] : memref<10000x128xf32, #tpu.memory_space<hbm>> -> memref<10000x128xf32, #tpu.memory_space<hbm>>
        tpu.enqueue_indirect_dma source(%dma_start3A_190 : memref<10000x128xf32, #tpu.memory_space<hbm>>) target(%arg14 : memref<128x128xf32, #tpu.memory_space<vmem>>) offsets(%arg8 : memref<128xi32, #tpu.memory_space<vmem>>) semaphore(%arg24 : memref<!tpu.dma_semaphore, #tpu.memory_space<semaphore_mem>>)
      } else {
      }
      %sub3A_106 = arith.constant 2 : i32
      %sub3A_107 = arith.subi %add3A_87, %sub3A_106 : i32
      %ge3A_108 = arith.constant 0 : i32
      %ge3A_109 = arith.cmpi sge, %sub3A_107, %ge3A_108 : i32
      %lt3A_110 = arith.cmpi slt, %sub3A_107, %select_n3A : i32
      %and3A_111 = arith.andi %ge3A_109, %lt3A_110 : i1
      %convert_element_type3A_112 = arith.extui %and3A_111 : i1 to i32
      %cond3A_113 = arith.constant 0 : i32
      %cond3A_114 = arith.cmpi ne, %convert_element_type3A_112, %cond3A_113 : i32
      scf.if %cond3A_114 {
        %dma_wait3A = arith.constant 0 : i32
        %dma_wait3A_186 = tpu.memref_slice %arg4[%dma_wait3A] : memref<320000xi32, #tpu.memory_space<hbm>> -> memref<128xi32, #tpu.memory_space<hbm>>
        %dma_wait3A_187 = arith.constant 0 : i32
        %dma_wait3A_188 = tpu.memref_slice %arg4[%dma_wait3A_187] : memref<320000xi32, #tpu.memory_space<hbm>> -> memref<128xi32, #tpu.memory_space<hbm>>
        tpu.wait_dma2 semaphore(%arg20 : memref<!tpu.dma_semaphore, #tpu.memory_space<semaphore_mem>>) src(%dma_wait3A_188 : memref<128xi32, #tpu.memory_space<hbm>>) dst(%arg10 : memref<128xi32, #tpu.memory_space<vmem>>)
        %dma_wait3A_189 = arith.constant 0 : i32
        %dma_wait3A_190 = arith.constant 0 : i32
        %dma_wait3A_191 = tpu.memref_slice %arg2[%dma_wait3A_189, %dma_wait3A_190] : memref<10000x128xf32, #tpu.memory_space<hbm>> -> memref<10000x128xf32, #tpu.memory_space<hbm>>
        tpu.wait_indirect_dma semaphore(%arg23 : memref<!tpu.dma_semaphore, #tpu.memory_space<semaphore_mem>>) src(%dma_wait3A_191 : memref<10000x128xf32, #tpu.memory_space<hbm>>) dst(%arg13 : memref<128x128xf32, #tpu.memory_space<vmem>>)
        %dma_start3A = arith.constant 0 : i32
        %dma_start3A_192 = arith.constant 0 : i32
        %dma_start3A_193 = tpu.memref_slice %arg15[%dma_start3A, %dma_start3A_192] : memref<10112x128xf32, #tpu.memory_space<vmem_shared>> -> memref<10112x128xf32, #tpu.memory_space<vmem_shared>>
        tpu.enqueue_indirect_dma source(%arg13 : memref<128x128xf32, #tpu.memory_space<vmem>>) target(%dma_start3A_193 : memref<10112x128xf32, #tpu.memory_space<vmem_shared>>) offsets(%arg10 : memref<128xi32, #tpu.memory_space<vmem>>) semaphore(%arg26 : memref<!tpu.dma_semaphore, #tpu.memory_space<semaphore_mem>>) {add = true}
      } else {
      }
      %mul3A_115 = arith.constant 3 : i32
      %mul3A_116 = arith.muli %while3A_82, %mul3A_115 : i32
      %add3A_117 = arith.constant 1 : i32
      %add3A_118 = arith.addi %mul3A_116, %add3A_117 : i32
      %ge3A_119 = arith.constant 3 : i32
      %ge3A_120 = arith.cmpi sge, %add3A_118, %ge3A_119 : i32
      %sub3A_121 = arith.constant 3 : i32
      %sub3A_122 = arith.subi %add3A_118, %sub3A_121 : i32
      %lt3A_123 = arith.cmpi slt, %sub3A_122, %select_n3A : i32
      %and3A_124 = arith.andi %ge3A_120, %lt3A_123 : i1
      %convert_element_type3A_125 = arith.extui %and3A_124 : i1 to i32
      %cond3A_126 = arith.constant 0 : i32
      %cond3A_127 = arith.cmpi ne, %convert_element_type3A_125, %cond3A_126 : i32
      scf.if %cond3A_127 {
        %dma_wait3A = arith.constant 0 : i32
        %dma_wait3A_186 = arith.constant 0 : i32
        %dma_wait3A_187 = tpu.memref_slice %arg15[%dma_wait3A, %dma_wait3A_186] : memref<10112x128xf32, #tpu.memory_space<vmem_shared>> -> memref<10112x128xf32, #tpu.memory_space<vmem_shared>>
        tpu.wait_indirect_dma semaphore(%arg26 : memref<!tpu.dma_semaphore, #tpu.memory_space<semaphore_mem>>) src(%arg13 : memref<128x128xf32, #tpu.memory_space<vmem>>) dst(%dma_wait3A_187 : memref<10112x128xf32, #tpu.memory_space<vmem_shared>>)
      } else {
      }
      %lt3A_128 = arith.cmpi slt, %add3A_118, %select_n3A : i32
      %convert_element_type3A_129 = arith.extui %lt3A_128 : i1 to i32
      %cond3A_130 = arith.constant 0 : i32
      %cond3A_131 = arith.cmpi ne, %convert_element_type3A_129, %cond3A_130 : i32
      scf.if %cond3A_131 {
        %mul3A_186 = arith.constant 32 : i32
        %mul3A_187 = arith.muli %add3A_118, %mul3A_186 : i32
        %add3A_188 = arith.addi %mul3A_187, %add3A : i32
        %mul3A_189 = arith.constant 128 : i32
        %mul3A_190 = arith.muli %add3A_188, %mul3A_189 : i32
        %dma_start3A = tpu.memref_slice %arg3[%mul3A_190] : memref<320000xi32, #tpu.memory_space<hbm>> -> memref<128xi32, #tpu.memory_space<hbm>>
        %dma_start3A_191 = tpu.memref_slice %arg3[%mul3A_190] : memref<320000xi32, #tpu.memory_space<hbm>> -> memref<128xi32, #tpu.memory_space<hbm>>
        tpu.enqueue_dma source(%dma_start3A_191 : memref<128xi32, #tpu.memory_space<hbm>>) target(%arg7 : memref<128xi32, #tpu.memory_space<vmem>>) target_semaphore(%arg17 : memref<!tpu.dma_semaphore, #tpu.memory_space<semaphore_mem>>)
        %mul3A_192 = arith.constant 128 : i32
        %mul3A_193 = arith.muli %add3A_188, %mul3A_192 : i32
        %dma_start3A_194 = tpu.memref_slice %arg4[%mul3A_193] : memref<320000xi32, #tpu.memory_space<hbm>> -> memref<128xi32, #tpu.memory_space<hbm>>
        %dma_start3A_195 = tpu.memref_slice %arg4[%mul3A_193] : memref<320000xi32, #tpu.memory_space<hbm>> -> memref<128xi32, #tpu.memory_space<hbm>>
        tpu.enqueue_dma source(%dma_start3A_195 : memref<128xi32, #tpu.memory_space<hbm>>) target(%arg10 : memref<128xi32, #tpu.memory_space<vmem>>) target_semaphore(%arg20 : memref<!tpu.dma_semaphore, #tpu.memory_space<semaphore_mem>>)
      } else {
      }
      %sub3A_132 = arith.constant 1 : i32
      %sub3A_133 = arith.subi %add3A_118, %sub3A_132 : i32
      %ge3A_134 = arith.constant 0 : i32
      %ge3A_135 = arith.cmpi sge, %sub3A_133, %ge3A_134 : i32
      %lt3A_136 = arith.cmpi slt, %sub3A_133, %select_n3A : i32
      %and3A_137 = arith.andi %ge3A_135, %lt3A_136 : i1
      %convert_element_type3A_138 = arith.extui %and3A_137 : i1 to i32
      %cond3A_139 = arith.constant 0 : i32
      %cond3A_140 = arith.cmpi ne, %convert_element_type3A_138, %cond3A_139 : i32
      scf.if %cond3A_140 {
        %dma_wait3A = arith.constant 0 : i32
        %dma_wait3A_186 = tpu.memref_slice %arg3[%dma_wait3A] : memref<320000xi32, #tpu.memory_space<hbm>> -> memref<128xi32, #tpu.memory_space<hbm>>
        %dma_wait3A_187 = arith.constant 0 : i32
        %dma_wait3A_188 = tpu.memref_slice %arg3[%dma_wait3A_187] : memref<320000xi32, #tpu.memory_space<hbm>> -> memref<128xi32, #tpu.memory_space<hbm>>
        tpu.wait_dma2 semaphore(%arg16 : memref<!tpu.dma_semaphore, #tpu.memory_space<semaphore_mem>>) src(%dma_wait3A_188 : memref<128xi32, #tpu.memory_space<hbm>>) dst(%arg6 : memref<128xi32, #tpu.memory_space<vmem>>)
        %dma_start3A = arith.constant 0 : i32
        %dma_start3A_189 = arith.constant 0 : i32
        %dma_start3A_190 = tpu.memref_slice %arg2[%dma_start3A, %dma_start3A_189] : memref<10000x128xf32, #tpu.memory_space<hbm>> -> memref<10000x128xf32, #tpu.memory_space<hbm>>
        tpu.enqueue_indirect_dma source(%dma_start3A_190 : memref<10000x128xf32, #tpu.memory_space<hbm>>) target(%arg12 : memref<128x128xf32, #tpu.memory_space<vmem>>) offsets(%arg6 : memref<128xi32, #tpu.memory_space<vmem>>) semaphore(%arg22 : memref<!tpu.dma_semaphore, #tpu.memory_space<semaphore_mem>>)
      } else {
      }
      %sub3A_141 = arith.constant 2 : i32
      %sub3A_142 = arith.subi %add3A_118, %sub3A_141 : i32
      %ge3A_143 = arith.constant 0 : i32
      %ge3A_144 = arith.cmpi sge, %sub3A_142, %ge3A_143 : i32
      %lt3A_145 = arith.cmpi slt, %sub3A_142, %select_n3A : i32
      %and3A_146 = arith.andi %ge3A_144, %lt3A_145 : i1
      %convert_element_type3A_147 = arith.extui %and3A_146 : i1 to i32
      %cond3A_148 = arith.constant 0 : i32
      %cond3A_149 = arith.cmpi ne, %convert_element_type3A_147, %cond3A_148 : i32
      scf.if %cond3A_149 {
        %dma_wait3A = arith.constant 0 : i32
        %dma_wait3A_186 = tpu.memref_slice %arg4[%dma_wait3A] : memref<320000xi32, #tpu.memory_space<hbm>> -> memref<128xi32, #tpu.memory_space<hbm>>
        %dma_wait3A_187 = arith.constant 0 : i32
        %dma_wait3A_188 = tpu.memref_slice %arg4[%dma_wait3A_187] : memref<320000xi32, #tpu.memory_space<hbm>> -> memref<128xi32, #tpu.memory_space<hbm>>
        tpu.wait_dma2 semaphore(%arg21 : memref<!tpu.dma_semaphore, #tpu.memory_space<semaphore_mem>>) src(%dma_wait3A_188 : memref<128xi32, #tpu.memory_space<hbm>>) dst(%arg11 : memref<128xi32, #tpu.memory_space<vmem>>)
        %dma_wait3A_189 = arith.constant 0 : i32
        %dma_wait3A_190 = arith.constant 0 : i32
        %dma_wait3A_191 = tpu.memref_slice %arg2[%dma_wait3A_189, %dma_wait3A_190] : memref<10000x128xf32, #tpu.memory_space<hbm>> -> memref<10000x128xf32, #tpu.memory_space<hbm>>
        tpu.wait_indirect_dma semaphore(%arg24 : memref<!tpu.dma_semaphore, #tpu.memory_space<semaphore_mem>>) src(%dma_wait3A_191 : memref<10000x128xf32, #tpu.memory_space<hbm>>) dst(%arg14 : memref<128x128xf32, #tpu.memory_space<vmem>>)
        %dma_start3A = arith.constant 0 : i32
        %dma_start3A_192 = arith.constant 0 : i32
        %dma_start3A_193 = tpu.memref_slice %arg15[%dma_start3A, %dma_start3A_192] : memref<10112x128xf32, #tpu.memory_space<vmem_shared>> -> memref<10112x128xf32, #tpu.memory_space<vmem_shared>>
        tpu.enqueue_indirect_dma source(%arg14 : memref<128x128xf32, #tpu.memory_space<vmem>>) target(%dma_start3A_193 : memref<10112x128xf32, #tpu.memory_space<vmem_shared>>) offsets(%arg11 : memref<128xi32, #tpu.memory_space<vmem>>) semaphore(%arg27 : memref<!tpu.dma_semaphore, #tpu.memory_space<semaphore_mem>>) {add = true}
      } else {
      }
      %mul3A_150 = arith.constant 3 : i32
      %mul3A_151 = arith.muli %while3A_82, %mul3A_150 : i32
      %add3A_152 = arith.constant 2 : i32
      %add3A_153 = arith.addi %mul3A_151, %add3A_152 : i32
      %ge3A_154 = arith.constant 3 : i32
      %ge3A_155 = arith.cmpi sge, %add3A_153, %ge3A_154 : i32
      %sub3A_156 = arith.constant 3 : i32
      %sub3A_157 = arith.subi %add3A_153, %sub3A_156 : i32
      %lt3A_158 = arith.cmpi slt, %sub3A_157, %select_n3A : i32
      %and3A_159 = arith.andi %ge3A_155, %lt3A_158 : i1
      %convert_element_type3A_160 = arith.extui %and3A_159 : i1 to i32
      %cond3A_161 = arith.constant 0 : i32
      %cond3A_162 = arith.cmpi ne, %convert_element_type3A_160, %cond3A_161 : i32
      scf.if %cond3A_162 {
        %dma_wait3A = arith.constant 0 : i32
        %dma_wait3A_186 = arith.constant 0 : i32
        %dma_wait3A_187 = tpu.memref_slice %arg15[%dma_wait3A, %dma_wait3A_186] : memref<10112x128xf32, #tpu.memory_space<vmem_shared>> -> memref<10112x128xf32, #tpu.memory_space<vmem_shared>>
        tpu.wait_indirect_dma semaphore(%arg27 : memref<!tpu.dma_semaphore, #tpu.memory_space<semaphore_mem>>) src(%arg14 : memref<128x128xf32, #tpu.memory_space<vmem>>) dst(%dma_wait3A_187 : memref<10112x128xf32, #tpu.memory_space<vmem_shared>>)
      } else {
      }
      %lt3A_163 = arith.cmpi slt, %add3A_153, %select_n3A : i32
      %convert_element_type3A_164 = arith.extui %lt3A_163 : i1 to i32
      %cond3A_165 = arith.constant 0 : i32
      %cond3A_166 = arith.cmpi ne, %convert_element_type3A_164, %cond3A_165 : i32
      scf.if %cond3A_166 {
        %mul3A_186 = arith.constant 32 : i32
        %mul3A_187 = arith.muli %add3A_153, %mul3A_186 : i32
        %add3A_188 = arith.addi %mul3A_187, %add3A : i32
        %mul3A_189 = arith.constant 128 : i32
        %mul3A_190 = arith.muli %add3A_188, %mul3A_189 : i32
        %dma_start3A = tpu.memref_slice %arg3[%mul3A_190] : memref<320000xi32, #tpu.memory_space<hbm>> -> memref<128xi32, #tpu.memory_space<hbm>>
        %dma_start3A_191 = tpu.memref_slice %arg3[%mul3A_190] : memref<320000xi32, #tpu.memory_space<hbm>> -> memref<128xi32, #tpu.memory_space<hbm>>
        tpu.enqueue_dma source(%dma_start3A_191 : memref<128xi32, #tpu.memory_space<hbm>>) target(%arg8 : memref<128xi32, #tpu.memory_space<vmem>>) target_semaphore(%arg18 : memref<!tpu.dma_semaphore, #tpu.memory_space<semaphore_mem>>)
        %mul3A_192 = arith.constant 128 : i32
        %mul3A_193 = arith.muli %add3A_188, %mul3A_192 : i32
        %dma_start3A_194 = tpu.memref_slice %arg4[%mul3A_193] : memref<320000xi32, #tpu.memory_space<hbm>> -> memref<128xi32, #tpu.memory_space<hbm>>
        %dma_start3A_195 = tpu.memref_slice %arg4[%mul3A_193] : memref<320000xi32, #tpu.memory_space<hbm>> -> memref<128xi32, #tpu.memory_space<hbm>>
        tpu.enqueue_dma source(%dma_start3A_195 : memref<128xi32, #tpu.memory_space<hbm>>) target(%arg11 : memref<128xi32, #tpu.memory_space<vmem>>) target_semaphore(%arg21 : memref<!tpu.dma_semaphore, #tpu.memory_space<semaphore_mem>>)
      } else {
      }
      %sub3A_167 = arith.constant 1 : i32
      %sub3A_168 = arith.subi %add3A_153, %sub3A_167 : i32
      %ge3A_169 = arith.constant 0 : i32
      %ge3A_170 = arith.cmpi sge, %sub3A_168, %ge3A_169 : i32
      %lt3A_171 = arith.cmpi slt, %sub3A_168, %select_n3A : i32
      %and3A_172 = arith.andi %ge3A_170, %lt3A_171 : i1
      %convert_element_type3A_173 = arith.extui %and3A_172 : i1 to i32
      %cond3A_174 = arith.constant 0 : i32
      %cond3A_175 = arith.cmpi ne, %convert_element_type3A_173, %cond3A_174 : i32
      scf.if %cond3A_175 {
        %dma_wait3A = arith.constant 0 : i32
        %dma_wait3A_186 = tpu.memref_slice %arg3[%dma_wait3A] : memref<320000xi32, #tpu.memory_space<hbm>> -> memref<128xi32, #tpu.memory_space<hbm>>
        %dma_wait3A_187 = arith.constant 0 : i32
        %dma_wait3A_188 = tpu.memref_slice %arg3[%dma_wait3A_187] : memref<320000xi32, #tpu.memory_space<hbm>> -> memref<128xi32, #tpu.memory_space<hbm>>
        tpu.wait_dma2 semaphore(%arg17 : memref<!tpu.dma_semaphore, #tpu.memory_space<semaphore_mem>>) src(%dma_wait3A_188 : memref<128xi32, #tpu.memory_space<hbm>>) dst(%arg7 : memref<128xi32, #tpu.memory_space<vmem>>)
        %dma_start3A = arith.constant 0 : i32
        %dma_start3A_189 = arith.constant 0 : i32
        %dma_start3A_190 = tpu.memref_slice %arg2[%dma_start3A, %dma_start3A_189] : memref<10000x128xf32, #tpu.memory_space<hbm>> -> memref<10000x128xf32, #tpu.memory_space<hbm>>
        tpu.enqueue_indirect_dma source(%dma_start3A_190 : memref<10000x128xf32, #tpu.memory_space<hbm>>) target(%arg13 : memref<128x128xf32, #tpu.memory_space<vmem>>) offsets(%arg7 : memref<128xi32, #tpu.memory_space<vmem>>) semaphore(%arg23 : memref<!tpu.dma_semaphore, #tpu.memory_space<semaphore_mem>>)
      } else {
      }
      %sub3A_176 = arith.constant 2 : i32
      %sub3A_177 = arith.subi %add3A_153, %sub3A_176 : i32
      %ge3A_178 = arith.constant 0 : i32
      %ge3A_179 = arith.cmpi sge, %sub3A_177, %ge3A_178 : i32
      %lt3A_180 = arith.cmpi slt, %sub3A_177, %select_n3A : i32
      %and3A_181 = arith.andi %ge3A_179, %lt3A_180 : i1
      %convert_element_type3A_182 = arith.extui %and3A_181 : i1 to i32
      %cond3A_183 = arith.constant 0 : i32
      %cond3A_184 = arith.cmpi ne, %convert_element_type3A_182, %cond3A_183 : i32
      scf.if %cond3A_184 {
        %dma_wait3A = arith.constant 0 : i32
        %dma_wait3A_186 = tpu.memref_slice %arg4[%dma_wait3A] : memref<320000xi32, #tpu.memory_space<hbm>> -> memref<128xi32, #tpu.memory_space<hbm>>
        %dma_wait3A_187 = arith.constant 0 : i32
        %dma_wait3A_188 = tpu.memref_slice %arg4[%dma_wait3A_187] : memref<320000xi32, #tpu.memory_space<hbm>> -> memref<128xi32, #tpu.memory_space<hbm>>
        tpu.wait_dma2 semaphore(%arg19 : memref<!tpu.dma_semaphore, #tpu.memory_space<semaphore_mem>>) src(%dma_wait3A_188 : memref<128xi32, #tpu.memory_space<hbm>>) dst(%arg9 : memref<128xi32, #tpu.memory_space<vmem>>)
        %dma_wait3A_189 = arith.constant 0 : i32
        %dma_wait3A_190 = arith.constant 0 : i32
        %dma_wait3A_191 = tpu.memref_slice %arg2[%dma_wait3A_189, %dma_wait3A_190] : memref<10000x128xf32, #tpu.memory_space<hbm>> -> memref<10000x128xf32, #tpu.memory_space<hbm>>
        tpu.wait_indirect_dma semaphore(%arg22 : memref<!tpu.dma_semaphore, #tpu.memory_space<semaphore_mem>>) src(%dma_wait3A_191 : memref<10000x128xf32, #tpu.memory_space<hbm>>) dst(%arg12 : memref<128x128xf32, #tpu.memory_space<vmem>>)
        %dma_start3A = arith.constant 0 : i32
        %dma_start3A_192 = arith.constant 0 : i32
        %dma_start3A_193 = tpu.memref_slice %arg15[%dma_start3A, %dma_start3A_192] : memref<10112x128xf32, #tpu.memory_space<vmem_shared>> -> memref<10112x128xf32, #tpu.memory_space<vmem_shared>>
        tpu.enqueue_indirect_dma source(%arg12 : memref<128x128xf32, #tpu.memory_space<vmem>>) target(%dma_start3A_193 : memref<10112x128xf32, #tpu.memory_space<vmem_shared>>) offsets(%arg9 : memref<128xi32, #tpu.memory_space<vmem>>) semaphore(%arg25 : memref<!tpu.dma_semaphore, #tpu.memory_space<semaphore_mem>>) {add = true}
      } else {
      }
      %while3A_185 = arith.constant 0 : i32
      scf.yield %while3A_185 : i32
    }
    %while3A_79 = arith.constant 1 : i32
    %while3A_80 = scf.for %while3A_82 = %while3A_76 to %while3A_72 step %while3A_79 iter_args(%while3A_83 = %while3A_78) -> (i32)  : i32 {
      %mul3A_84 = arith.constant 3 : i32
      %mul3A_85 = arith.muli %while3A_82, %mul3A_84 : i32
      %add3A_86 = arith.constant 0 : i32
      %add3A_87 = arith.addi %mul3A_85, %add3A_86 : i32
      %ge3A = arith.constant 3 : i32
      %ge3A_88 = arith.cmpi sge, %add3A_87, %ge3A : i32
      %sub3A_89 = arith.constant 3 : i32
      %sub3A_90 = arith.subi %add3A_87, %sub3A_89 : i32
      %lt3A = arith.cmpi slt, %sub3A_90, %select_n3A : i32
      %and3A_91 = arith.andi %ge3A_88, %lt3A : i1
      %convert_element_type3A = arith.extui %and3A_91 : i1 to i32
      %cond3A = arith.constant 0 : i32
      %cond3A_92 = arith.cmpi ne, %convert_element_type3A, %cond3A : i32
      scf.if %cond3A_92 {
        %dma_wait3A = arith.constant 0 : i32
        %dma_wait3A_186 = arith.constant 0 : i32
        %dma_wait3A_187 = tpu.memref_slice %arg15[%dma_wait3A, %dma_wait3A_186] : memref<10112x128xf32, #tpu.memory_space<vmem_shared>> -> memref<10112x128xf32, #tpu.memory_space<vmem_shared>>
        tpu.wait_indirect_dma semaphore(%arg25 : memref<!tpu.dma_semaphore, #tpu.memory_space<semaphore_mem>>) src(%arg12 : memref<128x128xf32, #tpu.memory_space<vmem>>) dst(%dma_wait3A_187 : memref<10112x128xf32, #tpu.memory_space<vmem_shared>>)
      } else {
      }
      %lt3A_93 = arith.cmpi slt, %add3A_87, %select_n3A : i32
      %convert_element_type3A_94 = arith.extui %lt3A_93 : i1 to i32
      %cond3A_95 = arith.constant 0 : i32
      %cond3A_96 = arith.cmpi ne, %convert_element_type3A_94, %cond3A_95 : i32
      scf.if %cond3A_96 {
        %mul3A_186 = arith.constant 32 : i32
        %mul3A_187 = arith.muli %add3A_87, %mul3A_186 : i32
        %add3A_188 = arith.addi %mul3A_187, %add3A : i32
        %mul3A_189 = arith.constant 128 : i32
        %mul3A_190 = arith.muli %add3A_188, %mul3A_189 : i32
        %dma_start3A = tpu.memref_slice %arg3[%mul3A_190] : memref<320000xi32, #tpu.memory_space<hbm>> -> memref<128xi32, #tpu.memory_space<hbm>>
        %dma_start3A_191 = tpu.memref_slice %arg3[%mul3A_190] : memref<320000xi32, #tpu.memory_space<hbm>> -> memref<128xi32, #tpu.memory_space<hbm>>
        tpu.enqueue_dma source(%dma_start3A_191 : memref<128xi32, #tpu.memory_space<hbm>>) target(%arg6 : memref<128xi32, #tpu.memory_space<vmem>>) target_semaphore(%arg16 : memref<!tpu.dma_semaphore, #tpu.memory_space<semaphore_mem>>)
        %mul3A_192 = arith.constant 128 : i32
        %mul3A_193 = arith.muli %add3A_188, %mul3A_192 : i32
        %dma_start3A_194 = tpu.memref_slice %arg4[%mul3A_193] : memref<320000xi32, #tpu.memory_space<hbm>> -> memref<128xi32, #tpu.memory_space<hbm>>
        %dma_start3A_195 = tpu.memref_slice %arg4[%mul3A_193] : memref<320000xi32, #tpu.memory_space<hbm>> -> memref<128xi32, #tpu.memory_space<hbm>>
        tpu.enqueue_dma source(%dma_start3A_195 : memref<128xi32, #tpu.memory_space<hbm>>) target(%arg9 : memref<128xi32, #tpu.memory_space<vmem>>) target_semaphore(%arg19 : memref<!tpu.dma_semaphore, #tpu.memory_space<semaphore_mem>>)
      } else {
      }
      %sub3A_97 = arith.constant 1 : i32
      %sub3A_98 = arith.subi %add3A_87, %sub3A_97 : i32
      %ge3A_99 = arith.constant 0 : i32
      %ge3A_100 = arith.cmpi sge, %sub3A_98, %ge3A_99 : i32
      %lt3A_101 = arith.cmpi slt, %sub3A_98, %select_n3A : i32
      %and3A_102 = arith.andi %ge3A_100, %lt3A_101 : i1
      %convert_element_type3A_103 = arith.extui %and3A_102 : i1 to i32
      %cond3A_104 = arith.constant 0 : i32
      %cond3A_105 = arith.cmpi ne, %convert_element_type3A_103, %cond3A_104 : i32
      scf.if %cond3A_105 {
        %dma_wait3A = arith.constant 0 : i32
        %dma_wait3A_186 = tpu.memref_slice %arg3[%dma_wait3A] : memref<320000xi32, #tpu.memory_space<hbm>> -> memref<128xi32, #tpu.memory_space<hbm>>
        %dma_wait3A_187 = arith.constant 0 : i32
        %dma_wait3A_188 = tpu.memref_slice %arg3[%dma_wait3A_187] : memref<320000xi32, #tpu.memory_space<hbm>> -> memref<128xi32, #tpu.memory_space<hbm>>
        tpu.wait_dma2 semaphore(%arg18 : memref<!tpu.dma_semaphore, #tpu.memory_space<semaphore_mem>>) src(%dma_wait3A_188 : memref<128xi32, #tpu.memory_space<hbm>>) dst(%arg8 : memref<128xi32, #tpu.memory_space<vmem>>)
        %dma_start3A = arith.constant 0 : i32
        %dma_start3A_189 = arith.constant 0 : i32
        %dma_start3A_190 = tpu.memref_slice %arg2[%dma_start3A, %dma_start3A_189] : memref<10000x128xf32, #tpu.memory_space<hbm>> -> memref<10000x128xf32, #tpu.memory_space<hbm>>
        tpu.enqueue_indirect_dma source(%dma_start3A_190 : memref<10000x128xf32, #tpu.memory_space<hbm>>) target(%arg14 : memref<128x128xf32, #tpu.memory_space<vmem>>) offsets(%arg8 : memref<128xi32, #tpu.memory_space<vmem>>) semaphore(%arg24 : memref<!tpu.dma_semaphore, #tpu.memory_space<semaphore_mem>>)
      } else {
      }
      %sub3A_106 = arith.constant 2 : i32
      %sub3A_107 = arith.subi %add3A_87, %sub3A_106 : i32
      %ge3A_108 = arith.constant 0 : i32
      %ge3A_109 = arith.cmpi sge, %sub3A_107, %ge3A_108 : i32
      %lt3A_110 = arith.cmpi slt, %sub3A_107, %select_n3A : i32
      %and3A_111 = arith.andi %ge3A_109, %lt3A_110 : i1
      %convert_element_type3A_112 = arith.extui %and3A_111 : i1 to i32
      %cond3A_113 = arith.constant 0 : i32
      %cond3A_114 = arith.cmpi ne, %convert_element_type3A_112, %cond3A_113 : i32
      scf.if %cond3A_114 {
        %dma_wait3A = arith.constant 0 : i32
        %dma_wait3A_186 = tpu.memref_slice %arg4[%dma_wait3A] : memref<320000xi32, #tpu.memory_space<hbm>> -> memref<128xi32, #tpu.memory_space<hbm>>
        %dma_wait3A_187 = arith.constant 0 : i32
        %dma_wait3A_188 = tpu.memref_slice %arg4[%dma_wait3A_187] : memref<320000xi32, #tpu.memory_space<hbm>> -> memref<128xi32, #tpu.memory_space<hbm>>
        tpu.wait_dma2 semaphore(%arg20 : memref<!tpu.dma_semaphore, #tpu.memory_space<semaphore_mem>>) src(%dma_wait3A_188 : memref<128xi32, #tpu.memory_space<hbm>>) dst(%arg10 : memref<128xi32, #tpu.memory_space<vmem>>)
        %dma_wait3A_189 = arith.constant 0 : i32
        %dma_wait3A_190 = arith.constant 0 : i32
        %dma_wait3A_191 = tpu.memref_slice %arg2[%dma_wait3A_189, %dma_wait3A_190] : memref<10000x128xf32, #tpu.memory_space<hbm>> -> memref<10000x128xf32, #tpu.memory_space<hbm>>
        tpu.wait_indirect_dma semaphore(%arg23 : memref<!tpu.dma_semaphore, #tpu.memory_space<semaphore_mem>>) src(%dma_wait3A_191 : memref<10000x128xf32, #tpu.memory_space<hbm>>) dst(%arg13 : memref<128x128xf32, #tpu.memory_space<vmem>>)
        %dma_start3A = arith.constant 0 : i32
        %dma_start3A_192 = arith.constant 0 : i32
        %dma_start3A_193 = tpu.memref_slice %arg15[%dma_start3A, %dma_start3A_192] : memref<10112x128xf32, #tpu.memory_space<vmem_shared>> -> memref<10112x128xf32, #tpu.memory_space<vmem_shared>>
        tpu.enqueue_indirect_dma source(%arg13 : memref<128x128xf32, #tpu.memory_space<vmem>>) target(%dma_start3A_193 : memref<10112x128xf32, #tpu.memory_space<vmem_shared>>) offsets(%arg10 : memref<128xi32, #tpu.memory_space<vmem>>) semaphore(%arg26 : memref<!tpu.dma_semaphore, #tpu.memory_space<semaphore_mem>>) {add = true}
      } else {
      }
      %mul3A_115 = arith.constant 3 : i32
      %mul3A_116 = arith.muli %while3A_82, %mul3A_115 : i32
      %add3A_117 = arith.constant 1 : i32
      %add3A_118 = arith.addi %mul3A_116, %add3A_117 : i32
      %ge3A_119 = arith.constant 3 : i32
      %ge3A_120 = arith.cmpi sge, %add3A_118, %ge3A_119 : i32
      %sub3A_121 = arith.constant 3 : i32
      %sub3A_122 = arith.subi %add3A_118, %sub3A_121 : i32
      %lt3A_123 = arith.cmpi slt, %sub3A_122, %select_n3A : i32
      %and3A_124 = arith.andi %ge3A_120, %lt3A_123 : i1
      %convert_element_type3A_125 = arith.extui %and3A_124 : i1 to i32
      %cond3A_126 = arith.constant 0 : i32
      %cond3A_127 = arith.cmpi ne, %convert_element_type3A_125, %cond3A_126 : i32
      scf.if %cond3A_127 {
        %dma_wait3A = arith.constant 0 : i32
        %dma_wait3A_186 = arith.constant 0 : i32
        %dma_wait3A_187 = tpu.memref_slice %arg15[%dma_wait3A, %dma_wait3A_186] : memref<10112x128xf32, #tpu.memory_space<vmem_shared>> -> memref<10112x128xf32, #tpu.memory_space<vmem_shared>>
        tpu.wait_indirect_dma semaphore(%arg26 : memref<!tpu.dma_semaphore, #tpu.memory_space<semaphore_mem>>) src(%arg13 : memref<128x128xf32, #tpu.memory_space<vmem>>) dst(%dma_wait3A_187 : memref<10112x128xf32, #tpu.memory_space<vmem_shared>>)
      } else {
      }
      %lt3A_128 = arith.cmpi slt, %add3A_118, %select_n3A : i32
      %convert_element_type3A_129 = arith.extui %lt3A_128 : i1 to i32
      %cond3A_130 = arith.constant 0 : i32
      %cond3A_131 = arith.cmpi ne, %convert_element_type3A_129, %cond3A_130 : i32
      scf.if %cond3A_131 {
        %mul3A_186 = arith.constant 32 : i32
        %mul3A_187 = arith.muli %add3A_118, %mul3A_186 : i32
        %add3A_188 = arith.addi %mul3A_187, %add3A : i32
        %mul3A_189 = arith.constant 128 : i32
        %mul3A_190 = arith.muli %add3A_188, %mul3A_189 : i32
        %dma_start3A = tpu.memref_slice %arg3[%mul3A_190] : memref<320000xi32, #tpu.memory_space<hbm>> -> memref<128xi32, #tpu.memory_space<hbm>>
        %dma_start3A_191 = tpu.memref_slice %arg3[%mul3A_190] : memref<320000xi32, #tpu.memory_space<hbm>> -> memref<128xi32, #tpu.memory_space<hbm>>
        tpu.enqueue_dma source(%dma_start3A_191 : memref<128xi32, #tpu.memory_space<hbm>>) target(%arg7 : memref<128xi32, #tpu.memory_space<vmem>>) target_semaphore(%arg17 : memref<!tpu.dma_semaphore, #tpu.memory_space<semaphore_mem>>)
        %mul3A_192 = arith.constant 128 : i32
        %mul3A_193 = arith.muli %add3A_188, %mul3A_192 : i32
        %dma_start3A_194 = tpu.memref_slice %arg4[%mul3A_193] : memref<320000xi32, #tpu.memory_space<hbm>> -> memref<128xi32, #tpu.memory_space<hbm>>
        %dma_start3A_195 = tpu.memref_slice %arg4[%mul3A_193] : memref<320000xi32, #tpu.memory_space<hbm>> -> memref<128xi32, #tpu.memory_space<hbm>>
        tpu.enqueue_dma source(%dma_start3A_195 : memref<128xi32, #tpu.memory_space<hbm>>) target(%arg10 : memref<128xi32, #tpu.memory_space<vmem>>) target_semaphore(%arg20 : memref<!tpu.dma_semaphore, #tpu.memory_space<semaphore_mem>>)
      } else {
      }
      %sub3A_132 = arith.constant 1 : i32
      %sub3A_133 = arith.subi %add3A_118, %sub3A_132 : i32
      %ge3A_134 = arith.constant 0 : i32
      %ge3A_135 = arith.cmpi sge, %sub3A_133, %ge3A_134 : i32
      %lt3A_136 = arith.cmpi slt, %sub3A_133, %select_n3A : i32
      %and3A_137 = arith.andi %ge3A_135, %lt3A_136 : i1
      %convert_element_type3A_138 = arith.extui %and3A_137 : i1 to i32
      %cond3A_139 = arith.constant 0 : i32
      %cond3A_140 = arith.cmpi ne, %convert_element_type3A_138, %cond3A_139 : i32
      scf.if %cond3A_140 {
        %dma_wait3A = arith.constant 0 : i32
        %dma_wait3A_186 = tpu.memref_slice %arg3[%dma_wait3A] : memref<320000xi32, #tpu.memory_space<hbm>> -> memref<128xi32, #tpu.memory_space<hbm>>
        %dma_wait3A_187 = arith.constant 0 : i32
        %dma_wait3A_188 = tpu.memref_slice %arg3[%dma_wait3A_187] : memref<320000xi32, #tpu.memory_space<hbm>> -> memref<128xi32, #tpu.memory_space<hbm>>
        tpu.wait_dma2 semaphore(%arg16 : memref<!tpu.dma_semaphore, #tpu.memory_space<semaphore_mem>>) src(%dma_wait3A_188 : memref<128xi32, #tpu.memory_space<hbm>>) dst(%arg6 : memref<128xi32, #tpu.memory_space<vmem>>)
        %dma_start3A = arith.constant 0 : i32
        %dma_start3A_189 = arith.constant 0 : i32
        %dma_start3A_190 = tpu.memref_slice %arg2[%dma_start3A, %dma_start3A_189] : memref<10000x128xf32, #tpu.memory_space<hbm>> -> memref<10000x128xf32, #tpu.memory_space<hbm>>
        tpu.enqueue_indirect_dma source(%dma_start3A_190 : memref<10000x128xf32, #tpu.memory_space<hbm>>) target(%arg12 : memref<128x128xf32, #tpu.memory_space<vmem>>) offsets(%arg6 : memref<128xi32, #tpu.memory_space<vmem>>) semaphore(%arg22 : memref<!tpu.dma_semaphore, #tpu.memory_space<semaphore_mem>>)
      } else {
      }
      %sub3A_141 = arith.constant 2 : i32
      %sub3A_142 = arith.subi %add3A_118, %sub3A_141 : i32
      %ge3A_143 = arith.constant 0 : i32
      %ge3A_144 = arith.cmpi sge, %sub3A_142, %ge3A_143 : i32
      %lt3A_145 = arith.cmpi slt, %sub3A_142, %select_n3A : i32
      %and3A_146 = arith.andi %ge3A_144, %lt3A_145 : i1
      %convert_element_type3A_147 = arith.extui %and3A_146 : i1 to i32
      %cond3A_148 = arith.constant 0 : i32
      %cond3A_149 = arith.cmpi ne, %convert_element_type3A_147, %cond3A_148 : i32
      scf.if %cond3A_149 {
        %dma_wait3A = arith.constant 0 : i32
        %dma_wait3A_186 = tpu.memref_slice %arg4[%dma_wait3A] : memref<320000xi32, #tpu.memory_space<hbm>> -> memref<128xi32, #tpu.memory_space<hbm>>
        %dma_wait3A_187 = arith.constant 0 : i32
        %dma_wait3A_188 = tpu.memref_slice %arg4[%dma_wait3A_187] : memref<320000xi32, #tpu.memory_space<hbm>> -> memref<128xi32, #tpu.memory_space<hbm>>
        tpu.wait_dma2 semaphore(%arg21 : memref<!tpu.dma_semaphore, #tpu.memory_space<semaphore_mem>>) src(%dma_wait3A_188 : memref<128xi32, #tpu.memory_space<hbm>>) dst(%arg11 : memref<128xi32, #tpu.memory_space<vmem>>)
        %dma_wait3A_189 = arith.constant 0 : i32
        %dma_wait3A_190 = arith.constant 0 : i32
        %dma_wait3A_191 = tpu.memref_slice %arg2[%dma_wait3A_189, %dma_wait3A_190] : memref<10000x128xf32, #tpu.memory_space<hbm>> -> memref<10000x128xf32, #tpu.memory_space<hbm>>
        tpu.wait_indirect_dma semaphore(%arg24 : memref<!tpu.dma_semaphore, #tpu.memory_space<semaphore_mem>>) src(%dma_wait3A_191 : memref<10000x128xf32, #tpu.memory_space<hbm>>) dst(%arg14 : memref<128x128xf32, #tpu.memory_space<vmem>>)
        %dma_start3A = arith.constant 0 : i32
        %dma_start3A_192 = arith.constant 0 : i32
        %dma_start3A_193 = tpu.memref_slice %arg15[%dma_start3A, %dma_start3A_192] : memref<10112x128xf32, #tpu.memory_space<vmem_shared>> -> memref<10112x128xf32, #tpu.memory_space<vmem_shared>>
        tpu.enqueue_indirect_dma source(%arg14 : memref<128x128xf32, #tpu.memory_space<vmem>>) target(%dma_start3A_193 : memref<10112x128xf32, #tpu.memory_space<vmem_shared>>) offsets(%arg11 : memref<128xi32, #tpu.memory_space<vmem>>) semaphore(%arg27 : memref<!tpu.dma_semaphore, #tpu.memory_space<semaphore_mem>>) {add = true}
      } else {
      }
      %mul3A_150 = arith.constant 3 : i32
      %mul3A_151 = arith.muli %while3A_82, %mul3A_150 : i32
      %add3A_152 = arith.constant 2 : i32
      %add3A_153 = arith.addi %mul3A_151, %add3A_152 : i32
      %ge3A_154 = arith.constant 3 : i32
      %ge3A_155 = arith.cmpi sge, %add3A_153, %ge3A_154 : i32
      %sub3A_156 = arith.constant 3 : i32
      %sub3A_157 = arith.subi %add3A_153, %sub3A_156 : i32
      %lt3A_158 = arith.cmpi slt, %sub3A_157, %select_n3A : i32
      %and3A_159 = arith.andi %ge3A_155, %lt3A_158 : i1
      %convert_element_type3A_160 = arith.extui %and3A_159 : i1 to i32
      %cond3A_161 = arith.constant 0 : i32
      %cond3A_162 = arith.cmpi ne, %convert_element_type3A_160, %cond3A_161 : i32
      scf.if %cond3A_162 {
        %dma_wait3A = arith.constant 0 : i32
        %dma_wait3A_186 = arith.constant 0 : i32
        %dma_wait3A_187 = tpu.memref_slice %arg15[%dma_wait3A, %dma_wait3A_186] : memref<10112x128xf32, #tpu.memory_space<vmem_shared>> -> memref<10112x128xf32, #tpu.memory_space<vmem_shared>>
        tpu.wait_indirect_dma semaphore(%arg27 : memref<!tpu.dma_semaphore, #tpu.memory_space<semaphore_mem>>) src(%arg14 : memref<128x128xf32, #tpu.memory_space<vmem>>) dst(%dma_wait3A_187 : memref<10112x128xf32, #tpu.memory_space<vmem_shared>>)
      } else {
      }
      %lt3A_163 = arith.cmpi slt, %add3A_153, %select_n3A : i32
      %convert_element_type3A_164 = arith.extui %lt3A_163 : i1 to i32
      %cond3A_165 = arith.constant 0 : i32
      %cond3A_166 = arith.cmpi ne, %convert_element_type3A_164, %cond3A_165 : i32
      scf.if %cond3A_166 {
        %mul3A_186 = arith.constant 32 : i32
        %mul3A_187 = arith.muli %add3A_153, %mul3A_186 : i32
        %add3A_188 = arith.addi %mul3A_187, %add3A : i32
        %mul3A_189 = arith.constant 128 : i32
        %mul3A_190 = arith.muli %add3A_188, %mul3A_189 : i32
        %dma_start3A = tpu.memref_slice %arg3[%mul3A_190] : memref<320000xi32, #tpu.memory_space<hbm>> -> memref<128xi32, #tpu.memory_space<hbm>>
        %dma_start3A_191 = tpu.memref_slice %arg3[%mul3A_190] : memref<320000xi32, #tpu.memory_space<hbm>> -> memref<128xi32, #tpu.memory_space<hbm>>
        tpu.enqueue_dma source(%dma_start3A_191 : memref<128xi32, #tpu.memory_space<hbm>>) target(%arg8 : memref<128xi32, #tpu.memory_space<vmem>>) target_semaphore(%arg18 : memref<!tpu.dma_semaphore, #tpu.memory_space<semaphore_mem>>)
        %mul3A_192 = arith.constant 128 : i32
        %mul3A_193 = arith.muli %add3A_188, %mul3A_192 : i32
        %dma_start3A_194 = tpu.memref_slice %arg4[%mul3A_193] : memref<320000xi32, #tpu.memory_space<hbm>> -> memref<128xi32, #tpu.memory_space<hbm>>
        %dma_start3A_195 = tpu.memref_slice %arg4[%mul3A_193] : memref<320000xi32, #tpu.memory_space<hbm>> -> memref<128xi32, #tpu.memory_space<hbm>>
        tpu.enqueue_dma source(%dma_start3A_195 : memref<128xi32, #tpu.memory_space<hbm>>) target(%arg11 : memref<128xi32, #tpu.memory_space<vmem>>) target_semaphore(%arg21 : memref<!tpu.dma_semaphore, #tpu.memory_space<semaphore_mem>>)
      } else {
      }
      %sub3A_167 = arith.constant 1 : i32
      %sub3A_168 = arith.subi %add3A_153, %sub3A_167 : i32
      %ge3A_169 = arith.constant 0 : i32
      %ge3A_170 = arith.cmpi sge, %sub3A_168, %ge3A_169 : i32
      %lt3A_171 = arith.cmpi slt, %sub3A_168, %select_n3A : i32
      %and3A_172 = arith.andi %ge3A_170, %lt3A_171 : i1
      %convert_element_type3A_173 = arith.extui %and3A_172 : i1 to i32
      %cond3A_174 = arith.constant 0 : i32
      %cond3A_175 = arith.cmpi ne, %convert_element_type3A_173, %cond3A_174 : i32
      scf.if %cond3A_175 {
        %dma_wait3A = arith.constant 0 : i32
        %dma_wait3A_186 = tpu.memref_slice %arg3[%dma_wait3A] : memref<320000xi32, #tpu.memory_space<hbm>> -> memref<128xi32, #tpu.memory_space<hbm>>
        %dma_wait3A_187 = arith.constant 0 : i32
        %dma_wait3A_188 = tpu.memref_slice %arg3[%dma_wait3A_187] : memref<320000xi32, #tpu.memory_space<hbm>> -> memref<128xi32, #tpu.memory_space<hbm>>
        tpu.wait_dma2 semaphore(%arg17 : memref<!tpu.dma_semaphore, #tpu.memory_space<semaphore_mem>>) src(%dma_wait3A_188 : memref<128xi32, #tpu.memory_space<hbm>>) dst(%arg7 : memref<128xi32, #tpu.memory_space<vmem>>)
        %dma_start3A = arith.constant 0 : i32
        %dma_start3A_189 = arith.constant 0 : i32
        %dma_start3A_190 = tpu.memref_slice %arg2[%dma_start3A, %dma_start3A_189] : memref<10000x128xf32, #tpu.memory_space<hbm>> -> memref<10000x128xf32, #tpu.memory_space<hbm>>
        tpu.enqueue_indirect_dma source(%dma_start3A_190 : memref<10000x128xf32, #tpu.memory_space<hbm>>) target(%arg13 : memref<128x128xf32, #tpu.memory_space<vmem>>) offsets(%arg7 : memref<128xi32, #tpu.memory_space<vmem>>) semaphore(%arg23 : memref<!tpu.dma_semaphore, #tpu.memory_space<semaphore_mem>>)
      } else {
      }
      %sub3A_176 = arith.constant 2 : i32
      %sub3A_177 = arith.subi %add3A_153, %sub3A_176 : i32
      %ge3A_178 = arith.constant 0 : i32
      %ge3A_179 = arith.cmpi sge, %sub3A_177, %ge3A_178 : i32
      %lt3A_180 = arith.cmpi slt, %sub3A_177, %select_n3A : i32
      %and3A_181 = arith.andi %ge3A_179, %lt3A_180 : i1
      %convert_element_type3A_182 = arith.extui %and3A_181 : i1 to i32
      %cond3A_183 = arith.constant 0 : i32
      %cond3A_184 = arith.cmpi ne, %convert_element_type3A_182, %cond3A_183 : i32
      scf.if %cond3A_184 {
        %dma_wait3A = arith.constant 0 : i32
        %dma_wait3A_186 = tpu.memref_slice %arg4[%dma_wait3A] : memref<320000xi32, #tpu.memory_space<hbm>> -> memref<128xi32, #tpu.memory_space<hbm>>
        %dma_wait3A_187 = arith.constant 0 : i32
        %dma_wait3A_188 = tpu.memref_slice %arg4[%dma_wait3A_187] : memref<320000xi32, #tpu.memory_space<hbm>> -> memref<128xi32, #tpu.memory_space<hbm>>
        tpu.wait_dma2 semaphore(%arg19 : memref<!tpu.dma_semaphore, #tpu.memory_space<semaphore_mem>>) src(%dma_wait3A_188 : memref<128xi32, #tpu.memory_space<hbm>>) dst(%arg9 : memref<128xi32, #tpu.memory_space<vmem>>)
        %dma_wait3A_189 = arith.constant 0 : i32
        %dma_wait3A_190 = arith.constant 0 : i32
        %dma_wait3A_191 = tpu.memref_slice %arg2[%dma_wait3A_189, %dma_wait3A_190] : memref<10000x128xf32, #tpu.memory_space<hbm>> -> memref<10000x128xf32, #tpu.memory_space<hbm>>
        tpu.wait_indirect_dma semaphore(%arg22 : memref<!tpu.dma_semaphore, #tpu.memory_space<semaphore_mem>>) src(%dma_wait3A_191 : memref<10000x128xf32, #tpu.memory_space<hbm>>) dst(%arg12 : memref<128x128xf32, #tpu.memory_space<vmem>>)
        %dma_start3A = arith.constant 0 : i32
        %dma_start3A_192 = arith.constant 0 : i32
        %dma_start3A_193 = tpu.memref_slice %arg15[%dma_start3A, %dma_start3A_192] : memref<10112x128xf32, #tpu.memory_space<vmem_shared>> -> memref<10112x128xf32, #tpu.memory_space<vmem_shared>>
        tpu.enqueue_indirect_dma source(%arg12 : memref<128x128xf32, #tpu.memory_space<vmem>>) target(%dma_start3A_193 : memref<10112x128xf32, #tpu.memory_space<vmem_shared>>) offsets(%arg9 : memref<128xi32, #tpu.memory_space<vmem>>) semaphore(%arg25 : memref<!tpu.dma_semaphore, #tpu.memory_space<semaphore_mem>>) {add = true}
      } else {
      }
      %while3A_185 = arith.constant 0 : i32
      scf.yield %while3A_185 : i32
    }
    %barrier3A_81 = arith.constant 0 : index
    tpu.barrier barrier_id(%barrier3A_81)
    "tpu.region"() ({
      %run_scoped3A = tpu.sem_alloc : memref<!tpu.dma_semaphore, #tpu.memory_space<semaphore_mem>>
      %dma_start3A = arith.constant 0 : i32
      %dma_start3A_82 = tpu.memref_slice %arg5[%arg0, %mul3A_2, %dma_start3A] : memref<2x10112x128xf32, #tpu.memory_space<hbm>> -> memref<1x632x128xf32, #tpu.memory_space<hbm>>
      %dma_start3A_83 = tpu.memref_squeeze %dma_start3A_82 : memref<1x632x128xf32, #tpu.memory_space<hbm>> -> memref<632x128xf32, #tpu.memory_space<hbm>>
      %dma_start3A_84 = arith.constant 0 : i32
      %dma_start3A_85 = tpu.memref_slice %arg15[%mul3A_2, %dma_start3A_84] : memref<10112x128xf32, #tpu.memory_space<vmem_shared>> -> memref<632x128xf32, #tpu.memory_space<vmem_shared>>
      tpu.enqueue_dma source(%dma_start3A_85 : memref<632x128xf32, #tpu.memory_space<vmem_shared>>) target(%dma_start3A_83 : memref<632x128xf32, #tpu.memory_space<hbm>>) target_semaphore(%run_scoped3A : memref<!tpu.dma_semaphore, #tpu.memory_space<semaphore_mem>>)
      %dma_wait3A = arith.constant 0 : i32
      %dma_wait3A_86 = tpu.memref_slice %arg5[%arg0, %mul3A_2, %dma_wait3A] : memref<2x10112x128xf32, #tpu.memory_space<hbm>> -> memref<1x632x128xf32, #tpu.memory_space<hbm>>
      %dma_wait3A_87 = tpu.memref_squeeze %dma_wait3A_86 : memref<1x632x128xf32, #tpu.memory_space<hbm>> -> memref<632x128xf32, #tpu.memory_space<hbm>>
      %dma_wait3A_88 = arith.constant 0 : i32
      %dma_wait3A_89 = tpu.memref_slice %arg15[%mul3A_2, %dma_wait3A_88] : memref<10112x128xf32, #tpu.memory_space<vmem_shared>> -> memref<632x128xf32, #tpu.memory_space<vmem_shared>>
      tpu.wait_dma2 semaphore(%run_scoped3A : memref<!tpu.dma_semaphore, #tpu.memory_space<semaphore_mem>>) src(%dma_wait3A_89 : memref<632x128xf32, #tpu.memory_space<vmem_shared>>) dst(%dma_wait3A_87 : memref<632x128xf32, #tpu.memory_space<hbm>>)
      tpu.yield
    }) : () -> ()
    return
  }
}

module attributes {stable_mosaic.version = 14 : i64} {
  func.func @body(%arg0: memref<10000x128xf32, #tpu.memory_space<vmem>>, %arg1: memref<128x128xf32, #tpu.memory_space<vmem>>, %arg2: memref<2x10000x8xf32, #tpu.memory_space<vmem>>, %arg3: memref<10000x128xf32, #tpu.memory_space<vmem>>) attributes {dimension_semantics = [], scalar_prefetch = 0 : i64, scratch_operands = 0 : i64, tpu.core_type = #tpu.core_type<tc>} {
    %get3A = arith.constant 0 : index
    %get3A_0 = arith.constant 0 : index
    %get3A_1 = vector.load %arg0[%get3A, %get3A_0] : memref<10000x128xf32, #tpu.memory_space<vmem>>, vector<10000x128xf32>
    %get3A_2 = arith.constant 0 : index
    %get3A_3 = arith.constant 0 : index
    %get3A_4 = vector.load %arg1[%get3A_2, %get3A_3] : memref<128x128xf32, #tpu.memory_space<vmem>>, vector<128x128xf32>
    %dot_general3A = arith.constant dense<0.000000e+00> : vector<10000x128xf32>
    %dot_general3A_5 = tpu.matmul %get3A_1, %get3A_4, %dot_general3A {dimension_numbers = #tpu.dot_dimension_numbers<[1], [0], [0], [1], [0, 0, 1, 1], [], []>, transpose_lhs_hint = false} : vector<10000x128xf32>, vector<128x128xf32>, vector<10000x128xf32> -> vector<10000x128xf32>
    %get3A_6 = arith.constant 0 : index
    %get3A_7 = arith.constant 0 : index
    %get3A_8 = arith.constant 0 : index
    %get3A_9 = vector.load %arg2[%get3A_6, %get3A_7, %get3A_8] : memref<2x10000x8xf32, #tpu.memory_space<vmem>>, vector<1x10000x1xf32>
    %get3A_10 = vector.shape_cast %get3A_9 : vector<1x10000x1xf32> to vector<10000x1xf32>
    %get3A_11 = arith.constant 1 : index
    %get3A_12 = arith.constant 0 : index
    %get3A_13 = arith.constant 0 : index
    %get3A_14 = vector.load %arg2[%get3A_11, %get3A_12, %get3A_13] : memref<2x10000x8xf32, #tpu.memory_space<vmem>>, vector<1x10000x1xf32>
    %get3A_15 = vector.shape_cast %get3A_14 : vector<1x10000x1xf32> to vector<10000x1xf32>
    %add3A = arith.addf %get3A_10, %get3A_15 : vector<10000x1xf32>
    %add3A_16 = arith.constant 1.000000e+00 : f32
    %add3A_17 = vector.broadcast %add3A_16 : f32 to vector<10000x1xf32>
    %add3A_18 = arith.addf %add3A, %add3A_17 : vector<10000x1xf32>
    %rsqrt3A = math.rsqrt %add3A_18 : vector<10000x1xf32>
    %mul3A = vector.broadcast %rsqrt3A : vector<10000x1xf32> to vector<10000x128xf32>
    %mul3A_19 = arith.mulf %dot_general3A_5, %mul3A : vector<10000x128xf32>
    %swap3A = arith.constant 0 : index
    %swap3A_20 = arith.constant 0 : index
    %swap3A_21 = vector.load %arg3[%swap3A, %swap3A_20] : memref<10000x128xf32, #tpu.memory_space<vmem>>, vector<10000x128xf32>
    tpu.vector_store %arg3[%swap3A, %swap3A_20], %mul3A_19 {strides = array<i32>} : memref<10000x128xf32, #tpu.memory_space<vmem>>, vector<10000x128xf32>,
    return
  }
}

module attributes {stable_mosaic.version = 14 : i64} {
  func.func @body(%arg0: memref<2x10112x128xf32, #tpu.memory_space<vmem>>, %arg1: memref<10000x128xf32, #tpu.memory_space<vmem>>, %arg2: memref<2x10000x8xf32, #tpu.memory_space<vmem>>, %arg3: memref<128x64xf32, #tpu.memory_space<vmem>>, %arg4: memref<10000x64xf32, #tpu.memory_space<vmem>>) attributes {dimension_semantics = [], scalar_prefetch = 0 : i64, scratch_operands = 0 : i64, tpu.core_type = #tpu.core_type<tc>} {
    %get3A = arith.constant 0 : index
    %get3A_0 = arith.constant 0 : index
    %get3A_1 = arith.constant 0 : index
    %get3A_2 = vector.load %arg2[%get3A, %get3A_0, %get3A_1] : memref<2x10000x8xf32, #tpu.memory_space<vmem>>, vector<1x10000x1xf32>
    %get3A_3 = vector.shape_cast %get3A_2 : vector<1x10000x1xf32> to vector<10000x1xf32>
    %get3A_4 = arith.constant 1 : index
    %get3A_5 = arith.constant 0 : index
    %get3A_6 = arith.constant 0 : index
    %get3A_7 = vector.load %arg2[%get3A_4, %get3A_5, %get3A_6] : memref<2x10000x8xf32, #tpu.memory_space<vmem>>, vector<1x10000x1xf32>
    %get3A_8 = vector.shape_cast %get3A_7 : vector<1x10000x1xf32> to vector<10000x1xf32>
    %add3A = arith.addf %get3A_3, %get3A_8 : vector<10000x1xf32>
    %add3A_9 = arith.constant 1.000000e+00 : f32
    %add3A_10 = vector.broadcast %add3A_9 : f32 to vector<10000x1xf32>
    %add3A_11 = arith.addf %add3A, %add3A_10 : vector<10000x1xf32>
    %rsqrt3A = math.rsqrt %add3A_11 : vector<10000x1xf32>
    %get3A_12 = arith.constant 0 : index
    %get3A_13 = arith.constant 0 : index
    %get3A_14 = arith.constant 0 : index
    %get3A_15 = vector.load %arg0[%get3A_12, %get3A_13, %get3A_14] : memref<2x10112x128xf32, #tpu.memory_space<vmem>>, vector<1x10000x128xf32>
    %get3A_16 = vector.shape_cast %get3A_15 : vector<1x10000x128xf32> to vector<10000x128xf32>
    %get3A_17 = arith.constant 1 : index
    %get3A_18 = arith.constant 0 : index
    %get3A_19 = arith.constant 0 : index
    %get3A_20 = vector.load %arg0[%get3A_17, %get3A_18, %get3A_19] : memref<2x10112x128xf32, #tpu.memory_space<vmem>>, vector<1x10000x128xf32>
    %get3A_21 = vector.shape_cast %get3A_20 : vector<1x10000x128xf32> to vector<10000x128xf32>
    %add3A_22 = arith.addf %get3A_16, %get3A_21 : vector<10000x128xf32>
    %get3A_23 = arith.constant 0 : index
    %get3A_24 = arith.constant 0 : index
    %get3A_25 = vector.load %arg1[%get3A_23, %get3A_24] : memref<10000x128xf32, #tpu.memory_space<vmem>>, vector<10000x128xf32>
    %add3A_26 = arith.addf %add3A_22, %get3A_25 : vector<10000x128xf32>
    %mul3A = vector.broadcast %rsqrt3A : vector<10000x1xf32> to vector<10000x128xf32>
    %mul3A_27 = arith.mulf %mul3A, %add3A_26 : vector<10000x128xf32>
    %max3A = arith.constant 0.000000e+00 : f32
    %max3A_28 = vector.broadcast %max3A : f32 to vector<10000x128xf32>
    %max3A_29 = arith.maximumf %mul3A_27, %max3A_28 : vector<10000x128xf32>
    %get3A_30 = arith.constant 0 : index
    %get3A_31 = arith.constant 0 : index
    %get3A_32 = vector.load %arg3[%get3A_30, %get3A_31] : memref<128x64xf32, #tpu.memory_space<vmem>>, vector<128x64xf32>
    %dot_general3A = arith.constant dense<0.000000e+00> : vector<10000x64xf32>
    %dot_general3A_33 = tpu.matmul %max3A_29, %get3A_32, %dot_general3A {dimension_numbers = #tpu.dot_dimension_numbers<[1], [0], [0], [1], [0, 0, 1, 1], [], []>, transpose_lhs_hint = false} : vector<10000x128xf32>, vector<128x64xf32>, vector<10000x64xf32> -> vector<10000x64xf32>
    %mul3A_34 = vector.broadcast %rsqrt3A : vector<10000x1xf32> to vector<10000x64xf32>
    %mul3A_35 = arith.mulf %dot_general3A_33, %mul3A_34 : vector<10000x64xf32>
    %swap3A = arith.constant 0 : index
    %swap3A_36 = arith.constant 0 : index
    %swap3A_37 = vector.load %arg4[%swap3A, %swap3A_36] : memref<10000x64xf32, #tpu.memory_space<vmem>>, vector<10000x64xf32>
    tpu.vector_store %arg4[%swap3A, %swap3A_36], %mul3A_35 {strides = array<i32>} : memref<10000x64xf32, #tpu.memory_space<vmem>>, vector<10000x64xf32>,
    return
  }
}

module attributes {stable_mosaic.version = 14 : i64} {
  func.func @body(%arg0: memref<2x10112x64xf32, #tpu.memory_space<vmem>>, %arg1: memref<10000x64xf32, #tpu.memory_space<vmem>>, %arg2: memref<2x10000x8xf32, #tpu.memory_space<vmem>>, %arg3: memref<10000x64xf32, #tpu.memory_space<vmem>>) attributes {dimension_semantics = [], scalar_prefetch = 0 : i64, scratch_operands = 0 : i64, tpu.core_type = #tpu.core_type<tc>} {
    %get3A = arith.constant 0 : index
    %get3A_0 = arith.constant 0 : index
    %get3A_1 = arith.constant 0 : index
    %get3A_2 = vector.load %arg0[%get3A, %get3A_0, %get3A_1] : memref<2x10112x64xf32, #tpu.memory_space<vmem>>, vector<1x10000x64xf32>
    %get3A_3 = vector.shape_cast %get3A_2 : vector<1x10000x64xf32> to vector<10000x64xf32>
    %get3A_4 = arith.constant 1 : index
    %get3A_5 = arith.constant 0 : index
    %get3A_6 = arith.constant 0 : index
    %get3A_7 = vector.load %arg0[%get3A_4, %get3A_5, %get3A_6] : memref<2x10112x64xf32, #tpu.memory_space<vmem>>, vector<1x10000x64xf32>
    %get3A_8 = vector.shape_cast %get3A_7 : vector<1x10000x64xf32> to vector<10000x64xf32>
    %add3A = arith.addf %get3A_3, %get3A_8 : vector<10000x64xf32>
    %get3A_9 = arith.constant 0 : index
    %get3A_10 = arith.constant 0 : index
    %get3A_11 = vector.load %arg1[%get3A_9, %get3A_10] : memref<10000x64xf32, #tpu.memory_space<vmem>>, vector<10000x64xf32>
    %add3A_12 = arith.addf %add3A, %get3A_11 : vector<10000x64xf32>
    %get3A_13 = arith.constant 0 : index
    %get3A_14 = arith.constant 0 : index
    %get3A_15 = arith.constant 0 : index
    %get3A_16 = vector.load %arg2[%get3A_13, %get3A_14, %get3A_15] : memref<2x10000x8xf32, #tpu.memory_space<vmem>>, vector<1x10000x1xf32>
    %get3A_17 = vector.shape_cast %get3A_16 : vector<1x10000x1xf32> to vector<10000x1xf32>
    %get3A_18 = arith.constant 1 : index
    %get3A_19 = arith.constant 0 : index
    %get3A_20 = arith.constant 0 : index
    %get3A_21 = vector.load %arg2[%get3A_18, %get3A_19, %get3A_20] : memref<2x10000x8xf32, #tpu.memory_space<vmem>>, vector<1x10000x1xf32>
    %get3A_22 = vector.shape_cast %get3A_21 : vector<1x10000x1xf32> to vector<10000x1xf32>
    %add3A_23 = arith.addf %get3A_17, %get3A_22 : vector<10000x1xf32>
    %add3A_24 = arith.constant 1.000000e+00 : f32
    %add3A_25 = vector.broadcast %add3A_24 : f32 to vector<10000x1xf32>
    %add3A_26 = arith.addf %add3A_23, %add3A_25 : vector<10000x1xf32>
    %rsqrt3A = math.rsqrt %add3A_26 : vector<10000x1xf32>
    %mul3A = vector.broadcast %rsqrt3A : vector<10000x1xf32> to vector<10000x64xf32>
    %mul3A_27 = arith.mulf %mul3A, %add3A_12 : vector<10000x64xf32>
    %swap3A = arith.constant 0 : index
    %swap3A_28 = arith.constant 0 : index
    %swap3A_29 = vector.load %arg3[%swap3A, %swap3A_28] : memref<10000x64xf32, #tpu.memory_space<vmem>>, vector<10000x64xf32>
    tpu.vector_store %arg3[%swap3A, %swap3A_28], %mul3A_27 {strides = array<i32>} : memref<10000x64xf32, #tpu.memory_space<vmem>>, vector<10000x64xf32>,
    return
  }
}

</mosaic_0001>

<sc_bundles>
// kernel: kernel.11.cloned.1.call-start
scs
__scs_entry_jumppad:
0x0: {  	(pc) =	sbr.rel $0x88, $3  }
0x1: {  	(tag) =	ssettag $0x0;
	lr =	simm.s32 $0x1  }
0x2: {  	[smem:$0x3F9D] =	sst lr;
	_ =	strace $0xD0000000  }
0x3: {  	_ = 	snop  }
0x4: {  	_ = 	snop  }
0x5: {  	_ = 	snop  }
0x6: {  	_ = 	snop  }
0x7: {  	_ = 	snop  }
__scs_overlays_trampoline_lowered:
0x8: {  	[smem:$0x3FAC] =	sst s0  }
0x9: {  	[smem:$0x3FAD] =	sst s1  }
0xa: {  	[smem:$0x3FAE] =	sst s2  }
0xb: {  	[smem:$0x3FAF] =	sst s3  }
0xc: {  	[smem:$0x3FB0] =	sst s4  }
0xd: {  	[smem:$0x3FB1] =	sst s5  }
0xe: {  	[smem:$0x3FB2] =	sst s6  }
0xf: {  	[smem:$0x3FB3] =	sst s7  }
0x10: {  	[smem:$0x3FB4] =	sst s8  }
0x11: {  	[smem:$0x3FB5] =	sst s9;
	s0 =	simm.s32 @!p0 $0x0  }
0x12: {  	s1 =	sld [smem:$0x3F9B];
	s0 =	simm.s32 @p0 $0x1  }
0x13: {  	[smem:$0x3FB6] =	sst s0;
	s0 =	simm.s32 @!p1 $0x0  }
0x14: {  	s2 =	sld [smem:$0x3F9A];
	s0 =	simm.s32 @p1 $0x1  }
0x15: {  	[smem:$0x3FB7] =	sst s0;
	s0 =	simm.s32 @!p2 $0x0  }
0x16: {  	s3 =	sld [smem:$0x3FDB];
	s0 =	simm.s32 @p2 $0x1  }
0x17: {  	s4 =	simm.s32 $0x1BF5;
	[smem:$0x3FB9] =	sst s0  }
0x18: {  	s0 =	sld [smem:$0x3F9C];
	_ =	swait.ge [sflag:s4], $0x0  }
0x19: {  	s7 =	sld [smem:$0x3F9D]  }
0x1a: {  	s8 =	sadd.s32 $0xFFFFE003, lr  }
0x1b: {  	s9 =	sadd.s32 $0xFFFFFEF7, lr;
	s5 =	simm.s32 $0xFFFFFFFF;
	p2 =	slt.u32 s8, $0xFFFFF086  }
0x1c: {  	p1 =	slt.u32 s9, $0xF7A;
	s5 =	simm.s32 @!p2 $0x0  }
0x1d: {  	s5 =	simm.s32 @p1 $0x1;
	p0 =	seq.s32 s7, s2  }
0x1e: {  	s7 =	smul.u32 @!p0 $0xF7A, s2;
	p2 =	seq.s32 @!p0 s5, $0x0  }
0x1f: {  	s9 =	smul.u32 $0xF7A, s1;
	s8 =	simm.s32 @!p0 $0x1BF5;
	p2 =	por !p2, p0  }
0x20: {  	[sflag:s8] =	ssyncset.s32 @!p0 $0xFFFFF086;
	s6 =	sadd.s32 @!p0 s3, s7;
	s7 =	simm.s32 @!p0 $0x108  }
0x21: {  	s3 =	sadd.s32 s3, s9;
	s6 =	sadd.s32 @!p0 $0x88, s6;
	s7 =	simm.s32 @p2 $0x1082  }
0x22: {  	[simem:s7], [sflag:s8] =	dma.local @!p0 [hbm:s6], $0xF7A  }
0x23: {  	s9 =	sor.u32 $0xD0000000, s2;
	s6 =	simm.s32 $0x108;
	_ =	swait.ge @!p0 [sflag:s8], $0x0  }
0x24: {  	s3 =	sadd.s32 $0x88, s3;
	s6 =	simm.s32 @!p1 $0x1082;
	[sflag:s4] =	ssyncset.s32 $0xFFFFF086  }
0x25: {  	[simem:s6], [sflag:s4] =	dma.local [hbm:s3], $0xF7A  }
0x26: {  	[smem:$0x3F9D] =	sst s1;
	(tag) =	ssettag s2;
	_ =	strace s9  }
0x27: {  	s1 =	sld [smem:$0x3FAD]  }
0x28: {  	s2 =	sld [smem:$0x3FAE]  }
0x29: {  	s4 =	sld [smem:$0x3FB0]  }
0x2a: {  	p0 =	seq.s32 s5, $0x0;
	s5 =	sld [smem:$0x3FB1]  }
0x2b: {  	s6 =	sld [smem:$0x3FB2]  }
0x2c: {  	s7 =	sld [smem:$0x3FB3]  }
0x2d: {  	s3 =	simm.s32 $0x108;
	s8 =	sld [smem:$0x3FB4]  }
0x2e: {  	s3 =	simm.s32 @!p0 $0x1082;
	s9 =	sld [smem:$0x3FB5]  }
0x2f: {  	lr =	sadd.s32 s0, s3;
	s0 =	sld [smem:$0x3FAC]  }
0x30: {  	s3 =	sld [smem:$0x3FAF]  }
0x31: {  	[smem:$0x3FB8] =	sst s10  }
0x32: {  	s10 =	sld [smem:$0x3FB6];
	_ =	sdelay $0x3  }
0x33: {  	p0 =	seq.s32 s10, $0x1;
	s10 =	sld [smem:$0x3FB8];
	_ =	sdelay $0x3  }
0x34: {  	[smem:$0x3FB8] =	sst s10  }
0x35: {  	s10 =	sld [smem:$0x3FB7];
	_ =	sdelay $0x3  }
0x36: {  	p1 =	seq.s32 s10, $0x1;
	s10 =	sld [smem:$0x3FB8];
	_ =	sdelay $0x3  }
0x37: {  	[smem:$0x3FB8] =	sst s10  }
0x38: {  	s10 =	sld [smem:$0x3FB9]  }
0x39: {  	_ = 	snop;
	(pc) =	sbr.ind lr, $3  }
0x3a: {  	_ = 	snop  }
0x3b: {  	_ = 	snop  }
0x3c: {  	p2 =	seq.s32 s10, $0x1;
	s10 =	sld [smem:$0x3FB8]  }
0x3d: {  	_ =	shalt  }
0x3e: {  	_ =	shalt  }
0x3f: {  	_ =	shalt  }
0x40: {  	_ =	shalt  }
0x41: {  	_ =	shalt  }
0x42: {  	_ =	shalt  }
0x43: {  	_ =	shalt  }
0x44: {  	_ =	shalt  }
0x45: {  	_ =	shalt  }
0x46: {  	_ =	shalt  }
0x47: {  	_ =	shalt  }
0x48: {  	_ =	shalt  }
0x49: {  	_ =	shalt  }
0x4a: {  	_ =	shalt  }
0x4b: {  	_ =	shalt  }
0x4c: {  	_ =	shalt  }
0x4d: {  	_ =	shalt  }
0x4e: {  	_ =	shalt  }
0x4f: {  	_ =	shalt  }
0x50: {  	_ =	shalt  }
0x51: {  	_ =	shalt  }
0x52: {  	_ =	shalt  }
0x53: {  	_ =	shalt  }
0x54: {  	_ =	shalt  }
0x55: {  	_ =	shalt  }
0x56: {  	_ =	shalt  }
0x57: {  	_ =	shalt  }
0x58: {  	_ =	shalt  }
0x59: {  	_ =	shalt  }
0x5a: {  	_ =	shalt  }
0x5b: {  	_ =	shalt  }
0x5c: {  	_ =	shalt  }
0x5d: {  	_ =	shalt  }
0x5e: {  	_ =	shalt  }
0x5f: {  	_ =	shalt  }
0x60: {  	_ =	shalt  }
0x61: {  	_ =	shalt  }
0x62: {  	_ =	shalt  }
0x63: {  	_ =	shalt  }
0x64: {  	_ =	shalt  }
0x65: {  	_ =	shalt  }
0x66: {  	_ =	shalt  }
0x67: {  	_ =	shalt  }
0x68: {  	_ =	shalt  }
0x69: {  	_ =	shalt  }
0x6a: {  	_ =	shalt  }
0x6b: {  	_ =	shalt  }
0x6c: {  	_ =	shalt  }
0x6d: {  	_ =	shalt  }
0x6e: {  	_ =	shalt  }
0x6f: {  	_ =	shalt  }
0x70: {  	_ =	shalt  }
0x71: {  	_ =	shalt  }
0x72: {  	_ =	shalt  }
0x73: {  	_ =	shalt  }
0x74: {  	_ =	shalt  }
0x75: {  	_ =	shalt  }
0x76: {  	_ =	shalt  }
0x77: {  	_ =	shalt  }
0x78: {  	_ =	shalt  }
0x79: {  	_ =	shalt  }
0x7a: {  	_ =	shalt  }
0x7b: {  	_ =	shalt  }
0x7c: {  	_ =	shalt  }
0x7d: {  	_ =	shalt  }
0x7e: {  	_ =	shalt  }
0x7f: {  	_ =	shalt  }
0x80: {  	_ =	shalt  }
0x81: {  	_ =	shalt  }
0x82: {  	_ =	shalt  }
0x83: {  	_ =	shalt  }
0x84: {  	_ =	shalt  }
0x85: {  	_ =	shalt  }
0x86: {  	_ =	shalt  }
0x87: {  	_ =	shalt  }
.Lfunc_end0:
.L_simem_size_0:
called_computation.1_lowered:
.L_overlay_start_0:
0x88: {  	s2 =	sld [smem:$0x3FD9]  }
0x89: {  	s3 =	sld [smem:$0x3FFE];
	_ =	sdelay $0x1  }
0x8a: {  	s1 =	srdreg.scid  }
0x8b: {  	s0 =	sand.u32 $0x1, s1  }
0x8c: {  	s16 =	sshll.u32 s0, $0xA;
	s2 =	sadd.s32 s3, s2  }
0x8d: {  	s2 =	sadd.s32 s2, s16  }
0x8e: {  	[smem:$0x3FC4] =	sst s2  }
0x8f: {  	_ = 	snop  }
0x90: {  	(tm) =	ssettm $0x1  }
0x91: {  	s17 =	sld [smem:$0x3FFB];
	_ =	sdelay $0x3  }
0x92: {  	_ =	strace s17  }
0x93: {  	s2 =	sld [smem:$0x3FFC];
	_ =	sdelay $0x3  }
0x94: {  	_ =	strace s2  }
0x95: {  	s2 =	sld [smem:$0x3FFD];
	_ =	sdelay $0x3  }
0x96: {  	_ =	strace s2  }
0x97: {  	_ =	strace $0x8FFFFFFF  }
0x98: {  	s18 =	sld [smem:$0x3FDB];
	_ =	sdelay $0x1  }
0x99: {  	s19 =	simm.s32 $_scs_section_size  }
0x9a: {  	s4 =	simm.s32 $_size__tile_overlayer_lowered;
	s5 =	simm.s32 $_tile_overlayer_lowered  }
0x9b: {  	s22 =	simm.s32 $0x1BFF;
	s21 =	sshll.u32 s5, $0x1;
	s2 =	sadd.s32 s19, s18  }
0x9c: {  	s6 =	simm.s32 $0x0;
	s20 =	sshll.u32 s4, $0x1;
	s4 =	sadd.s32 s21, s2  }
0x9d: {  	[timem:s6], [sflag:s22] =	dma.local [hbm:s4], s20  }
0x9e: {  	_ =	swait.ge [sflag:s22], s20  }
0x9f: {  	s3 =	ssub.s32 $0x0, s20;
	[sflag:s22] =	ssyncset.done $0x0  }
0xa0: {  	[sflag:s22] =	ssyncadd.s32 s3;
	_ =	sdelay $0x1  }
0xa1: {  	s23 =	simm.s32 $0x1B8B  }
0xa2: {  	_ =	swait.ge [sflag:s23], $0x1  }
0xa3: {  	[sflag:s23] =	ssyncset.done $0x0  }
0xa4: {  	s25 =	simm.s32 $0x1B8E;
	s24 =	sld [smem:$0x3FFE];
	[sflag:s23] =	ssyncadd.s32 $0xFFFFFFFF  }
0xa5: {  	s26 =	simm.s32 $execute0_lowered;
	[smem:$0x3FD2] =	sst s25  }
0xa6: {  	s4 =	sshll.u32 s26, $0x1;
	_ =	strace $0x80000049;
	[dreg:$0x1] =	wrdreg $0xFFFFFFFF  }
0xa7: {  	s28 =	simm.s32 $_size_execute0_lowered;
	s2 =	sadd.s32 s2, s4;
	[dreg:$0x0] =	wrdreg $0x0  }
0xa8: {  	s4 =	sshll.u32 s28, $0x1;
	[dreg:$0x2] =	wrdreg s2  }
0xa9: {  	[dreg:$0x3] =	wrdreg s4  }
0xaa: {  	[dreg:$0x4] =	wrdreg $0xC0  }
0xab: {  	_ =	task [dreg:s6], $0x5FFFF  }
0xac: {  	[dreg:$0x1] =	wrdreg $0xFFFFFFFF  }
0xad: {  	[dreg:$0x0] =	wrdreg $0x60  }
0xae: {  	[dreg:$0x2] =	wrdreg s24  }
0xaf: {  	[dreg:$0x3] =	wrdreg $0xC3000  }
0xb0: {  	[dreg:$0x4] =	wrdreg $0x9  }
0xb1: {  	_ =	task.clear_ibuf [dreg:s6], $0x5FFFF;
	_ =	strace $0x90000049  }
0xb2: {  	s29 =	simm.s32 $0x9;
	_ =	strace $0x8000004B  }
0xb3: {  	_ =	swait.ge [sflag:s29], $0x1  }
0xb4: {  	[sflag:s29] =	ssyncadd.s32 $0xFFFFFFFF  }
0xb5: {  	_ =	strace $0x9000004B  }
0xb6: {  	_ =	sfence  }
0xb7: {  	s30 =	sld [smem:$0x0];
	_ =	sdelay $0x2  }
0xb8: {  	s31 =	sshll.u32 s1, $0xD;
	s1 =	sshrl.u32 s1, $0x2  }
0xb9: {  	s3 =	sand.u32 $0x4000, s31;
	s1 =	sadd.s32 s1, s30  }
0xba: {  	s0 =	sor.u32 s3, s0;
	s1 =	sshll.u32 s1, $0x11  }
0xbb: {  	s0 =	sor.u32 s1, s0  }
0xbc: {  	s0 =	sadd.s32 $0x8F2B, s0  }
0xbd: {  	[sflag:s0] =	ssyncadd.remote.s32 $0x1  }
0xbe: {  	_ =	sfence.sel $0xFFFF  }
0xbf: {  	[dreg:$0x0] =	wrdreg $0xFFFFFFFF;
	(pc) =	sbr.abs _section_cstart, $3  }
0xc0: {  	[dreg:$0x1] =	wrdreg $0xFFFFFFFF  }
0xc1: {  	_ =	task.clear_ibuf [dreg:s6], $0x2FFFF;
	_ =	strace $0x9FFFFFFF  }
0xc2: {  	(tm) =	ssettm $0x7FFFFFFF  }
0xc3: {  	_ =	shalt  }
tec
execute0_lowered:
.L_overlay_start_1:
0x0: {  	(tag) =	ssettag $0x1  }
0x1: {  	s6 =	rddreg [dreg:$0x0]  }
0x2: {  	s2 =	rddreg [dreg:$0x1]  }
0x3: {  	s0 =	rddreg [dreg:$0x2]  }
0x4: {  	s4 =	srdreg.scid;
	s1 =	stileid.u32  }
0x5: {  	s3 =	simm.s32 $0x0;
	s9 =	sand.u32 $0x1, s4;
	s7 =	smul.u32 $0x13C00, s1  }
0x6: {  	[smem:$0x7FF] =	sst s3;
	s4 =	sadd.s32 $0x15600, s6;
	s13 =	sadd.s32 $0x1A00, s6  }
0x7: {  	s12 =	sadd.s32 $0xB800, s6;
	s11 =	smul.u32 $0x4F000, s1;
	s17 =	sshll.u32 s1, $0x4  }
0x8: {  	s18 =	sshll.u32 s1, $0x7;
	s5 =	smul.u32 $0x13C000, s9;
	s8 =	sshll.u32 s9, $0x4  }
0x9: {  	_ =	strace $0x8000004A;
	s19 =	ssub.s32 $0x2, s9;
	s16 =	sshll.u32 s9, $0x8  }
0xa: {  	s9 =	sshll.u32 s9, $0xB;
	s8 =	sor.u32 s1, s8;
	s20 =	sshrl.u32 s19, $0x1  }
0xb: {  	s23 =	sshrl.u32 s11, $0x2;
	s25 =	sadd.s32 s16, s13;
	s18 =	sor.u32 s18, s9  }
0xc: {  	s16 =	sadd.s32 s16, s12;
	s5 =	sadd.s32 s7, s5;
	s8 =	ssub.s32 $0x9E3, s8  }
0xd: {  	s22 =	ssub.s32 s19, s20;
	s11 =	sadd.s32 s23, s2;
	s19 =	sor.u32 $0x2000, s18  }
0xe: {  	s26 =	sadd.s32 s17, s16;
	s30 =	sor.u32 $0x1000, s18;
	s10 =	sshrl.u32 s5, $0x3  }
0xf: {  	s5 =	sshrl.u32 s8, $0x5;
	s8 =	sadd.s32 $0x8000, s11;
	s9 =	sadd.s32 $0xC000, s11  }
0x10: {  	s28 =	sshrl.u32 s19, $0x3;
	[dreg:$0x5] =	wrdreg s26;
	s14 =	sadd.s32 $0x5, s5  }
0x11: {  	s15 =	sadd.s32 s10, s6;
	s24 =	sadd.s32 $0x3, s5;
	s21 =	smulhi.u32 $0x55555556, s14  }
0x12: {  	s6 =	sadd.s32 s7, s2;
	s29 =	sadd.s32 s28, s12;
	[dreg:$0x3] =	wrdreg s24  }
0x13: {  	s16 =	sadd.s32 s28, s13;
	[dreg:$0x9] =	wrdreg s29;
	s10 =	smul.u32 $0x600, s21  }
0x14: {  	s7 =	sadd.s32 $0x4000, s11;
	[dreg:$0x8] =	wrdreg s16;
	s14 =	simm.s32 $0xD  }
0x15: {  	[dreg:$0xa] =	wrdreg s10;
	s10 =	sadd.s32 s17, s25;
	s17 =	sshrl.u32 s30, $0x3  }
0x16: {  	[dreg:$0x4] =	wrdreg s10;
	s10 =	sadd.s32 $0x10000, s11;
	s31 =	sadd.s32 s17, s12  }
0x17: {  	s11 =	sadd.s32 $0x3C800, s15;
	s13 =	sadd.s32 s17, s13;
	[dreg:$0x7] =	wrdreg s31  }
0x18: {  	v0 =	vimm.f32 $0.0e+00;
	s12 =	smax.u32 s22, $0x1;
	[dreg:$0x6] =	wrdreg s13;
	s13 =	simm.s32 $0x300  }
.LBB2_1:
0x19: {  	s15 =	simm.s32 $0x0;
	s16 =	simm.s32 $0x200  }
.LBB2_2:
0x1a: {  	p0 =	sne.s32 s16, $0xFE00;
	[tilespmem:s15+$0x370] =	vst v0  }
0x1b: {  	[tilespmem:s15+$0x300] =	vst v0  }
0x1c: {  	[tilespmem:s15+$0x310] =	vst v0  }
.Ltmp0:
0x1d: {  	[tilespmem:s15+$0x320] =	vst v0;
	(pc) =	sbr.rel @p0 .LBB2_2-.Ltmp0, $4  }
0x1e: {  	[tilespmem:s15+$0x330] =	vst v0  }
0x1f: {  	[tilespmem:s15+$0x340] =	vst v0  }
0x20: {  	[tilespmem:s15+$0x350] =	vst v0  }
0x21: {  	[tilespmem:s15+$0x360] =	vst v0;
	s15 =	sshra.s32 s16, $0x2;
	s16 =	sadd.s32 $0x200, s16  }
0x22: {  	[tilespmem:s15+$0x370] =	vst v0  }
0x23: {  	[tilespmem:s15+$0x300] =	vst v0  }
0x24: {  	[tilespmem:s15+$0x310] =	vst v0  }
0x25: {  	[tilespmem:s15+$0x320] =	vst v0  }
0x26: {  	[tilespmem:s15+$0x330] =	vst v0  }
0x27: {  	[tilespmem:s15+$0x340] =	vst v0  }
0x28: {  	[tilespmem:s15+$0x350] =	vst v0  }
0x29: {  	[tilespmem:s15+$0x360] =	vst v0  }
0x2a: {  	[spmem:s6] =	stream.linear.scatter [tilespmem:s13], [sflag:$0xD], $0x4000, $0x38;
	[tilespmem:$0x1FF00] =	vst v63  }
0x2b: {  	_ =	swait.ge [sflag:s14], $0x4000  }
0x2c: {  	[sflag:s14] =	ssyncset.done $0x0  }
0x2d: {  	[sflag:s14] =	ssyncadd.s32 $0xFFFFC000  }
0x2e: {  	[spmem:s7] =	stream.linear.scatter [tilespmem:s13], [sflag:$0xD], $0x4000, $0x38;
	[tilespmem:$0x1FF00] =	vst v63  }
0x2f: {  	_ =	swait.ge [sflag:s14], $0x4000  }
0x30: {  	[sflag:s14] =	ssyncset.done $0x0  }
0x31: {  	[sflag:s14] =	ssyncadd.s32 $0xFFFFC000  }
0x32: {  	[spmem:s8] =	stream.linear.scatter [tilespmem:s13], [sflag:$0xD], $0x4000, $0x38;
	[tilespmem:$0x1FF00] =	vst v63  }
0x33: {  	_ =	swait.ge [sflag:s14], $0x4000  }
0x34: {  	[sflag:s14] =	ssyncset.done $0x0  }
0x35: {  	[sflag:s14] =	ssyncadd.s32 $0xFFFFC000  }
0x36: {  	[spmem:s9] =	stream.linear.scatter [tilespmem:s13], [sflag:$0xD], $0x4000, $0x38;
	[tilespmem:$0x1FF00] =	vst v63  }
0x37: {  	_ =	swait.ge [sflag:s14], $0x4000  }
0x38: {  	[sflag:s14] =	ssyncset.done $0x0  }
0x39: {  	[sflag:s14] =	ssyncadd.s32 $0xFFFFC000  }
0x3a: {  	[spmem:s10] =	stream.linear.scatter [tilespmem:s13], [sflag:$0xD], $0x3C00, $0x38;
	[tilespmem:$0x1FF00] =	vst v63  }
0x3b: {  	_ =	swait.ge [sflag:s14], $0x3C00  }
0x3c: {  	[sflag:s14] =	ssyncset.done $0x0  }
0x3d: {  	[sflag:s14] =	ssyncadd.s32 $0xFFFFC400  }
0x3e: {  	s15 =	simm.s32 $0x0;
	s16 =	simm.s32 $0x0;
	[bflag:$0x0] =	sbarrier.arrive $0xFFFF  }
.LBB2_4:
0x3f: {  	s17 =	rddreg [dreg:$0x3];
	p1 =	seq.s32 s16, $0x0  }
0x40: {  	p0 =	sge.u32 @!p1 s15, s17  }
0x41: {  	p2 =	por p0, p1  }
0x42: {  	s17 =	simm.s32 @!p2 $0xA  }
0x43: {  	_ =	swait.ge @!p2 [sflag:s17], $0x4000  }
0x44: {  	s28 =	sadd.s32 $0xFFFFFFFF, s15;
	s18 =	rddreg [dreg:$0x4]  }
0x45: {  	p0 =	sge.u32 s15, s5;
	[sflag:s17] =	ssyncset.done @!p2 $0x0;
	s19 =	rddreg [dreg:$0x5]  }
0x46: {  	[sflag:s17] =	ssyncadd.s32 @!p2 $0xFFFFC000;
	s17 =	sadd.s32 @!p0 s16, s18;
	s18 =	simm.s32 @!p0 $0x0  }
0x47: {  	[tilespmem:s18], [sflag:$0x1] =	stream.linear.gather @!p0 [hbm4b:s17+s18], $0x80, $0x38;
	[tilespmem:$0x1FF00] =	vst v63  }
0x48: {  	s19 =	sadd.s32 @!p0 s16, s19;
	p2 =	sge.u32 s28, s5;
	s17 =	simm.s32 @!p0 $0x180  }
0x49: {  	[tilespmem:s17], [sflag:$0x4] =	stream.linear.gather @!p0 [hbm4b:s19+s18], $0x80, $0x38;
	[tilespmem:$0x1FF00] =	vst v63  }
0x4a: {  	s19 =	simm.s32 @!p2 $0x3  }
0x4b: {  	_ =	swait.ge @!p2 [sflag:s19], $0x80  }
0x4c: {  	s20 =	simm.s32 @!p2 $0x100;
	[sflag:s19] =	ssyncset.done @!p2 $0x0  }
0x4d: {  	s21 =	simm.s32 @!p2 $0x8300;
	[sflag:s19] =	ssyncadd.s32 @!p2 $0xFFFFFF80;
	s19 =	simm.s32 @!p2 $0x80  }
0x4e: {  	[tilespmem:s21], [sflag:$0x9] =	stream.indirect.gather @!p2 [hbm4b:s4+s19], $0x80, s20, s19, $0xb8;
	[tilespmem:$0x1FF00] =	vst v63  }
0x4f: {  	s20 =	sadd.s32 $0xFFFFFFFE, s15  }
0x50: {  	p3 =	sge.u32 s20, s5  }
0x51: {  	s22 =	simm.s32 @!p3 $0x5  }
0x52: {  	_ =	swait.ge @!p3 [sflag:s22], $0x80  }
0x53: {  	[sflag:s22] =	ssyncset.done @!p3 $0x0  }
0x54: {  	[sflag:s22] =	ssyncadd.s32 @!p3 $0xFFFFFF80;
	s22 =	simm.s32 @!p3 $0x8  }
0x55: {  	_ =	swait.ge @!p3 [sflag:s22], $0x4000  }
0x56: {  	s23 =	simm.s32 @!p3 $0x200;
	[sflag:s22] =	ssyncset.done @!p3 $0x0  }
0x57: {  	s24 =	simm.s32 @!p3 $0x4300;
	[sflag:s22] =	ssyncadd.s32 @!p3 $0xFFFFC000;
	s22 =	simm.s32 @!p3 $0x80  }
0x58: {  	[spmem:s2] =	stream.indirect.scatter.add.f32 @!p3 [tilespmem:s24], [sflag:$0xB], $0x80, s23, s22, $0xb8;
	[tilespmem:$0x1FF00] =	vst v63  }
0x59: {  	p3 =	sge.s32 @!p1 s20, s5  }
0x5a: {  	p3 =	por p3, p1  }
0x5b: {  	s20 =	simm.s32 @!p3 $0xB  }
0x5c: {  	_ =	swait.ge @!p3 [sflag:s20], $0x4000  }
0x5d: {  	s29 =	sadd.s32 $0x1, s15;
	s22 =	rddreg [dreg:$0x6];
	[sflag:s20] =	ssyncset.done @!p3 $0x0  }
0x5e: {  	[sflag:s20] =	ssyncadd.s32 @!p3 $0xFFFFC000;
	p3 =	sge.u32 s29, s5;
	s20 =	rddreg [dreg:$0x7]  }
0x5f: {  	s22 =	sadd.s32 @!p3 s16, s22;
	s23 =	simm.s32 @!p3 $0x0;
	s24 =	simm.s32 @!p3 $0x80  }
0x60: {  	[tilespmem:s24], [sflag:$0x2] =	stream.linear.gather @!p3 [hbm4b:s22+s23], $0x80, $0x38;
	[tilespmem:$0x1FF00] =	vst v63  }
0x61: {  	s20 =	sadd.s32 @!p3 s16, s20;
	s22 =	simm.s32 @!p3 $0x200  }
0x62: {  	[tilespmem:s22], [sflag:$0x5] =	stream.linear.gather @!p3 [hbm4b:s20+s23], $0x80, $0x38;
	[tilespmem:$0x1FF00] =	vst v63  }
0x63: {  	s20 =	simm.s32 @!p0 $0x1  }
0x64: {  	_ =	swait.ge @!p0 [sflag:s20], $0x80  }
0x65: {  	[sflag:s20] =	ssyncset.done @!p0 $0x0  }
0x66: {  	s22 =	simm.s32 @!p0 $0x300;
	[sflag:s20] =	ssyncadd.s32 @!p0 $0xFFFFFF80;
	s20 =	simm.s32 @!p0 $0x80  }
0x67: {  	[tilespmem:s22], [sflag:$0x7] =	stream.indirect.gather @!p0 [hbm4b:s4+s20], $0x80, s18, s20, $0xb8;
	[tilespmem:$0x1FF00] =	vst v63  }
0x68: {  	s18 =	simm.s32 @!p2 $0x6  }
0x69: {  	_ =	swait.ge @!p2 [sflag:s18], $0x80  }
0x6a: {  	[sflag:s18] =	ssyncset.done @!p2 $0x0  }
0x6b: {  	[sflag:s18] =	ssyncadd.s32 @!p2 $0xFFFFFF80;
	s18 =	simm.s32 @!p2 $0x9  }
0x6c: {  	_ =	swait.ge @!p2 [sflag:s18], $0x4000  }
0x6d: {  	[sflag:s18] =	ssyncset.done @!p2 $0x0  }
0x6e: {  	[sflag:s18] =	ssyncadd.s32 @!p2 $0xFFFFC000;
	s18 =	simm.s32 @!p2 $0x280  }
0x6f: {  	[spmem:s2] =	stream.indirect.scatter.add.f32 @!p2 [tilespmem:s21], [sflag:$0xC], $0x80, s18, s19, $0xb8;
	[tilespmem:$0x1FF00] =	vst v63  }
0x70: {  	p2 =	sgt.u32 @!p1 s15, s5  }
0x71: {  	p1 =	por p2, p1  }
0x72: {  	s18 =	simm.s32 @!p1 $0xC  }
0x73: {  	_ =	swait.ge @!p1 [sflag:s18], $0x4000  }
0x74: {  	s30 =	sadd.s32 $0x2, s15;
	s19 =	rddreg [dreg:$0x8];
	[sflag:s18] =	ssyncset.done @!p1 $0x0  }
0x75: {  	[sflag:s18] =	ssyncadd.s32 @!p1 $0xFFFFC000;
	p1 =	sge.u32 s30, s5;
	s18 =	rddreg [dreg:$0x9]  }
0x76: {  	s19 =	sadd.s32 @!p1 s16, s19;
	s21 =	simm.s32 @!p1 $0x0;
	s23 =	simm.s32 @!p1 $0x100  }
0x77: {  	[tilespmem:s23], [sflag:$0x3] =	stream.linear.gather @!p1 [hbm4b:s19+s21], $0x80, $0x38;
	[tilespmem:$0x1FF00] =	vst v63  }
0x78: {  	s18 =	sadd.s32 @!p1 s16, s18;
	s19 =	simm.s32 @!p1 $0x280  }
0x79: {  	[tilespmem:s19], [sflag:$0x6] =	stream.linear.gather @!p1 [hbm4b:s18+s21], $0x80, $0x38;
	[tilespmem:$0x1FF00] =	vst v63  }
0x7a: {  	s18 =	simm.s32 @!p3 $0x2  }
0x7b: {  	_ =	swait.ge @!p3 [sflag:s18], $0x80  }
0x7c: {  	[sflag:s18] =	ssyncset.done @!p3 $0x0  }
0x7d: {  	[sflag:s18] =	ssyncadd.s32 @!p3 $0xFFFFFF80;
	s18 =	simm.s32 @!p3 $0x4300  }
0x7e: {  	[tilespmem:s18], [sflag:$0x8] =	stream.indirect.gather @!p3 [hbm4b:s4+s24], $0x80, s24, s24, $0xb8;
	[tilespmem:$0x1FF00] =	vst v63  }
0x7f: {  	s18 =	simm.s32 @!p0 $0x4  }
0x80: {  	_ =	swait.ge @!p0 [sflag:s18], $0x80  }
0x81: {  	[sflag:s18] =	ssyncset.done @!p0 $0x0  }
0x82: {  	[sflag:s18] =	ssyncadd.s32 @!p0 $0xFFFFFF80;
	s18 =	simm.s32 @!p0 $0x7  }
0x83: {  	_ =	swait.ge @!p0 [sflag:s18], $0x4000  }
0x84: {  	[sflag:s18] =	ssyncset.done @!p0 $0x0  }
0x85: {  	s16 =	sadd.s32 $0x600, s16;
	s31 =	rddreg [dreg:$0xa];
	[sflag:s18] =	ssyncadd.s32 @!p0 $0xFFFFC000  }
0x86: {  	[spmem:s2] =	stream.indirect.scatter.add.f32 @!p0 [tilespmem:s22], [sflag:$0xA], $0x80, s17, s20, $0xb8;
	[tilespmem:$0x1FF00] =	vst v63  }
0x87: {  	p0 =	sne.s32 s31, s16  }
.Ltmp1:
0x88: {  	_ = 	snop;
	(pc) =	sbr.rel @p0 .LBB2_4-.Ltmp1, $2  }
0x89: {  	_ =	sdelay $0x2  }
0x8a: {  	s15 =	sadd.s32 $0x3, s15  }
0x8b: {  	s3 =	sadd.s32 $0x1, s3  }
0x8c: {  	s15 =	sshll.u32 s1, $0x6;
	[bflag:$0x0] =	sbarrier.arrive $0xFFFF;
	p0 =	sne.s32 s3, s12  }
.Ltmp2:
0x8d: {  	s16 =	sshrl.u32 s6, $0x3;
	s15 =	sor.u32 $0x1C0D, s15;
	(pc) =	sbr.rel @p0 .LBB2_1-.Ltmp2, $4  }
0x8e: {  	[hbm:s11], [sflag:s15] =	dma.local [spmem:s16], $0x2780  }
0x8f: {  	_ =	swait.ge [sflag:s14], $0x2780  }
0x90: {  	[sflag:s14] =	ssyncset.done $0x0  }
0x91: {  	[sflag:s14] =	ssyncadd.s32 $0xFFFFD880  }
0x92: {  	_ =	sfence.sel $0x180000  }
0x93: {  	[bflag:$0x0] =	sbarrier.arrive $0xFFFF  }
0x94: {  	p0 =	sne.s32 s1, $0x0;
	_ =	strace $0x9000004A  }
0x95: {  	s0 =	sadd.s32 @!p0 $0x100000, s0;
	[bflag:$0x2] =	sbarrier.arrive $0xFFFF  }
0x96: {  	[sflag:s0] =	ssyncadd.tile.s32 @!p0 $0x1;
	_ =	shalt  }
.Lfunc_end2:
_tile_overlayer_lowered:
.L_overlay_start_2:
0x97: {  	(tag) =	ssettag $0x2  }
0x98: {  	s0 =	rddreg [dreg:$0x0];
	s2 =	stileid.u32  }
0x99: {  	s1 =	rddreg [dreg:$0x1];
	p0 =	sne.s32 s2, $0x0  }
0x9a: {  	s3 =	rddreg [dreg:$0x2];
	[bflag:$0x3] =	sbarrier.arrive $0xFFFF;
	s2 =	simm.s32 @!p0 $0x1C0D  }
0x9b: {  	[timem:s3], [sflag:s2] =	dma.local @!p0 [hbm:s0], s1  }
0x9c: {  	s0 =	simm.s32 @!p0 $0xD  }
0x9d: {  	_ =	swait.ge @!p0 [sflag:s0], s1  }
0x9e: {  	s1 =	ssub.s32 @!p0 $0x0, s1;
	[sflag:s0] =	ssyncset.done @!p0 $0x0  }
0x9f: {  	[sflag:s0] =	ssyncadd.s32 @!p0 s1  }
0xa0: {  	[bflag:$0x3] =	sbarrier.arrive $0xFFFF  }
0xa1: {  	_ =	shalt  }

// kernel: kernel.14.cloned.1.call-start
scs
__scs_entry_jumppad:
0x0: {  	(pc) =	sbr.rel $0x88, $3  }
0x1: {  	(tag) =	ssettag $0x0;
	lr =	simm.s32 $0x1  }
0x2: {  	[smem:$0x3F9D] =	sst lr;
	_ =	strace $0xD0000000  }
0x3: {  	_ = 	snop  }
0x4: {  	_ = 	snop  }
0x5: {  	_ = 	snop  }
0x6: {  	_ = 	snop  }
0x7: {  	_ = 	snop  }
__scs_overlays_trampoline_lowered:
0x8: {  	[smem:$0x3FAC] =	sst s0  }
0x9: {  	[smem:$0x3FAD] =	sst s1  }
0xa: {  	[smem:$0x3FAE] =	sst s2  }
0xb: {  	[smem:$0x3FAF] =	sst s3  }
0xc: {  	[smem:$0x3FB0] =	sst s4  }
0xd: {  	[smem:$0x3FB1] =	sst s5  }
0xe: {  	[smem:$0x3FB2] =	sst s6  }
0xf: {  	[smem:$0x3FB3] =	sst s7  }
0x10: {  	[smem:$0x3FB4] =	sst s8  }
0x11: {  	[smem:$0x3FB5] =	sst s9;
	s0 =	simm.s32 @!p0 $0x0  }
0x12: {  	s1 =	sld [smem:$0x3F9B];
	s0 =	simm.s32 @p0 $0x1  }
0x13: {  	[smem:$0x3FB6] =	sst s0;
	s0 =	simm.s32 @!p1 $0x0  }
0x14: {  	s2 =	sld [smem:$0x3F9A];
	s0 =	simm.s32 @p1 $0x1  }
0x15: {  	[smem:$0x3FB7] =	sst s0;
	s0 =	simm.s32 @!p2 $0x0  }
0x16: {  	s3 =	sld [smem:$0x3FDB];
	s0 =	simm.s32 @p2 $0x1  }
0x17: {  	s4 =	simm.s32 $0x1BF5;
	[smem:$0x3FB9] =	sst s0  }
0x18: {  	s0 =	sld [smem:$0x3F9C];
	_ =	swait.ge [sflag:s4], $0x0  }
0x19: {  	s7 =	sld [smem:$0x3F9D]  }
0x1a: {  	s8 =	sadd.s32 $0xFFFFE003, lr  }
0x1b: {  	s9 =	sadd.s32 $0xFFFFFEF7, lr;
	s5 =	simm.s32 $0xFFFFFFFF;
	p2 =	slt.u32 s8, $0xFFFFF086  }
0x1c: {  	p1 =	slt.u32 s9, $0xF7A;
	s5 =	simm.s32 @!p2 $0x0  }
0x1d: {  	s5 =	simm.s32 @p1 $0x1;
	p0 =	seq.s32 s7, s2  }
0x1e: {  	s7 =	smul.u32 @!p0 $0xF7A, s2;
	p2 =	seq.s32 @!p0 s5, $0x0  }
0x1f: {  	s9 =	smul.u32 $0xF7A, s1;
	s8 =	simm.s32 @!p0 $0x1BF5;
	p2 =	por !p2, p0  }
0x20: {  	[sflag:s8] =	ssyncset.s32 @!p0 $0xFFFFF086;
	s6 =	sadd.s32 @!p0 s3, s7;
	s7 =	simm.s32 @!p0 $0x108  }
0x21: {  	s3 =	sadd.s32 s3, s9;
	s6 =	sadd.s32 @!p0 $0x88, s6;
	s7 =	simm.s32 @p2 $0x1082  }
0x22: {  	[simem:s7], [sflag:s8] =	dma.local @!p0 [hbm:s6], $0xF7A  }
0x23: {  	s9 =	sor.u32 $0xD0000000, s2;
	s6 =	simm.s32 $0x108;
	_ =	swait.ge @!p0 [sflag:s8], $0x0  }
0x24: {  	s3 =	sadd.s32 $0x88, s3;
	s6 =	simm.s32 @!p1 $0x1082;
	[sflag:s4] =	ssyncset.s32 $0xFFFFF086  }
0x25: {  	[simem:s6], [sflag:s4] =	dma.local [hbm:s3], $0xF7A  }
0x26: {  	[smem:$0x3F9D] =	sst s1;
	(tag) =	ssettag s2;
	_ =	strace s9  }
0x27: {  	s1 =	sld [smem:$0x3FAD]  }
0x28: {  	s2 =	sld [smem:$0x3FAE]  }
0x29: {  	s4 =	sld [smem:$0x3FB0]  }
0x2a: {  	p0 =	seq.s32 s5, $0x0;
	s5 =	sld [smem:$0x3FB1]  }
0x2b: {  	s6 =	sld [smem:$0x3FB2]  }
0x2c: {  	s7 =	sld [smem:$0x3FB3]  }
0x2d: {  	s3 =	simm.s32 $0x108;
	s8 =	sld [smem:$0x3FB4]  }
0x2e: {  	s3 =	simm.s32 @!p0 $0x1082;
	s9 =	sld [smem:$0x3FB5]  }
0x2f: {  	lr =	sadd.s32 s0, s3;
	s0 =	sld [smem:$0x3FAC]  }
0x30: {  	s3 =	sld [smem:$0x3FAF]  }
0x31: {  	[smem:$0x3FB8] =	sst s10  }
0x32: {  	s10 =	sld [smem:$0x3FB6];
	_ =	sdelay $0x3  }
0x33: {  	p0 =	seq.s32 s10, $0x1;
	s10 =	sld [smem:$0x3FB8];
	_ =	sdelay $0x3  }
0x34: {  	[smem:$0x3FB8] =	sst s10  }
0x35: {  	s10 =	sld [smem:$0x3FB7];
	_ =	sdelay $0x3  }
0x36: {  	p1 =	seq.s32 s10, $0x1;
	s10 =	sld [smem:$0x3FB8];
	_ =	sdelay $0x3  }
0x37: {  	[smem:$0x3FB8] =	sst s10  }
0x38: {  	s10 =	sld [smem:$0x3FB9]  }
0x39: {  	_ = 	snop;
	(pc) =	sbr.ind lr, $3  }
0x3a: {  	_ = 	snop  }
0x3b: {  	_ = 	snop  }
0x3c: {  	p2 =	seq.s32 s10, $0x1;
	s10 =	sld [smem:$0x3FB8]  }
0x3d: {  	_ =	shalt  }
0x3e: {  	_ =	shalt  }
0x3f: {  	_ =	shalt  }
0x40: {  	_ =	shalt  }
0x41: {  	_ =	shalt  }
0x42: {  	_ =	shalt  }
0x43: {  	_ =	shalt  }
0x44: {  	_ =	shalt  }
0x45: {  	_ =	shalt  }
0x46: {  	_ =	shalt  }
0x47: {  	_ =	shalt  }
0x48: {  	_ =	shalt  }
0x49: {  	_ =	shalt  }
0x4a: {  	_ =	shalt  }
0x4b: {  	_ =	shalt  }
0x4c: {  	_ =	shalt  }
0x4d: {  	_ =	shalt  }
0x4e: {  	_ =	shalt  }
0x4f: {  	_ =	shalt  }
0x50: {  	_ =	shalt  }
0x51: {  	_ =	shalt  }
0x52: {  	_ =	shalt  }
0x53: {  	_ =	shalt  }
0x54: {  	_ =	shalt  }
0x55: {  	_ =	shalt  }
0x56: {  	_ =	shalt  }
0x57: {  	_ =	shalt  }
0x58: {  	_ =	shalt  }
0x59: {  	_ =	shalt  }
0x5a: {  	_ =	shalt  }
0x5b: {  	_ =	shalt  }
0x5c: {  	_ =	shalt  }
0x5d: {  	_ =	shalt  }
0x5e: {  	_ =	shalt  }
0x5f: {  	_ =	shalt  }
0x60: {  	_ =	shalt  }
0x61: {  	_ =	shalt  }
0x62: {  	_ =	shalt  }
0x63: {  	_ =	shalt  }
0x64: {  	_ =	shalt  }
0x65: {  	_ =	shalt  }
0x66: {  	_ =	shalt  }
0x67: {  	_ =	shalt  }
0x68: {  	_ =	shalt  }
0x69: {  	_ =	shalt  }
0x6a: {  	_ =	shalt  }
0x6b: {  	_ =	shalt  }
0x6c: {  	_ =	shalt  }
0x6d: {  	_ =	shalt  }
0x6e: {  	_ =	shalt  }
0x6f: {  	_ =	shalt  }
0x70: {  	_ =	shalt  }
0x71: {  	_ =	shalt  }
0x72: {  	_ =	shalt  }
0x73: {  	_ =	shalt  }
0x74: {  	_ =	shalt  }
0x75: {  	_ =	shalt  }
0x76: {  	_ =	shalt  }
0x77: {  	_ =	shalt  }
0x78: {  	_ =	shalt  }
0x79: {  	_ =	shalt  }
0x7a: {  	_ =	shalt  }
0x7b: {  	_ =	shalt  }
0x7c: {  	_ =	shalt  }
0x7d: {  	_ =	shalt  }
0x7e: {  	_ =	shalt  }
0x7f: {  	_ =	shalt  }
0x80: {  	_ =	shalt  }
0x81: {  	_ =	shalt  }
0x82: {  	_ =	shalt  }
0x83: {  	_ =	shalt  }
0x84: {  	_ =	shalt  }
0x85: {  	_ =	shalt  }
0x86: {  	_ =	shalt  }
0x87: {  	_ =	shalt  }
.Lfunc_end0:
.L_simem_size_0:
called_computation.2_lowered:
.L_overlay_start_0:
0x88: {  	s2 =	sld [smem:$0x3FD9]  }
0x89: {  	s3 =	sld [smem:$0x3FFE];
	_ =	sdelay $0x1  }
0x8a: {  	s1 =	srdreg.scid  }
0x8b: {  	s0 =	sand.u32 $0x1, s1  }
0x8c: {  	s17 =	sshll.u32 s0, $0xA;
	s2 =	sadd.s32 s3, s2  }
0x8d: {  	s2 =	sadd.s32 s2, s17  }
0x8e: {  	[smem:$0x3FC4] =	sst s2  }
0x8f: {  	_ = 	snop  }
0x90: {  	s2 =	sld [smem:$0x3FD0];
	(tm) =	ssettm $0x1  }
0x91: {  	s18 =	sld [smem:$0x3FFB];
	_ =	sdelay $0x3  }
0x92: {  	_ =	strace s18  }
0x93: {  	s3 =	sld [smem:$0x3FFC];
	_ =	sdelay $0x3  }
0x94: {  	_ =	strace s3  }
0x95: {  	s3 =	sld [smem:$0x3FFD];
	_ =	sdelay $0x3  }
0x96: {  	_ =	strace s3  }
0x97: {  	_ =	strace $0x8FFFFFFF  }
0x98: {  	s19 =	sld [smem:$0x3FDB];
	_ =	sdelay $0x1  }
0x99: {  	s4 =	simm.s32 $_scs_section_size  }
0x9a: {  	s5 =	simm.s32 $_size__tile_overlayer_lowered;
	s6 =	simm.s32 $_tile_overlayer_lowered  }
0x9b: {  	s22 =	simm.s32 $0x1BFF;
	s21 =	sshll.u32 s6, $0x1;
	s3 =	sadd.s32 s4, s19  }
0x9c: {  	s7 =	simm.s32 $0x0;
	s20 =	sshll.u32 s5, $0x1;
	s5 =	sadd.s32 s21, s3  }
0x9d: {  	[timem:s7], [sflag:s22] =	dma.local [hbm:s5], s20  }
0x9e: {  	_ =	swait.ge [sflag:s22], s20  }
0x9f: {  	s4 =	ssub.s32 $0x0, s20;
	[sflag:s22] =	ssyncset.done $0x0  }
0xa0: {  	[sflag:s22] =	ssyncadd.s32 s4;
	_ =	sdelay $0x1  }
0xa1: {  	s23 =	simm.s32 $0x1B8B  }
0xa2: {  	_ =	swait.ge [sflag:s23], $0x1  }
0xa3: {  	[sflag:s23] =	ssyncset.done $0x0  }
0xa4: {  	s25 =	simm.s32 $0x1B8E;
	s24 =	sld [smem:$0x3FFE];
	[sflag:s23] =	ssyncadd.s32 $0xFFFFFFFF  }
0xa5: {  	s26 =	simm.s32 $execute0_lowered;
	[smem:$0x3FD2] =	sst s25  }
0xa6: {  	s5 =	sshll.u32 s26, $0x1;
	_ =	strace $0x8000004C;
	[dreg:$0x1] =	wrdreg $0xFFFFFFFF  }
0xa7: {  	s28 =	simm.s32 $_size_execute0_lowered;
	s3 =	sadd.s32 s3, s5;
	[dreg:$0x0] =	wrdreg $0x0  }
0xa8: {  	s5 =	sshll.u32 s28, $0x1;
	[dreg:$0x2] =	wrdreg s3  }
0xa9: {  	[dreg:$0x3] =	wrdreg s5  }
0xaa: {  	[dreg:$0x4] =	wrdreg $0xC0  }
0xab: {  	_ =	task [dreg:s7], $0x5FFFF  }
0xac: {  	[dreg:$0x1] =	wrdreg $0xFFFFFFFF  }
0xad: {  	[dreg:$0x0] =	wrdreg $0x60  }
0xae: {  	[dreg:$0x2] =	wrdreg s2  }
0xaf: {  	[dreg:$0x3] =	wrdreg s24  }
0xb0: {  	[dreg:$0x4] =	wrdreg $0x84000  }
0xb1: {  	[dreg:$0x5] =	wrdreg $0x9  }
0xb2: {  	_ =	task.clear_ibuf [dreg:s7], $0x6FFFF;
	_ =	strace $0x9000004C  }
0xb3: {  	s29 =	simm.s32 $0x9;
	_ =	strace $0x8000004E  }
0xb4: {  	_ =	swait.ge [sflag:s29], $0x1  }
0xb5: {  	[sflag:s29] =	ssyncadd.s32 $0xFFFFFFFF  }
0xb6: {  	_ =	strace $0x9000004E  }
0xb7: {  	_ =	sfence  }
0xb8: {  	s30 =	sld [smem:$0x0];
	_ =	sdelay $0x2  }
0xb9: {  	s31 =	sshll.u32 s1, $0xD;
	s1 =	sshrl.u32 s1, $0x2  }
0xba: {  	s3 =	sand.u32 $0x4000, s31;
	s1 =	sadd.s32 s1, s30  }
0xbb: {  	s0 =	sor.u32 s3, s0;
	s1 =	sshll.u32 s1, $0x11  }
0xbc: {  	s0 =	sor.u32 s1, s0  }
0xbd: {  	s0 =	sadd.s32 $0x8F2B, s0  }
0xbe: {  	[sflag:s0] =	ssyncadd.remote.s32 $0x1  }
0xbf: {  	_ =	sfence.sel $0xFFFF  }
0xc0: {  	[dreg:$0x0] =	wrdreg $0xFFFFFFFF;
	(pc) =	sbr.abs _section_cstart, $3  }
0xc1: {  	[dreg:$0x1] =	wrdreg $0xFFFFFFFF  }
0xc2: {  	_ =	task.clear_ibuf [dreg:s7], $0x2FFFF;
	_ =	strace $0x9FFFFFFF  }
0xc3: {  	(tm) =	ssettm $0x7FFFFFFF  }
tec
execute0_lowered:
.L_overlay_start_1:
0x0: {  	(tag) =	ssettag $0x1  }
0x1: {  	s1 =	rddreg [dreg:$0x0]  }
0x2: {  	s5 =	rddreg [dreg:$0x1];
	s2 =	srdreg.scid  }
0x3: {  	s0 =	stileid.u32;
	s3 =	rddreg [dreg:$0x2]  }
0x4: {  	s4 =	simm.s32 $0x0;
	s16 =	simm.s32 $0x11;
	s7 =	smul.u32 $0x9E00, s0  }
0x5: {  	s6 =	sand.u32 $0x1, s2;
	[smem:$0x7FF] =	sst s4;
	s10 =	smul.u32 $0x27800, s0  }
0x6: {  	s15 =	sshll.u32 s0, $0x4;
	s8 =	smul.u32 $0x9E000, s6;
	s9 =	sshll.u32 s6, $0x8  }
0x7: {  	_ =	strace $0x8000004D;
	s25 =	sshll.u32 s6, $0x4;
	s26 =	ssub.s32 $0x2, s6  }
0x8: {  	s11 =	sadd.s32 s9, s5;
	s28 =	sor.u32 s0, s25;
	s29 =	sshrl.u32 s26, $0x1  }
0x9: {  	s30 =	sshrl.u32 s10, $0x2;
	s8 =	sadd.s32 s7, s8;
	s6 =	ssub.s32 $0x9E3, s28  }
0xa: {  	s13 =	ssub.s32 s26, s29;
	s10 =	sadd.s32 s30, s3;
	s31 =	sadd.s32 s15, s11  }
0xb: {  	s15 =	simm.s32 $0x400;
	s8 =	sshrl.u32 s8, $0x3;
	s9 =	sadd.s32 $0x6000, s10  }
0xc: {  	s12 =	sadd.s32 s8, s5;
	s5 =	sshrl.u32 s6, $0x5;
	s6 =	sadd.s32 s7, s3  }
0xd: {  	s7 =	sadd.s32 $0x2000, s10;
	s8 =	sadd.s32 $0x4000, s10;
	s10 =	sadd.s32 $0x8000, s10  }
0xe: {  	s14 =	sadd.s32 $0x2, s5;
	s11 =	sadd.s32 $0x15600, s12;
	s12 =	smax.u32 s13, $0x1  }
0xf: {  	v0 =	vimm.f32 $0.0e+00;
	s13 =	sadd.s32 $0x1A00, s31;
	[dreg:$0x4] =	wrdreg s14;
	s14 =	sadd.s32 $0xB800, s31  }
.LBB2_1:
0x10: {  	s18 =	simm.s32 $0x100;
	s17 =	simm.s32 $0x0  }
.LBB2_2:
0x11: {  	p0 =	sne.s32 s18, $0x7F00;
	[tilespmem:s17+$0x430] =	vst v0;
	s19 =	smov.u32 s18;
	s18 =	sadd.s32 $0x100, s18  }
.Ltmp0:
0x12: {  	[tilespmem:s17+$0x420] =	vst v0;
	(pc) =	sbr.rel @p0 .LBB2_2-.Ltmp0, $3  }
0x13: {  	[tilespmem:s17+$0x400] =	vst v0  }
0x14: {  	[tilespmem:s17+$0x410] =	vst v0;
	_ =	sdelay $0x1  }
0x15: {  	s17 =	sshra.s32 s19, $0x2  }
0x16: {  	[tilespmem:s17+$0x430] =	vst v0  }
0x17: {  	[tilespmem:s17+$0x420] =	vst v0  }
0x18: {  	[tilespmem:s17+$0x400] =	vst v0  }
0x19: {  	[tilespmem:s17+$0x410] =	vst v0  }
0x1a: {  	[spmem:s6] =	stream.linear.scatter [tilespmem:s15], [sflag:$0x11], $0x2000, $0x38;
	[tilespmem:$0x12200] =	vst v63  }
0x1b: {  	_ =	swait.ge [sflag:s16], $0x2000  }
0x1c: {  	[sflag:s16] =	ssyncset.done $0x0  }
0x1d: {  	[sflag:s16] =	ssyncadd.s32 $0xFFFFE000  }
0x1e: {  	[spmem:s7] =	stream.linear.scatter [tilespmem:s15], [sflag:$0x11], $0x2000, $0x38;
	[tilespmem:$0x12200] =	vst v63  }
0x1f: {  	_ =	swait.ge [sflag:s16], $0x2000  }
0x20: {  	[sflag:s16] =	ssyncset.done $0x0  }
0x21: {  	[sflag:s16] =	ssyncadd.s32 $0xFFFFE000  }
0x22: {  	[spmem:s8] =	stream.linear.scatter [tilespmem:s15], [sflag:$0x11], $0x2000, $0x38;
	[tilespmem:$0x12200] =	vst v63  }
0x23: {  	_ =	swait.ge [sflag:s16], $0x2000  }
0x24: {  	[sflag:s16] =	ssyncset.done $0x0  }
0x25: {  	[sflag:s16] =	ssyncadd.s32 $0xFFFFE000  }
0x26: {  	[spmem:s9] =	stream.linear.scatter [tilespmem:s15], [sflag:$0x11], $0x2000, $0x38;
	[tilespmem:$0x12200] =	vst v63  }
0x27: {  	_ =	swait.ge [sflag:s16], $0x2000  }
0x28: {  	[sflag:s16] =	ssyncset.done $0x0  }
0x29: {  	[sflag:s16] =	ssyncadd.s32 $0xFFFFE000  }
0x2a: {  	[spmem:s10] =	stream.linear.scatter [tilespmem:s15], [sflag:$0x11], $0x1E00, $0x38;
	[tilespmem:$0x12200] =	vst v63  }
0x2b: {  	_ =	swait.ge [sflag:s16], $0x1E00  }
0x2c: {  	[sflag:s16] =	ssyncset.done $0x0  }
0x2d: {  	p4 =	por $0x1, $0x1;
	[sflag:s16] =	ssyncadd.s32 $0xFFFFE200  }
0x2e: {  	p0 =	por $0x0, $0x0;
	s17 =	simm.s32 @!p4 $0xD;
	[bflag:$0x0] =	sbarrier.arrive $0xFFFF  }
0x2f: {  	p1 =	sge.u32 s5, $0x0;
	p2 =	sle.u32 s5, $0x0;
	_ =	swait.ge @!p4 [sflag:s17], $0x2000  }
0x30: {  	p1 =	por !p0, !p1;
	s18 =	sadd.s32 @!p2 $0x0, s13;
	[sflag:s17] =	ssyncset.done @!p4 $0x0  }
0x31: {  	s21 =	simm.s32 @!p2 $0x0;
	p1 =	por !p1, !p1;
	[sflag:s17] =	ssyncadd.s32 @!p4 $0xFFFFE000  }
0x32: {  	[tilespmem:s21], [sflag:$0x1] =	stream.linear.gather @!p2 [hbm4b:s18+s21], $0x80, $0x38;
	[tilespmem:$0x12200] =	vst v63  }
0x33: {  	s19 =	simm.s32 @p1 $0x4;
	s17 =	simm.s32 @!p2 $0x200;
	s18 =	sadd.s32 @!p2 $0x0, s14  }
0x34: {  	[tilespmem:s17], [sflag:$0x5] =	stream.linear.gather @!p2 [hbm4b:s18+s21], $0x80, $0x38;
	[tilespmem:$0x12200] =	vst v63  }
0x35: {  	s22 =	simm.s32 @p1 $0x180;
	_ =	swait.ge @p1 [sflag:s19], $0x80  }
0x36: {  	s23 =	simm.s32 @p1 $0x6400;
	[sflag:s19] =	ssyncset.done @p1 $0x0;
	s20 =	rddreg [dreg:$0x4]  }
0x37: {  	s18 =	simm.s32 @p1 $0x80;
	[sflag:s19] =	ssyncadd.s32 @p1 $0xFFFFFF80;
	p3 =	sgt.u32 s20, $0x0  }
0x38: {  	[tilespmem:s23], [sflag:$0xC] =	stream.indirect.gather @p1 [hbm4b:s1+s18], $0x40, s22, s18, $0xb8;
	[tilespmem:$0x12200] =	vst v63  }
0x39: {  	p0 =	por !p0, !p3  }
0x3a: {  	p3 =	por !p0, !p0  }
0x3b: {  	s19 =	simm.s32 @p3 $0x7  }
0x3c: {  	_ =	swait.ge @p3 [sflag:s19], $0x80  }
0x3d: {  	[sflag:s19] =	ssyncset.done @p3 $0x0  }
0x3e: {  	s20 =	simm.s32 @p3 $0xB;
	[sflag:s19] =	ssyncadd.s32 @p3 $0xFFFFFF80  }
0x3f: {  	s22 =	simm.s32 @!p4 $0xE;
	_ =	swait.ge @p3 [sflag:s20], $0x2000  }
0x40: {  	p0 =	sle.u32 s5, $0x1;
	s24 =	simm.s32 @p3 $0x80;
	[sflag:s20] =	ssyncset.done @p3 $0x0  }
0x41: {  	s25 =	simm.s32 @p3 $0x300;
	s19 =	simm.s32 @p3 $0x4400;
	[sflag:s20] =	ssyncadd.s32 @p3 $0xFFFFE000  }
0x42: {  	[spmem:s3] =	stream.indirect.scatter.add.f32 @p3 [tilespmem:s19], [sflag:$0xF], $0x40, s25, s24, $0xb8;
	[tilespmem:$0x12200] =	vst v63  }
0x43: {  	s19 =	sadd.s32 @!p0 $0x0, s13;
	_ =	swait.ge @!p4 [sflag:s22], $0x2000  }
0x44: {  	s20 =	sadd.s32 @!p0 $0x0, s14;
	s24 =	sadd.s32 @!p0 $0x200, s19;
	[sflag:s22] =	ssyncset.done @!p4 $0x0  }
0x45: {  	s19 =	simm.s32 @!p0 $0x80;
	[sflag:s22] =	ssyncadd.s32 @!p4 $0xFFFFE000;
	s22 =	simm.s32 @!p0 $0x0  }
0x46: {  	[tilespmem:s19], [sflag:$0x2] =	stream.linear.gather @!p0 [hbm4b:s24+s22], $0x80, $0x38;
	[tilespmem:$0x12200] =	vst v63  }
0x47: {  	s25 =	simm.s32 @!p2 $0x1;
	s24 =	sadd.s32 @!p0 $0x200, s20;
	s20 =	simm.s32 @!p0 $0x280  }
0x48: {  	[tilespmem:s20], [sflag:$0x6] =	stream.linear.gather @!p0 [hbm4b:s24+s22], $0x80, $0x38;
	[tilespmem:$0x12200] =	vst v63  }
0x49: {  	_ =	swait.ge @!p2 [sflag:s25], $0x80  }
0x4a: {  	s22 =	simm.s32 @!p2 $0x80;
	[sflag:s25] =	ssyncset.done @!p2 $0x0  }
0x4b: {  	s24 =	simm.s32 @p1 $0x8;
	[sflag:s25] =	ssyncadd.s32 @!p2 $0xFFFFFF80;
	s25 =	simm.s32 @!p2 $0x400  }
0x4c: {  	[tilespmem:s25], [sflag:$0x9] =	stream.indirect.gather @!p2 [hbm4b:s1+s22], $0x40, s21, s22, $0xb8;
	[tilespmem:$0x12200] =	vst v63  }
0x4d: {  	_ =	swait.ge @p1 [sflag:s24], $0x80  }
0x4e: {  	[sflag:s24] =	ssyncset.done @p1 $0x0  }
0x4f: {  	s21 =	simm.s32 @p1 $0xC;
	[sflag:s24] =	ssyncadd.s32 @p1 $0xFFFFFF80  }
0x50: {  	_ =	swait.ge @p1 [sflag:s21], $0x2000  }
0x51: {  	s26 =	simm.s32 @p3 $0xF;
	[sflag:s21] =	ssyncset.done @p1 $0x0  }
0x52: {  	p4 =	sle.u32 s5, $0x2;
	s24 =	simm.s32 @p1 $0x380;
	[sflag:s21] =	ssyncadd.s32 @p1 $0xFFFFE000  }
0x53: {  	[spmem:s3] =	stream.indirect.scatter.add.f32 @p1 [tilespmem:s23], [sflag:$0x10], $0x40, s24, s18, $0xb8;
	[tilespmem:$0x12200] =	vst v63  }
0x54: {  	s21 =	simm.s32 @!p4 $0x0;
	_ =	swait.ge @p3 [sflag:s26], $0x2000  }
0x55: {  	s18 =	sadd.s32 @!p4 $0x0, s13;
	s23 =	simm.s32 @!p4 $0x100;
	[sflag:s26] =	ssyncset.done @p3 $0x0  }
0x56: {  	s24 =	sadd.s32 @!p4 $0x0, s14;
	s18 =	sadd.s32 @!p4 $0x400, s18;
	[sflag:s26] =	ssyncadd.s32 @p3 $0xFFFFE000  }
0x57: {  	[tilespmem:s23], [sflag:$0x3] =	stream.linear.gather @!p4 [hbm4b:s18+s21], $0x80, $0x38;
	[tilespmem:$0x12200] =	vst v63  }
0x58: {  	s26 =	simm.s32 @!p0 $0x2;
	s18 =	sadd.s32 @!p4 $0x400, s24;
	s24 =	simm.s32 @!p4 $0x300  }
0x59: {  	[tilespmem:s24], [sflag:$0x7] =	stream.linear.gather @!p4 [hbm4b:s18+s21], $0x80, $0x38;
	[tilespmem:$0x12200] =	vst v63  }
0x5a: {  	_ =	swait.ge @!p0 [sflag:s26], $0x80  }
0x5b: {  	[sflag:s26] =	ssyncset.done @!p0 $0x0  }
0x5c: {  	s18 =	simm.s32 @!p2 $0x5;
	s24 =	simm.s32 @!p0 $0x2400;
	[sflag:s26] =	ssyncadd.s32 @!p0 $0xFFFFFF80  }
0x5d: {  	[tilespmem:s24], [sflag:$0xA] =	stream.indirect.gather @!p0 [hbm4b:s1+s19], $0x40, s19, s19, $0xb8;
	[tilespmem:$0x12200] =	vst v63  }
0x5e: {  	_ =	swait.ge @!p2 [sflag:s18], $0x80  }
0x5f: {  	[sflag:s18] =	ssyncset.done @!p2 $0x0  }
0x60: {  	s21 =	simm.s32 @!p2 $0x9;
	[sflag:s18] =	ssyncadd.s32 @!p2 $0xFFFFFF80  }
0x61: {  	_ =	swait.ge @!p2 [sflag:s21], $0x2000  }
0x62: {  	[sflag:s21] =	ssyncset.done @!p2 $0x0  }
0x63: {  	s18 =	simm.s32 @p1 $0x10;
	[sflag:s21] =	ssyncadd.s32 @!p2 $0xFFFFE000  }
0x64: {  	[spmem:s3] =	stream.indirect.scatter.add.f32 @!p2 [tilespmem:s25], [sflag:$0xD], $0x40, s17, s22, $0xb8;
	[tilespmem:$0x12200] =	vst v63  }
0x65: {  	p2 =	sle.u32 s5, $0x3;
	_ =	swait.ge @p1 [sflag:s18], $0x2000  }
0x66: {  	s17 =	sadd.s32 @!p2 $0x0, s13;
	s21 =	simm.s32 @!p2 $0x0;
	[sflag:s18] =	ssyncset.done @p1 $0x0  }
0x67: {  	s17 =	sadd.s32 @!p2 $0x600, s17;
	[sflag:s18] =	ssyncadd.s32 @p1 $0xFFFFE000;
	s18 =	simm.s32 @!p2 $0x180  }
0x68: {  	[tilespmem:s18], [sflag:$0x4] =	stream.linear.gather @!p2 [hbm4b:s17+s21], $0x80, $0x38;
	[tilespmem:$0x12200] =	vst v63  }
0x69: {  	s17 =	sadd.s32 @!p2 $0x0, s14  }
0x6a: {  	s22 =	simm.s32 @!p4 $0x3;
	s18 =	simm.s32 @!p2 $0x380;
	s17 =	sadd.s32 @!p2 $0x600, s17  }
0x6b: {  	[tilespmem:s18], [sflag:$0x8] =	stream.linear.gather @!p2 [hbm4b:s17+s21], $0x80, $0x38;
	[tilespmem:$0x12200] =	vst v63  }
0x6c: {  	_ =	swait.ge @!p4 [sflag:s22], $0x80  }
0x6d: {  	[sflag:s22] =	ssyncset.done @!p4 $0x0  }
0x6e: {  	s17 =	simm.s32 @!p4 $0x80;
	s18 =	simm.s32 @!p4 $0x4400;
	[sflag:s22] =	ssyncadd.s32 @!p4 $0xFFFFFF80  }
0x6f: {  	[tilespmem:s18], [sflag:$0xB] =	stream.indirect.gather @!p4 [hbm4b:s1+s17], $0x40, s23, s17, $0xb8;
	[tilespmem:$0x12200] =	vst v63  }
0x70: {  	s26 =	simm.s32 @!p0 $0x6;
	s21 =	simm.s32 $0x1000;
	s17 =	simm.s32 $0x800  }
0x71: {  	s23 =	simm.s32 @!p0 $0xA;
	s18 =	simm.s32 $0x4;
	_ =	swait.ge @!p0 [sflag:s26], $0x80  }
.LBB2_4:
0x72: {  	[sflag:s26] =	ssyncset.done @!p0 $0x0  }
0x73: {  	[sflag:s26] =	ssyncadd.s32 @!p0 $0xFFFFFF80  }
0x74: {  	_ =	swait.ge @!p0 [sflag:s23], $0x2000  }
0x75: {  	p4 =	seq.s32 s17, $0x0;
	[sflag:s23] =	ssyncset.done @!p0 $0x0  }
0x76: {  	p5 =	sne.s32 s17, $0x0;
	s26 =	simm.s32 @!p4 $0xD;
	[sflag:s23] =	ssyncadd.s32 @!p0 $0xFFFFE000  }
0x77: {  	[spmem:s3] =	stream.indirect.scatter.add.f32 @!p0 [tilespmem:s24], [sflag:$0xE], $0x40, s20, s19, $0xb8;
	[tilespmem:$0x12200] =	vst v63  }
0x78: {  	p3 =	sle.u32 s18, s5;
	p2 =	sge.u32 s18, s5;
	_ =	swait.ge @!p4 [sflag:s26], $0x2000  }
0x79: {  	p3 =	por !p5, !p3;
	s25 =	simm.s32 @!p2 $0x0;
	[sflag:s26] =	ssyncset.done @!p4 $0x0  }
0x7a: {  	p3 =	por !p3, !p3;
	s19 =	sadd.s32 @!p2 s17, s13;
	[sflag:s26] =	ssyncadd.s32 @!p4 $0xFFFFE000  }
0x7b: {  	[tilespmem:s25], [sflag:$0x1] =	stream.linear.gather @!p2 [hbm4b:s19+s25], $0x80, $0x38;
	[tilespmem:$0x12200] =	vst v63  }
0x7c: {  	s23 =	simm.s32 @!p2 $0x200;
	s20 =	simm.s32 @p3 $0x4;
	s19 =	sadd.s32 @!p2 s17, s14  }
0x7d: {  	[tilespmem:s23], [sflag:$0x5] =	stream.linear.gather @!p2 [hbm4b:s19+s25], $0x80, $0x38;
	[tilespmem:$0x12200] =	vst v63  }
0x7e: {  	s24 =	simm.s32 @p3 $0x80;
	_ =	swait.ge @p3 [sflag:s20], $0x80  }
0x7f: {  	s26 =	simm.s32 @p3 $0x6400;
	[sflag:s20] =	ssyncset.done @p3 $0x0;
	s28 =	rddreg [dreg:$0x4]  }
0x80: {  	s19 =	simm.s32 @p3 $0x180;
	[sflag:s20] =	ssyncadd.s32 @p3 $0xFFFFFF80;
	p6 =	slt.u32 s18, s28  }
0x81: {  	[tilespmem:s26], [sflag:$0xC] =	stream.indirect.gather @p3 [hbm4b:s1+s24], $0x40, s19, s24, $0xb8;
	[tilespmem:$0x12200] =	vst v63  }
0x82: {  	p0 =	por !p5, !p6  }
0x83: {  	p5 =	por !p0, !p0  }
0x84: {  	s19 =	simm.s32 @p5 $0x7  }
0x85: {  	_ =	swait.ge @p5 [sflag:s19], $0x80  }
0x86: {  	[sflag:s19] =	ssyncset.done @p5 $0x0  }
0x87: {  	s20 =	simm.s32 @p5 $0xB;
	[sflag:s19] =	ssyncadd.s32 @p5 $0xFFFFFF80  }
0x88: {  	s2 =	sadd.s32 $0x1, s18;
	s29 =	simm.s32 @!p4 $0xE;
	_ =	swait.ge @p5 [sflag:s20], $0x2000  }
0x89: {  	p0 =	sge.u32 s2, s5;
	s30 =	simm.s32 @p5 $0x80;
	[sflag:s20] =	ssyncset.done @p5 $0x0  }
0x8a: {  	s31 =	simm.s32 @p5 $0x300;
	s19 =	simm.s32 @p5 $0x4400;
	[sflag:s20] =	ssyncadd.s32 @p5 $0xFFFFE000  }
0x8b: {  	[spmem:s3] =	stream.indirect.scatter.add.f32 @p5 [tilespmem:s19], [sflag:$0xF], $0x40, s31, s30, $0xb8;
	[tilespmem:$0x12200] =	vst v63  }
0x8c: {  	s20 =	sadd.s32 @!p0 s17, s13;
	_ =	swait.ge @!p4 [sflag:s29], $0x2000  }
0x8d: {  	s28 =	sadd.s32 @!p0 s17, s14;
	s20 =	sadd.s32 @!p0 $0x200, s20;
	[sflag:s29] =	ssyncset.done @!p4 $0x0  }
0x8e: {  	s19 =	simm.s32 @!p0 $0x80;
	[sflag:s29] =	ssyncadd.s32 @!p4 $0xFFFFE000;
	s29 =	simm.s32 @!p0 $0x0  }
0x8f: {  	[tilespmem:s19], [sflag:$0x2] =	stream.linear.gather @!p0 [hbm4b:s20+s29], $0x80, $0x38;
	[tilespmem:$0x12200] =	vst v63  }
0x90: {  	s28 =	sadd.s32 @!p0 $0x200, s28;
	s30 =	simm.s32 @!p2 $0x1;
	s20 =	simm.s32 @!p0 $0x280  }
0x91: {  	[tilespmem:s20], [sflag:$0x6] =	stream.linear.gather @!p0 [hbm4b:s28+s29], $0x80, $0x38;
	[tilespmem:$0x12200] =	vst v63  }
0x92: {  	_ =	swait.ge @!p2 [sflag:s30], $0x80  }
0x93: {  	s31 =	simm.s32 @p3 $0x8;
	[sflag:s30] =	ssyncset.done @!p2 $0x0  }
0x94: {  	s28 =	simm.s32 @!p2 $0x80;
	s29 =	simm.s32 @!p2 $0x400;
	[sflag:s30] =	ssyncadd.s32 @!p2 $0xFFFFFF80  }
0x95: {  	[tilespmem:s29], [sflag:$0x9] =	stream.indirect.gather @!p2 [hbm4b:s1+s28], $0x40, s25, s28, $0xb8;
	[tilespmem:$0x12200] =	vst v63  }
0x96: {  	_ =	swait.ge @p3 [sflag:s31], $0x80  }
0x97: {  	[sflag:s31] =	ssyncset.done @p3 $0x0  }
0x98: {  	s25 =	simm.s32 @p3 $0xC;
	[sflag:s31] =	ssyncadd.s32 @p3 $0xFFFFFF80  }
0x99: {  	s2 =	sadd.s32 $0x2, s18;
	_ =	swait.ge @p3 [sflag:s25], $0x2000  }
0x9a: {  	p4 =	sge.u32 s2, s5;
	[sflag:s25] =	ssyncset.done @p3 $0x0  }
0x9b: {  	s30 =	simm.s32 @p3 $0x380;
	s31 =	simm.s32 @p5 $0xF;
	[sflag:s25] =	ssyncadd.s32 @p3 $0xFFFFE000  }
0x9c: {  	[spmem:s3] =	stream.indirect.scatter.add.f32 @p3 [tilespmem:s26], [sflag:$0x10], $0x40, s30, s24, $0xb8;
	[tilespmem:$0x12200] =	vst v63  }
0x9d: {  	s2 =	sadd.s32 @!p4 s17, s13;
	_ =	swait.ge @p5 [sflag:s31], $0x2000  }
0x9e: {  	s2 =	sadd.s32 @!p4 $0x400, s2;
	s25 =	simm.s32 @!p4 $0x100;
	[sflag:s31] =	ssyncset.done @p5 $0x0  }
0x9f: {  	s24 =	simm.s32 @!p4 $0x0;
	s26 =	sadd.s32 @!p4 s17, s14;
	[sflag:s31] =	ssyncadd.s32 @p5 $0xFFFFE000  }
0xa0: {  	[tilespmem:s25], [sflag:$0x3] =	stream.linear.gather @!p4 [hbm4b:s2+s24], $0x80, $0x38;
	[tilespmem:$0x12200] =	vst v63  }
0xa1: {  	s30 =	simm.s32 @!p0 $0x2;
	s2 =	sadd.s32 @!p4 $0x400, s26;
	s26 =	simm.s32 @!p4 $0x300  }
0xa2: {  	[tilespmem:s26], [sflag:$0x7] =	stream.linear.gather @!p4 [hbm4b:s2+s24], $0x80, $0x38;
	[tilespmem:$0x12200] =	vst v63  }
0xa3: {  	_ =	swait.ge @!p0 [sflag:s30], $0x80  }
0xa4: {  	[sflag:s30] =	ssyncset.done @!p0 $0x0  }
0xa5: {  	s2 =	simm.s32 @!p2 $0x5;
	s24 =	simm.s32 @!p0 $0x2400;
	[sflag:s30] =	ssyncadd.s32 @!p0 $0xFFFFFF80  }
0xa6: {  	[tilespmem:s24], [sflag:$0xA] =	stream.indirect.gather @!p0 [hbm4b:s1+s19], $0x40, s19, s19, $0xb8;
	[tilespmem:$0x12200] =	vst v63  }
0xa7: {  	_ =	swait.ge @!p2 [sflag:s2], $0x80  }
0xa8: {  	[sflag:s2] =	ssyncset.done @!p2 $0x0  }
0xa9: {  	s26 =	simm.s32 @!p2 $0x9;
	[sflag:s2] =	ssyncadd.s32 @!p2 $0xFFFFFF80  }
0xaa: {  	_ =	swait.ge @!p2 [sflag:s26], $0x2000  }
0xab: {  	s22 =	smov.u32 s21;
	[sflag:s26] =	ssyncset.done @!p2 $0x0  }
0xac: {  	s31 =	sadd.s32 $0x3, s18;
	s2 =	simm.s32 @p3 $0x10;
	[sflag:s26] =	ssyncadd.s32 @!p2 $0xFFFFE000  }
0xad: {  	[spmem:s3] =	stream.indirect.scatter.add.f32 @!p2 [tilespmem:s29], [sflag:$0xD], $0x40, s23, s28, $0xb8;
	[tilespmem:$0x12200] =	vst v63  }
0xae: {  	s21 =	sadd.s32 $0x800, s21;
	p2 =	sge.u32 s31, s5;
	_ =	swait.ge @p3 [sflag:s2], $0x2000  }
0xaf: {  	s23 =	sadd.s32 @!p2 s17, s13;
	s26 =	simm.s32 @!p2 $0x0;
	[sflag:s2] =	ssyncset.done @p3 $0x0  }
0xb0: {  	[sflag:s2] =	ssyncadd.s32 @p3 $0xFFFFE000;
	s2 =	sadd.s32 @!p2 $0x600, s23;
	s23 =	simm.s32 @!p2 $0x180  }
0xb1: {  	[tilespmem:s23], [sflag:$0x4] =	stream.linear.gather @!p2 [hbm4b:s2+s26], $0x80, $0x38;
	[tilespmem:$0x12200] =	vst v63  }
0xb2: {  	p1 =	sne.s32 s21, $0xA800;
	s2 =	sadd.s32 @!p2 s17, s14  }
0xb3: {  	s28 =	simm.s32 @!p4 $0x3;
	s23 =	simm.s32 @!p2 $0x380;
	s2 =	sadd.s32 @!p2 $0x600, s2  }
0xb4: {  	[tilespmem:s23], [sflag:$0x8] =	stream.linear.gather @!p2 [hbm4b:s2+s26], $0x80, $0x38;
	[tilespmem:$0x12200] =	vst v63  }
.Ltmp1:
0xb5: {  	_ =	swait.ge @!p4 [sflag:s28], $0x80;
	(pc) =	sbr.rel @p1 .LBB2_4-.Ltmp1, $4  }
0xb6: {  	s17 =	smov.u32 s22;
	s22 =	simm.s32 @!p4 $0x4400;
	[sflag:s28] =	ssyncset.done @!p4 $0x0  }
0xb7: {  	s26 =	simm.s32 @!p0 $0x6;
	s2 =	simm.s32 @!p4 $0x80;
	[sflag:s28] =	ssyncadd.s32 @!p4 $0xFFFFFF80  }
0xb8: {  	[tilespmem:s22], [sflag:$0xB] =	stream.indirect.gather @!p4 [hbm4b:s1+s2], $0x40, s25, s2, $0xb8;
	[tilespmem:$0x12200] =	vst v63  }
0xb9: {  	s18 =	sadd.s32 $0x4, s18;
	s23 =	simm.s32 @!p0 $0xA;
	_ =	swait.ge @!p0 [sflag:s26], $0x80  }
0xba: {  	[sflag:s26] =	ssyncset.done @!p0 $0x0  }
0xbb: {  	[sflag:s26] =	ssyncadd.s32 @!p0 $0xFFFFFF80  }
0xbc: {  	_ =	swait.ge @!p0 [sflag:s23], $0x2000  }
0xbd: {  	p2 =	sne.s32 s17, $0x0;
	p4 =	seq.s32 s17, $0x0;
	[sflag:s23] =	ssyncset.done @!p0 $0x0  }
0xbe: {  	p1 =	sle.u32 s18, s5;
	s2 =	simm.s32 @!p4 $0xD;
	[sflag:s23] =	ssyncadd.s32 @!p0 $0xFFFFE000  }
0xbf: {  	[spmem:s3] =	stream.indirect.scatter.add.f32 @!p0 [tilespmem:s24], [sflag:$0xE], $0x40, s20, s19, $0xb8;
	[tilespmem:$0x12200] =	vst v63  }
0xc0: {  	p6 =	por !p2, !p1;
	p1 =	sge.u32 s18, s5;
	_ =	swait.ge @!p4 [sflag:s2], $0x2000  }
0xc1: {  	s22 =	simm.s32 @!p1 $0x0;
	[sflag:s2] =	ssyncset.done @!p4 $0x0  }
0xc2: {  	p0 =	por !p6, !p6;
	s19 =	sadd.s32 @!p1 s17, s13;
	[sflag:s2] =	ssyncadd.s32 @!p4 $0xFFFFE000  }
0xc3: {  	[tilespmem:s22], [sflag:$0x1] =	stream.linear.gather @!p1 [hbm4b:s19+s22], $0x80, $0x38;
	[tilespmem:$0x12200] =	vst v63  }
0xc4: {  	s20 =	simm.s32 @p0 $0x4;
	s2 =	sadd.s32 @!p1 s17, s14;
	s19 =	simm.s32 @!p1 $0x200  }
0xc5: {  	[tilespmem:s19], [sflag:$0x5] =	stream.linear.gather @!p1 [hbm4b:s2+s22], $0x80, $0x38;
	[tilespmem:$0x12200] =	vst v63  }
0xc6: {  	s23 =	simm.s32 @p0 $0x180;
	_ =	swait.ge @p0 [sflag:s20], $0x80  }
0xc7: {  	s24 =	simm.s32 @p0 $0x6400;
	[sflag:s20] =	ssyncset.done @p0 $0x0;
	s21 =	rddreg [dreg:$0x4]  }
0xc8: {  	s2 =	simm.s32 @p0 $0x80;
	[sflag:s20] =	ssyncadd.s32 @p0 $0xFFFFFF80;
	p3 =	slt.u32 s18, s21  }
0xc9: {  	[tilespmem:s24], [sflag:$0xC] =	stream.indirect.gather @p0 [hbm4b:s1+s2], $0x40, s23, s2, $0xb8;
	[tilespmem:$0x12200] =	vst v63  }
0xca: {  	p2 =	por !p2, !p3  }
0xcb: {  	p3 =	por !p2, !p2  }
0xcc: {  	s20 =	simm.s32 @p3 $0x7  }
0xcd: {  	_ =	swait.ge @p3 [sflag:s20], $0x80  }
0xce: {  	[sflag:s20] =	ssyncset.done @p3 $0x0  }
0xcf: {  	s21 =	simm.s32 @p3 $0xB;
	[sflag:s20] =	ssyncadd.s32 @p3 $0xFFFFFF80  }
0xd0: {  	s30 =	sadd.s32 $0x1, s18;
	s25 =	simm.s32 @!p4 $0xE;
	_ =	swait.ge @p3 [sflag:s21], $0x2000  }
0xd1: {  	p2 =	sge.u32 s30, s5;
	s23 =	simm.s32 @p3 $0x4400;
	[sflag:s21] =	ssyncset.done @p3 $0x0  }
0xd2: {  	s26 =	simm.s32 @p3 $0x80;
	s28 =	simm.s32 @p3 $0x300;
	[sflag:s21] =	ssyncadd.s32 @p3 $0xFFFFE000  }
0xd3: {  	[spmem:s3] =	stream.indirect.scatter.add.f32 @p3 [tilespmem:s23], [sflag:$0xF], $0x40, s28, s26, $0xb8;
	[tilespmem:$0x12200] =	vst v63  }
0xd4: {  	s20 =	sadd.s32 @!p2 s17, s13;
	_ =	swait.ge @!p4 [sflag:s25], $0x2000  }
0xd5: {  	s21 =	sadd.s32 @!p2 s17, s14;
	s23 =	sadd.s32 @!p2 $0x200, s20;
	[sflag:s25] =	ssyncset.done @!p4 $0x0  }
0xd6: {  	s20 =	simm.s32 @!p2 $0x80;
	[sflag:s25] =	ssyncadd.s32 @!p4 $0xFFFFE000;
	s25 =	simm.s32 @!p2 $0x0  }
0xd7: {  	[tilespmem:s20], [sflag:$0x2] =	stream.linear.gather @!p2 [hbm4b:s23+s25], $0x80, $0x38;
	[tilespmem:$0x12200] =	vst v63  }
0xd8: {  	s26 =	simm.s32 @!p1 $0x1;
	s23 =	sadd.s32 @!p2 $0x200, s21;
	s21 =	simm.s32 @!p2 $0x280  }
0xd9: {  	[tilespmem:s21], [sflag:$0x6] =	stream.linear.gather @!p2 [hbm4b:s23+s25], $0x80, $0x38;
	[tilespmem:$0x12200] =	vst v63  }
0xda: {  	_ =	swait.ge @!p1 [sflag:s26], $0x80  }
0xdb: {  	s23 =	simm.s32 @!p1 $0x80;
	[sflag:s26] =	ssyncset.done @!p1 $0x0  }
0xdc: {  	s25 =	simm.s32 @p0 $0x8;
	[sflag:s26] =	ssyncadd.s32 @!p1 $0xFFFFFF80;
	s26 =	simm.s32 @!p1 $0x400  }
0xdd: {  	[tilespmem:s26], [sflag:$0x9] =	stream.indirect.gather @!p1 [hbm4b:s1+s23], $0x40, s22, s23, $0xb8;
	[tilespmem:$0x12200] =	vst v63  }
0xde: {  	_ =	swait.ge @p0 [sflag:s25], $0x80  }
0xdf: {  	[sflag:s25] =	ssyncset.done @p0 $0x0  }
0xe0: {  	s22 =	simm.s32 @p0 $0xC;
	[sflag:s25] =	ssyncadd.s32 @p0 $0xFFFFFF80  }
0xe1: {  	_ =	swait.ge @p0 [sflag:s22], $0x2000  }
0xe2: {  	s31 =	sadd.s32 $0x2, s18;
	s29 =	simm.s32 @p3 $0xF;
	[sflag:s22] =	ssyncset.done @p0 $0x0  }
0xe3: {  	p4 =	sge.u32 s31, s5;
	s25 =	simm.s32 @p0 $0x380;
	[sflag:s22] =	ssyncadd.s32 @p0 $0xFFFFE000  }
0xe4: {  	[spmem:s3] =	stream.indirect.scatter.add.f32 @p0 [tilespmem:s24], [sflag:$0x10], $0x40, s25, s2, $0xb8;
	[tilespmem:$0x12200] =	vst v63  }
0xe5: {  	s22 =	simm.s32 @!p4 $0x0;
	_ =	swait.ge @p3 [sflag:s29], $0x2000  }
0xe6: {  	s2 =	sadd.s32 @!p4 s17, s13;
	s24 =	simm.s32 @!p4 $0x100;
	[sflag:s29] =	ssyncset.done @p3 $0x0  }
0xe7: {  	s25 =	sadd.s32 @!p4 s17, s14;
	s2 =	sadd.s32 @!p4 $0x400, s2;
	[sflag:s29] =	ssyncadd.s32 @p3 $0xFFFFE000  }
0xe8: {  	[tilespmem:s24], [sflag:$0x3] =	stream.linear.gather @!p4 [hbm4b:s2+s22], $0x80, $0x38;
	[tilespmem:$0x12200] =	vst v63  }
0xe9: {  	s28 =	simm.s32 @!p2 $0x2;
	s2 =	sadd.s32 @!p4 $0x400, s25;
	s25 =	simm.s32 @!p4 $0x300  }
0xea: {  	[tilespmem:s25], [sflag:$0x7] =	stream.linear.gather @!p4 [hbm4b:s2+s22], $0x80, $0x38;
	[tilespmem:$0x12200] =	vst v63  }
0xeb: {  	_ =	swait.ge @!p2 [sflag:s28], $0x80  }
0xec: {  	[sflag:s28] =	ssyncset.done @!p2 $0x0  }
0xed: {  	s2 =	simm.s32 @!p1 $0x5;
	s22 =	simm.s32 @!p2 $0x2400;
	[sflag:s28] =	ssyncadd.s32 @!p2 $0xFFFFFF80  }
0xee: {  	[tilespmem:s22], [sflag:$0xA] =	stream.indirect.gather @!p2 [hbm4b:s1+s20], $0x40, s20, s20, $0xb8;
	[tilespmem:$0x12200] =	vst v63  }
0xef: {  	_ =	swait.ge @!p1 [sflag:s2], $0x80  }
0xf0: {  	[sflag:s2] =	ssyncset.done @!p1 $0x0  }
0xf1: {  	s25 =	simm.s32 @!p1 $0x9;
	[sflag:s2] =	ssyncadd.s32 @!p1 $0xFFFFFF80  }
0xf2: {  	_ =	swait.ge @!p1 [sflag:s25], $0x2000  }
0xf3: {  	[sflag:s25] =	ssyncset.done @!p1 $0x0  }
0xf4: {  	s29 =	sadd.s32 $0x3, s18;
	s2 =	simm.s32 @p0 $0x10;
	[sflag:s25] =	ssyncadd.s32 @!p1 $0xFFFFE000  }
0xf5: {  	[spmem:s3] =	stream.indirect.scatter.add.f32 @!p1 [tilespmem:s26], [sflag:$0xD], $0x40, s19, s23, $0xb8;
	[tilespmem:$0x12200] =	vst v63  }
0xf6: {  	p1 =	sge.u32 s29, s5;
	_ =	swait.ge @p0 [sflag:s2], $0x2000  }
0xf7: {  	s18 =	sadd.s32 @!p1 s17, s13;
	s19 =	simm.s32 @!p1 $0x0;
	[sflag:s2] =	ssyncset.done @p0 $0x0  }
0xf8: {  	[sflag:s2] =	ssyncadd.s32 @p0 $0xFFFFE000;
	s2 =	sadd.s32 @!p1 $0x600, s18;
	s18 =	simm.s32 @!p1 $0x180  }
0xf9: {  	[tilespmem:s18], [sflag:$0x4] =	stream.linear.gather @!p1 [hbm4b:s2+s19], $0x80, $0x38;
	[tilespmem:$0x12200] =	vst v63  }
0xfa: {  	s2 =	sadd.s32 @!p1 s17, s14  }
0xfb: {  	s17 =	simm.s32 @!p1 $0x380;
	s18 =	simm.s32 @!p4 $0x3;
	s2 =	sadd.s32 @!p1 $0x600, s2  }
0xfc: {  	[tilespmem:s17], [sflag:$0x8] =	stream.linear.gather @!p1 [hbm4b:s2+s19], $0x80, $0x38;
	[tilespmem:$0x12200] =	vst v63  }
0xfd: {  	_ =	swait.ge @!p4 [sflag:s18], $0x80  }
0xfe: {  	s2 =	simm.s32 @!p2 $0x6;
	[sflag:s18] =	ssyncset.done @!p4 $0x0  }
0xff: {  	s17 =	simm.s32 @!p4 $0x80;
	s19 =	simm.s32 @!p4 $0x4400;
	[sflag:s18] =	ssyncadd.s32 @!p4 $0xFFFFFF80  }
0x100: {  	[tilespmem:s19], [sflag:$0xB] =	stream.indirect.gather @!p4 [hbm4b:s1+s17], $0x40, s24, s17, $0xb8;
	[tilespmem:$0x12200] =	vst v63  }
0x101: {  	_ =	swait.ge @!p2 [sflag:s2], $0x80  }
0x102: {  	[sflag:s2] =	ssyncset.done @!p2 $0x0  }
0x103: {  	s17 =	simm.s32 @!p2 $0xA;
	[sflag:s2] =	ssyncadd.s32 @!p2 $0xFFFFFF80  }
0x104: {  	_ =	swait.ge @!p2 [sflag:s17], $0x2000  }
0x105: {  	s4 =	sadd.s32 $0x1, s4;
	s30 =	sshll.u32 s0, $0x6;
	[sflag:s17] =	ssyncset.done @!p2 $0x0  }
0x106: {  	s31 =	sshrl.u32 s6, $0x3;
	p0 =	sne.s32 s4, s12;
	[sflag:s17] =	ssyncadd.s32 @!p2 $0xFFFFE000  }
0x107: {  	[spmem:s3] =	stream.indirect.scatter.add.f32 @!p2 [tilespmem:s22], [sflag:$0xE], $0x40, s21, s20, $0xb8;
	[tilespmem:$0x12200] =	vst v63  }
.Ltmp2:
0x108: {  	s2 =	sor.u32 $0x1C11, s30;
	[bflag:$0x0] =	sbarrier.arrive $0xFFFF;
	(pc) =	sbr.rel @p0 .LBB2_1-.Ltmp2, $4  }
0x109: {  	[hbm:s11], [sflag:s2] =	dma.local [spmem:s31], $0x13C0  }
0x10a: {  	_ =	swait.ge [sflag:s16], $0x13C0  }
0x10b: {  	[sflag:s16] =	ssyncset.done $0x0  }
0x10c: {  	[sflag:s16] =	ssyncadd.s32 $0xFFFFEC40  }
0x10d: {  	_ =	sfence.sel $0x180000  }
0x10e: {  	[bflag:$0x0] =	sbarrier.arrive $0xFFFF  }
0x10f: {  	_ =	strace $0x9000004D  }
0x110: {  	[bflag:$0x2] =	sbarrier.arrive $0xFFFF  }
0x111: {  	p0 =	sne.s32 s0, $0x0;
	s0 =	rddreg [dreg:$0x3]  }
0x112: {  	s0 =	sadd.s32 @!p0 $0x100000, s0  }
0x113: {  	[sflag:s0] =	ssyncadd.tile.s32 @!p0 $0x1;
	_ =	shalt  }
.Lfunc_end2:
_tile_overlayer_lowered:
.L_overlay_start_2:
0x114: {  	(tag) =	ssettag $0x2  }
0x115: {  	s0 =	rddreg [dreg:$0x0];
	s2 =	stileid.u32  }
0x116: {  	s1 =	rddreg [dreg:$0x1];
	p0 =	sne.s32 s2, $0x0  }
0x117: {  	s3 =	rddreg [dreg:$0x2];
	[bflag:$0x3] =	sbarrier.arrive $0xFFFF;
	s2 =	simm.s32 @!p0 $0x1C11  }
0x118: {  	[timem:s3], [sflag:s2] =	dma.local @!p0 [hbm:s0], s1  }
0x119: {  	s0 =	simm.s32 @!p0 $0x11  }
0x11a: {  	_ =	swait.ge @!p0 [sflag:s0], s1  }
0x11b: {  	s1 =	ssub.s32 @!p0 $0x0, s1;
	[sflag:s0] =	ssyncset.done @!p0 $0x0  }
0x11c: {  	[sflag:s0] =	ssyncadd.s32 @!p0 s1  }
0x11d: {  	[bflag:$0x3] =	sbarrier.arrive $0xFFFF  }
0x11e: {  	_ =	shalt  }

// kernel: kernel.8.cloned.1.call-start
scs
__scs_entry_jumppad:
0x0: {  	(pc) =	sbr.rel $0x88, $3  }
0x1: {  	(tag) =	ssettag $0x0;
	lr =	simm.s32 $0x1  }
0x2: {  	[smem:$0x3F9D] =	sst lr;
	_ =	strace $0xD0000000  }
0x3: {  	_ = 	snop  }
0x4: {  	_ = 	snop  }
0x5: {  	_ = 	snop  }
0x6: {  	_ = 	snop  }
0x7: {  	_ = 	snop  }
__scs_overlays_trampoline_lowered:
0x8: {  	[smem:$0x3FAC] =	sst s0  }
0x9: {  	[smem:$0x3FAD] =	sst s1  }
0xa: {  	[smem:$0x3FAE] =	sst s2  }
0xb: {  	[smem:$0x3FAF] =	sst s3  }
0xc: {  	[smem:$0x3FB0] =	sst s4  }
0xd: {  	[smem:$0x3FB1] =	sst s5  }
0xe: {  	[smem:$0x3FB2] =	sst s6  }
0xf: {  	[smem:$0x3FB3] =	sst s7  }
0x10: {  	[smem:$0x3FB4] =	sst s8  }
0x11: {  	[smem:$0x3FB5] =	sst s9;
	s0 =	simm.s32 @!p0 $0x0  }
0x12: {  	s1 =	sld [smem:$0x3F9B];
	s0 =	simm.s32 @p0 $0x1  }
0x13: {  	[smem:$0x3FB6] =	sst s0;
	s0 =	simm.s32 @!p1 $0x0  }
0x14: {  	s2 =	sld [smem:$0x3F9A];
	s0 =	simm.s32 @p1 $0x1  }
0x15: {  	[smem:$0x3FB7] =	sst s0;
	s0 =	simm.s32 @!p2 $0x0  }
0x16: {  	s3 =	sld [smem:$0x3FDB];
	s0 =	simm.s32 @p2 $0x1  }
0x17: {  	s4 =	simm.s32 $0x1BF5;
	[smem:$0x3FB9] =	sst s0  }
0x18: {  	s0 =	sld [smem:$0x3F9C];
	_ =	swait.ge [sflag:s4], $0x0  }
0x19: {  	s7 =	sld [smem:$0x3F9D]  }
0x1a: {  	s8 =	sadd.s32 $0xFFFFE003, lr  }
0x1b: {  	s9 =	sadd.s32 $0xFFFFFEF7, lr;
	s5 =	simm.s32 $0xFFFFFFFF;
	p2 =	slt.u32 s8, $0xFFFFF086  }
0x1c: {  	p1 =	slt.u32 s9, $0xF7A;
	s5 =	simm.s32 @!p2 $0x0  }
0x1d: {  	s5 =	simm.s32 @p1 $0x1;
	p0 =	seq.s32 s7, s2  }
0x1e: {  	s7 =	smul.u32 @!p0 $0xF7A, s2;
	p2 =	seq.s32 @!p0 s5, $0x0  }
0x1f: {  	s9 =	smul.u32 $0xF7A, s1;
	s8 =	simm.s32 @!p0 $0x1BF5;
	p2 =	por !p2, p0  }
0x20: {  	[sflag:s8] =	ssyncset.s32 @!p0 $0xFFFFF086;
	s6 =	sadd.s32 @!p0 s3, s7;
	s7 =	simm.s32 @!p0 $0x108  }
0x21: {  	s3 =	sadd.s32 s3, s9;
	s6 =	sadd.s32 @!p0 $0x88, s6;
	s7 =	simm.s32 @p2 $0x1082  }
0x22: {  	[simem:s7], [sflag:s8] =	dma.local @!p0 [hbm:s6], $0xF7A  }
0x23: {  	s9 =	sor.u32 $0xD0000000, s2;
	s6 =	simm.s32 $0x108;
	_ =	swait.ge @!p0 [sflag:s8], $0x0  }
0x24: {  	s3 =	sadd.s32 $0x88, s3;
	s6 =	simm.s32 @!p1 $0x1082;
	[sflag:s4] =	ssyncset.s32 $0xFFFFF086  }
0x25: {  	[simem:s6], [sflag:s4] =	dma.local [hbm:s3], $0xF7A  }
0x26: {  	[smem:$0x3F9D] =	sst s1;
	(tag) =	ssettag s2;
	_ =	strace s9  }
0x27: {  	s1 =	sld [smem:$0x3FAD]  }
0x28: {  	s2 =	sld [smem:$0x3FAE]  }
0x29: {  	s4 =	sld [smem:$0x3FB0]  }
0x2a: {  	p0 =	seq.s32 s5, $0x0;
	s5 =	sld [smem:$0x3FB1]  }
0x2b: {  	s6 =	sld [smem:$0x3FB2]  }
0x2c: {  	s7 =	sld [smem:$0x3FB3]  }
0x2d: {  	s3 =	simm.s32 $0x108;
	s8 =	sld [smem:$0x3FB4]  }
0x2e: {  	s3 =	simm.s32 @!p0 $0x1082;
	s9 =	sld [smem:$0x3FB5]  }
0x2f: {  	lr =	sadd.s32 s0, s3;
	s0 =	sld [smem:$0x3FAC]  }
0x30: {  	s3 =	sld [smem:$0x3FAF]  }
0x31: {  	[smem:$0x3FB8] =	sst s10  }
0x32: {  	s10 =	sld [smem:$0x3FB6];
	_ =	sdelay $0x3  }
0x33: {  	p0 =	seq.s32 s10, $0x1;
	s10 =	sld [smem:$0x3FB8];
	_ =	sdelay $0x3  }
0x34: {  	[smem:$0x3FB8] =	sst s10  }
0x35: {  	s10 =	sld [smem:$0x3FB7];
	_ =	sdelay $0x3  }
0x36: {  	p1 =	seq.s32 s10, $0x1;
	s10 =	sld [smem:$0x3FB8];
	_ =	sdelay $0x3  }
0x37: {  	[smem:$0x3FB8] =	sst s10  }
0x38: {  	s10 =	sld [smem:$0x3FB9]  }
0x39: {  	_ = 	snop;
	(pc) =	sbr.ind lr, $3  }
0x3a: {  	_ = 	snop  }
0x3b: {  	_ = 	snop  }
0x3c: {  	p2 =	seq.s32 s10, $0x1;
	s10 =	sld [smem:$0x3FB8]  }
0x3d: {  	_ =	shalt  }
0x3e: {  	_ =	shalt  }
0x3f: {  	_ =	shalt  }
0x40: {  	_ =	shalt  }
0x41: {  	_ =	shalt  }
0x42: {  	_ =	shalt  }
0x43: {  	_ =	shalt  }
0x44: {  	_ =	shalt  }
0x45: {  	_ =	shalt  }
0x46: {  	_ =	shalt  }
0x47: {  	_ =	shalt  }
0x48: {  	_ =	shalt  }
0x49: {  	_ =	shalt  }
0x4a: {  	_ =	shalt  }
0x4b: {  	_ =	shalt  }
0x4c: {  	_ =	shalt  }
0x4d: {  	_ =	shalt  }
0x4e: {  	_ =	shalt  }
0x4f: {  	_ =	shalt  }
0x50: {  	_ =	shalt  }
0x51: {  	_ =	shalt  }
0x52: {  	_ =	shalt  }
0x53: {  	_ =	shalt  }
0x54: {  	_ =	shalt  }
0x55: {  	_ =	shalt  }
0x56: {  	_ =	shalt  }
0x57: {  	_ =	shalt  }
0x58: {  	_ =	shalt  }
0x59: {  	_ =	shalt  }
0x5a: {  	_ =	shalt  }
0x5b: {  	_ =	shalt  }
0x5c: {  	_ =	shalt  }
0x5d: {  	_ =	shalt  }
0x5e: {  	_ =	shalt  }
0x5f: {  	_ =	shalt  }
0x60: {  	_ =	shalt  }
0x61: {  	_ =	shalt  }
0x62: {  	_ =	shalt  }
0x63: {  	_ =	shalt  }
0x64: {  	_ =	shalt  }
0x65: {  	_ =	shalt  }
0x66: {  	_ =	shalt  }
0x67: {  	_ =	shalt  }
0x68: {  	_ =	shalt  }
0x69: {  	_ =	shalt  }
0x6a: {  	_ =	shalt  }
0x6b: {  	_ =	shalt  }
0x6c: {  	_ =	shalt  }
0x6d: {  	_ =	shalt  }
0x6e: {  	_ =	shalt  }
0x6f: {  	_ =	shalt  }
0x70: {  	_ =	shalt  }
0x71: {  	_ =	shalt  }
0x72: {  	_ =	shalt  }
0x73: {  	_ =	shalt  }
0x74: {  	_ =	shalt  }
0x75: {  	_ =	shalt  }
0x76: {  	_ =	shalt  }
0x77: {  	_ =	shalt  }
0x78: {  	_ =	shalt  }
0x79: {  	_ =	shalt  }
0x7a: {  	_ =	shalt  }
0x7b: {  	_ =	shalt  }
0x7c: {  	_ =	shalt  }
0x7d: {  	_ =	shalt  }
0x7e: {  	_ =	shalt  }
0x7f: {  	_ =	shalt  }
0x80: {  	_ =	shalt  }
0x81: {  	_ =	shalt  }
0x82: {  	_ =	shalt  }
0x83: {  	_ =	shalt  }
0x84: {  	_ =	shalt  }
0x85: {  	_ =	shalt  }
0x86: {  	_ =	shalt  }
0x87: {  	_ =	shalt  }
.Lfunc_end0:
.L_simem_size_0:
called_computation_lowered:
.L_overlay_start_0:
0x88: {  	s2 =	sld [smem:$0x3FD9]  }
0x89: {  	s3 =	sld [smem:$0x3FFE];
	_ =	sdelay $0x1  }
0x8a: {  	s1 =	srdreg.scid  }
0x8b: {  	s0 =	sand.u32 $0x1, s1  }
0x8c: {  	s17 =	sshll.u32 s0, $0xA;
	s2 =	sadd.s32 s3, s2  }
0x8d: {  	s2 =	sadd.s32 s2, s17  }
0x8e: {  	[smem:$0x3FC4] =	sst s2  }
0x8f: {  	_ = 	snop  }
0x90: {  	s2 =	sld [smem:$0x3FD0];
	(tm) =	ssettm $0x1  }
0x91: {  	s18 =	sld [smem:$0x3FFB];
	_ =	sdelay $0x3  }
0x92: {  	_ =	strace s18  }
0x93: {  	s3 =	sld [smem:$0x3FFC];
	_ =	sdelay $0x3  }
0x94: {  	_ =	strace s3  }
0x95: {  	s3 =	sld [smem:$0x3FFD];
	_ =	sdelay $0x3  }
0x96: {  	_ =	strace s3  }
0x97: {  	_ =	strace $0x8FFFFFFF  }
0x98: {  	s19 =	sld [smem:$0x3FDB];
	_ =	sdelay $0x1  }
0x99: {  	s4 =	simm.s32 $_scs_section_size  }
0x9a: {  	s5 =	simm.s32 $_size__tile_overlayer_lowered;
	s6 =	simm.s32 $_tile_overlayer_lowered  }
0x9b: {  	s22 =	simm.s32 $0x1BFF;
	s21 =	sshll.u32 s6, $0x1;
	s3 =	sadd.s32 s4, s19  }
0x9c: {  	s7 =	simm.s32 $0x0;
	s20 =	sshll.u32 s5, $0x1;
	s5 =	sadd.s32 s21, s3  }
0x9d: {  	[timem:s7], [sflag:s22] =	dma.local [hbm:s5], s20  }
0x9e: {  	_ =	swait.ge [sflag:s22], s20  }
0x9f: {  	s4 =	ssub.s32 $0x0, s20;
	[sflag:s22] =	ssyncset.done $0x0  }
0xa0: {  	[sflag:s22] =	ssyncadd.s32 s4;
	_ =	sdelay $0x1  }
0xa1: {  	s23 =	simm.s32 $0x1B8B  }
0xa2: {  	_ =	swait.ge [sflag:s23], $0x1  }
0xa3: {  	[sflag:s23] =	ssyncset.done $0x0  }
0xa4: {  	s25 =	simm.s32 $0x1B8E;
	s24 =	sld [smem:$0x3FFE];
	[sflag:s23] =	ssyncadd.s32 $0xFFFFFFFF  }
0xa5: {  	s26 =	simm.s32 $execute0_lowered;
	[smem:$0x3FD2] =	sst s25  }
0xa6: {  	s5 =	sshll.u32 s26, $0x1;
	_ =	strace $0x80000046;
	[dreg:$0x1] =	wrdreg $0xFFFFFFFF  }
0xa7: {  	s28 =	simm.s32 $_size_execute0_lowered;
	s3 =	sadd.s32 s3, s5;
	[dreg:$0x0] =	wrdreg $0x0  }
0xa8: {  	s5 =	sshll.u32 s28, $0x1;
	[dreg:$0x2] =	wrdreg s3  }
0xa9: {  	[dreg:$0x3] =	wrdreg s5  }
0xaa: {  	[dreg:$0x4] =	wrdreg $0xC0  }
0xab: {  	_ =	task [dreg:s7], $0x5FFFF  }
0xac: {  	[dreg:$0x1] =	wrdreg $0xFFFFFFFF  }
0xad: {  	[dreg:$0x0] =	wrdreg $0x60  }
0xae: {  	[dreg:$0x2] =	wrdreg s24  }
0xaf: {  	[dreg:$0x3] =	wrdreg s2  }
0xb0: {  	[dreg:$0x4] =	wrdreg $0xA000  }
0xb1: {  	[dreg:$0x5] =	wrdreg $0x9  }
0xb2: {  	_ =	task.clear_ibuf [dreg:s7], $0x6FFFF;
	_ =	strace $0x90000046  }
0xb3: {  	s29 =	simm.s32 $0x9;
	_ =	strace $0x80000048  }
0xb4: {  	_ =	swait.ge [sflag:s29], $0x1  }
0xb5: {  	[sflag:s29] =	ssyncadd.s32 $0xFFFFFFFF  }
0xb6: {  	_ =	strace $0x90000048  }
0xb7: {  	_ =	sfence  }
0xb8: {  	s30 =	sld [smem:$0x0];
	_ =	sdelay $0x2  }
0xb9: {  	s31 =	sshll.u32 s1, $0xD;
	s1 =	sshrl.u32 s1, $0x2  }
0xba: {  	s3 =	sand.u32 $0x4000, s31;
	s1 =	sadd.s32 s1, s30  }
0xbb: {  	s0 =	sor.u32 s3, s0;
	s1 =	sshll.u32 s1, $0x11  }
0xbc: {  	s0 =	sor.u32 s1, s0  }
0xbd: {  	s0 =	sadd.s32 $0x8F2B, s0  }
0xbe: {  	[sflag:s0] =	ssyncadd.remote.s32 $0x1  }
0xbf: {  	_ =	sfence.sel $0xFFFF  }
0xc0: {  	[dreg:$0x0] =	wrdreg $0xFFFFFFFF;
	(pc) =	sbr.abs _section_cstart, $3  }
0xc1: {  	[dreg:$0x1] =	wrdreg $0xFFFFFFFF  }
0xc2: {  	_ =	task.clear_ibuf [dreg:s7], $0x2FFFF;
	_ =	strace $0x9FFFFFFF  }
0xc3: {  	(tm) =	ssettm $0x7FFFFFFF  }
tec
execute0_lowered:
.L_overlay_start_1:
0x0: {  	(tag) =	ssettag $0x1  }
0x1: {  	s4 =	rddreg [dreg:$0x0]  }
0x2: {  	s10 =	rddreg [dreg:$0x1]  }
0x3: {  	s1 =	rddreg [dreg:$0x2]  }
0x4: {  	s0 =	rddreg [dreg:$0x3];
	s3 =	srdreg.scid  }
0x5: {  	s2 =	simm.s32 $0x0;
	s5 =	sand.u32 $0x1, s3;
	s3 =	stileid.u32  }
0x6: {  	s16 =	simm.s32 $0x2;
	[smem:$0x7FF] =	sst s2;
	s9 =	smul.u32 $0x9C40, s3  }
0x7: {  	_ =	strace $0x80000047;
	s6 =	ssub.s32 $0x2, s5;
	s13 =	smul.u32 $0x13880, s5  }
0x8: {  	s7 =	sshll.u32 s5, $0x8;
	s26 =	sshll.u32 s5, $0x4;
	s14 =	smul.u32 $0x1388, s3  }
0x9: {  	s15 =	sshll.u32 s3, $0x4;
	s8 =	sshrl.u32 s6, $0x1;
	s11 =	sadd.s32 s7, s4  }
0xa: {  	s4 =	sor.u32 s3, s26;
	s12 =	ssub.s32 s6, s8;
	s28 =	sshrl.u32 s9, $0x2  }
0xb: {  	s29 =	ssub.s32 $0x9E3, s4;
	s13 =	sadd.s32 s14, s13;
	s31 =	sadd.s32 s15, s11  }
0xc: {  	s14 =	simm.s32 $0x9;
	s15 =	simm.s32 $0x1;
	s4 =	sadd.s32 s28, s1  }
0xd: {  	s5 =	sshrl.u32 s29, $0x5;
	s13 =	sshrl.u32 s13, $0x3;
	s11 =	smax.u32 s12, $0x1  }
0xe: {  	s12 =	sadd.s32 $0xB800, s31;
	s6 =	sadd.s32 $0x800, s4;
	s7 =	sadd.s32 $0x1000, s4  }
0xf: {  	s8 =	sadd.s32 $0x1800, s4;
	s9 =	sadd.s32 $0x2000, s4;
	s30 =	sadd.s32 $0x2, s5  }
0x10: {  	v0 =	vimm.f32 $0.0e+00;
	v1 =	vimm.f32 $1.000000000e+00;
	s10 =	sadd.s32 s10, s13;
	s13 =	simm.s32 $0x200;
	[dreg:$0x4] =	wrdreg s30  }
.LBB2_1:
0x11: {  	s17 =	simm.s32 $0x40;
	s18 =	simm.s32 $0x0  }
.LBB2_2:
0x12: {  	p0 =	sne.s32 s17, $0x1FC0;
	[tilespmem:s18+$0x200] =	vst v0;
	s18 =	smov.u32 s17;
	s17 =	sadd.s32 $0x40, s17  }
.Ltmp0:
0x13: {  	(pc) =	sbr.rel @p0 .LBB2_2-.Ltmp0, $2  }
0x14: {  	_ =	sdelay $0x2  }
0x15: {  	s18 =	sshra.s32 s18, $0x2  }
0x16: {  	[tilespmem:s18+$0x200] =	vst v0  }
0x17: {  	[spmem:s4] =	stream.linear.scatter [tilespmem:s13], [sflag:$0x9], $0x800, $0x38;
	[tilespmem:$0x3110] =	vst v63  }
0x18: {  	_ =	swait.ge [sflag:s14], $0x800  }
0x19: {  	[sflag:s14] =	ssyncset.done $0x0  }
0x1a: {  	[sflag:s14] =	ssyncadd.s32 $0xFFFFF800  }
0x1b: {  	[spmem:s6] =	stream.linear.scatter [tilespmem:s13], [sflag:$0x9], $0x800, $0x38;
	[tilespmem:$0x3110] =	vst v63  }
0x1c: {  	_ =	swait.ge [sflag:s14], $0x800  }
0x1d: {  	[sflag:s14] =	ssyncset.done $0x0  }
0x1e: {  	[sflag:s14] =	ssyncadd.s32 $0xFFFFF800  }
0x1f: {  	[spmem:s7] =	stream.linear.scatter [tilespmem:s13], [sflag:$0x9], $0x800, $0x38;
	[tilespmem:$0x3110] =	vst v63  }
0x20: {  	_ =	swait.ge [sflag:s14], $0x800  }
0x21: {  	[sflag:s14] =	ssyncset.done $0x0  }
0x22: {  	[sflag:s14] =	ssyncadd.s32 $0xFFFFF800  }
0x23: {  	[spmem:s8] =	stream.linear.scatter [tilespmem:s13], [sflag:$0x9], $0x800, $0x38;
	[tilespmem:$0x3110] =	vst v63  }
0x24: {  	_ =	swait.ge [sflag:s14], $0x800  }
0x25: {  	[sflag:s14] =	ssyncset.done $0x0  }
0x26: {  	[sflag:s14] =	ssyncadd.s32 $0xFFFFF800  }
0x27: {  	[spmem:s9] =	stream.linear.scatter [tilespmem:s13], [sflag:$0x9], $0x710, $0x38;
	[tilespmem:$0x3110] =	vst v63  }
0x28: {  	_ =	swait.ge [sflag:s14], $0x710  }
0x29: {  	[sflag:s14] =	ssyncset.done $0x0  }
0x2a: {  	s17 =	simm.s32 $0x40;
	s18 =	simm.s32 $0x0;
	[sflag:s14] =	ssyncadd.s32 $0xFFFFF8F0  }
.LBB2_4:
0x2b: {  	p0 =	sne.s32 s17, $0x1FC0;
	[tilespmem:s18+$0x200] =	vst v1;
	s18 =	smov.u32 s17;
	s17 =	sadd.s32 $0x40, s17  }
.Ltmp1:
0x2c: {  	(pc) =	sbr.rel @p0 .LBB2_4-.Ltmp1, $2  }
0x2d: {  	_ =	sdelay $0x2  }
0x2e: {  	s18 =	sshra.s32 s18, $0x2  }
0x2f: {  	[tilespmem:s18+$0x200] =	vst v1;
	p4 =	por $0x1, $0x1  }
0x30: {  	[bflag:$0x0] =	sbarrier.arrive $0xFFFF;
	s17 =	simm.s32 @!p4 $0x5  }
0x31: {  	p1 =	sle.u32 s5, $0x0;
	_ =	swait.ge @!p4 [sflag:s17], $0x800  }
0x32: {  	p0 =	por $0x0, $0x0;
	[sflag:s17] =	ssyncset.done @!p4 $0x0;
	s31 =	rddreg [dreg:$0x4]  }
0x33: {  	s19 =	simm.s32 @!p1 $0x0;
	[sflag:s17] =	ssyncadd.s32 @!p4 $0xFFFFF800;
	p2 =	sgt.u32 s31, $0x0  }
0x34: {  	[tilespmem:s19], [sflag:$0x1] =	stream.linear.gather @!p1 [hbm4b:s12+s19], $0x80, $0x38;
	[tilespmem:$0x3110] =	vst v63  }
0x35: {  	p2 =	por !p0, !p2  }
0x36: {  	p3 =	por !p2, !p2  }
0x37: {  	s17 =	simm.s32 @p3 $0x3  }
0x38: {  	p6 =	sge.u32 s5, $0x0;
	s20 =	simm.s32 @!p4 $0x6;
	_ =	swait.ge @p3 [sflag:s17], $0x80  }
0x39: {  	p2 =	por !p0, !p6;
	s18 =	simm.s32 @p3 $0x200;
	[sflag:s17] =	ssyncset.done @p3 $0x0  }
0x3a: {  	s21 =	simm.s32 @p3 $0x80;
	s22 =	simm.s32 @p3 $0x100;
	[sflag:s17] =	ssyncadd.s32 @p3 $0xFFFFFF80  }
0x3b: {  	[spmem:s1] =	stream.indirect.scatter.add.f32 @p3 [tilespmem:s18], [sflag:$0x7], $0x10, s22, s21, $0xb8;
	[tilespmem:$0x3110] =	vst v63  }
0x3c: {  	p0 =	sle.u32 s5, $0x1;
	p2 =	por !p2, !p2;
	_ =	swait.ge @!p4 [sflag:s20], $0x800  }
0x3d: {  	s17 =	sadd.s32 @!p0 $0x200, s12;
	s18 =	simm.s32 @!p0 $0x0;
	[sflag:s20] =	ssyncset.done @!p4 $0x0  }
0x3e: {  	s21 =	simm.s32 @p2 $0x4;
	[sflag:s20] =	ssyncadd.s32 @!p4 $0xFFFFF800;
	s20 =	simm.s32 @!p0 $0x80  }
0x3f: {  	[tilespmem:s20], [sflag:$0x2] =	stream.linear.gather @!p0 [hbm4b:s17+s18], $0x80, $0x38;
	[tilespmem:$0x3110] =	vst v63  }
0x40: {  	_ =	swait.ge @p2 [sflag:s21], $0x80  }
0x41: {  	s23 =	simm.s32 @p3 $0x7;
	s22 =	simm.s32 @p2 $0x180;
	[sflag:s21] =	ssyncset.done @p2 $0x0  }
0x42: {  	s17 =	simm.s32 @p2 $0x80;
	s18 =	simm.s32 @p2 $0x200;
	[sflag:s21] =	ssyncadd.s32 @p2 $0xFFFFFF80  }
0x43: {  	[spmem:s1] =	stream.indirect.scatter.add.f32 @p2 [tilespmem:s18], [sflag:$0x8], $0x10, s22, s17, $0xb8;
	[tilespmem:$0x3110] =	vst v63  }
0x44: {  	p4 =	sle.u32 s5, $0x2;
	_ =	swait.ge @p3 [sflag:s23], $0x800  }
0x45: {  	s21 =	simm.s32 @!p4 $0x0;
	s17 =	sadd.s32 @!p4 $0x400, s12;
	[sflag:s23] =	ssyncset.done @p3 $0x0  }
0x46: {  	s18 =	simm.s32 @!p4 $0x100;
	s22 =	simm.s32 @!p1 $0x1;
	[sflag:s23] =	ssyncadd.s32 @p3 $0xFFFFF800  }
0x47: {  	[tilespmem:s18], [sflag:$0x3] =	stream.linear.gather @!p4 [hbm4b:s17+s21], $0x80, $0x38;
	[tilespmem:$0x3110] =	vst v63  }
0x48: {  	_ =	swait.ge @!p1 [sflag:s22], $0x80  }
0x49: {  	s17 =	simm.s32 @!p1 $0x80;
	[sflag:s22] =	ssyncset.done @!p1 $0x0  }
0x4a: {  	s18 =	simm.s32 @!p1 $0x200;
	s21 =	simm.s32 @p2 $0x8;
	[sflag:s22] =	ssyncadd.s32 @!p1 $0xFFFFFF80  }
0x4b: {  	[spmem:s1] =	stream.indirect.scatter.add.f32 @!p1 [tilespmem:s18], [sflag:$0x5], $0x10, s19, s17, $0xb8;
	[tilespmem:$0x3110] =	vst v63  }
0x4c: {  	p1 =	sle.u32 s5, $0x3;
	_ =	swait.ge @p2 [sflag:s21], $0x800  }
0x4d: {  	s17 =	sadd.s32 @!p1 $0x600, s12;
	[sflag:s21] =	ssyncset.done @p2 $0x0  }
0x4e: {  	s18 =	simm.s32 @!p1 $0x180;
	s19 =	simm.s32 @!p1 $0x0;
	[sflag:s21] =	ssyncadd.s32 @p2 $0xFFFFF800  }
0x4f: {  	[tilespmem:s18], [sflag:$0x4] =	stream.linear.gather @!p1 [hbm4b:s17+s19], $0x80, $0x38;
	[tilespmem:$0x3110] =	vst v63  }
0x50: {  	s22 =	simm.s32 @!p0 $0x2;
	p2 =	por $0x0, $0x0;
	s18 =	simm.s32 $0x4  }
0x51: {  	s19 =	simm.s32 $0x8;
	s17 =	sadd.s32 $0x800, s12;
	_ =	swait.ge @!p0 [sflag:s22], $0x80  }
.LBB2_6:
0x52: {  	s23 =	simm.s32 @!p2 $0x5;
	[sflag:s22] =	ssyncset.done @!p0 $0x0  }
0x53: {  	s21 =	smov.u32 s18;
	[sflag:s22] =	ssyncadd.s32 @!p0 $0xFFFFFF80;
	s22 =	simm.s32 @!p0 $0x200  }
0x54: {  	[spmem:s1] =	stream.indirect.scatter.add.f32 @!p0 [tilespmem:s22], [sflag:$0x6], $0x10, s20, s20, $0xb8;
	[tilespmem:$0x3110] =	vst v63  }
0x55: {  	p3 =	sge.u32 s21, s5;
	_ =	swait.ge @!p2 [sflag:s23], $0x800  }
0x56: {  	s22 =	simm.s32 @!p3 $0x0;
	[sflag:s23] =	ssyncset.done @!p2 $0x0;
	s29 =	rddreg [dreg:$0x4]  }
0x57: {  	p0 =	sne.s32 s21, $0x0;
	[sflag:s23] =	ssyncadd.s32 @!p2 $0xFFFFF800;
	p4 =	slt.u32 s21, s29  }
0x58: {  	[tilespmem:s22], [sflag:$0x1] =	stream.linear.gather @!p3 [hbm4b:s17+s22], $0x80, $0x38;
	[tilespmem:$0x3110] =	vst v63  }
0x59: {  	p5 =	sle.u32 s21, s5;
	p6 =	por !p0, !p4  }
0x5a: {  	p4 =	por !p0, !p5;
	p5 =	por !p6, !p6  }
0x5b: {  	s20 =	simm.s32 @p5 $0x3  }
0x5c: {  	s24 =	simm.s32 @!p2 $0x6;
	_ =	swait.ge @p5 [sflag:s20], $0x80  }
0x5d: {  	s30 =	sadd.s32 $0x1, s21;
	s23 =	simm.s32 @p5 $0x200;
	[sflag:s20] =	ssyncset.done @p5 $0x0  }
0x5e: {  	s25 =	simm.s32 @p5 $0x80;
	s26 =	simm.s32 @p5 $0x100;
	[sflag:s20] =	ssyncadd.s32 @p5 $0xFFFFFF80  }
0x5f: {  	[spmem:s1] =	stream.indirect.scatter.add.f32 @p5 [tilespmem:s23], [sflag:$0x7], $0x10, s26, s25, $0xb8;
	[tilespmem:$0x3110] =	vst v63  }
0x60: {  	p0 =	sge.u32 s30, s5;
	p4 =	por !p4, !p4;
	_ =	swait.ge @!p2 [sflag:s24], $0x800  }
0x61: {  	s20 =	simm.s32 @!p0 $0x80;
	s23 =	sadd.s32 @!p0 $0x200, s17;
	[sflag:s24] =	ssyncset.done @!p2 $0x0  }
0x62: {  	s25 =	simm.s32 @!p0 $0x0;
	[sflag:s24] =	ssyncadd.s32 @!p2 $0xFFFFF800;
	s24 =	simm.s32 @p4 $0x4  }
0x63: {  	[tilespmem:s20], [sflag:$0x2] =	stream.linear.gather @!p0 [hbm4b:s23+s25], $0x80, $0x38;
	[tilespmem:$0x3110] =	vst v63  }
0x64: {  	s18 =	smov.u32 s19;
	s31 =	sadd.s32 $0x2, s21;
	_ =	swait.ge @p4 [sflag:s24], $0x80  }
0x65: {  	s28 =	simm.s32 @p5 $0x7;
	s26 =	simm.s32 @p4 $0x180;
	[sflag:s24] =	ssyncset.done @p4 $0x0  }
0x66: {  	s23 =	simm.s32 @p4 $0x80;
	s25 =	simm.s32 @p4 $0x200;
	[sflag:s24] =	ssyncadd.s32 @p4 $0xFFFFFF80  }
0x67: {  	[spmem:s1] =	stream.indirect.scatter.add.f32 @p4 [tilespmem:s25], [sflag:$0x8], $0x10, s26, s23, $0xb8;
	[tilespmem:$0x3110] =	vst v63  }
0x68: {  	s19 =	sadd.s32 $0x4, s19;
	p2 =	sge.u32 s31, s5;
	_ =	swait.ge @p5 [sflag:s28], $0x800  }
0x69: {  	s24 =	simm.s32 @!p2 $0x100;
	s23 =	sadd.s32 @!p2 $0x400, s17;
	[sflag:s28] =	ssyncset.done @p5 $0x0  }
0x6a: {  	s25 =	simm.s32 @!p2 $0x0;
	s26 =	simm.s32 @!p3 $0x1;
	[sflag:s28] =	ssyncadd.s32 @p5 $0xFFFFF800  }
0x6b: {  	[tilespmem:s24], [sflag:$0x3] =	stream.linear.gather @!p2 [hbm4b:s23+s25], $0x80, $0x38;
	[tilespmem:$0x3110] =	vst v63  }
0x6c: {  	p1 =	sne.s32 s19, $0x54;
	_ =	swait.ge @!p3 [sflag:s26], $0x80  }
0x6d: {  	s21 =	sadd.s32 $0x3, s21;
	s23 =	simm.s32 @!p3 $0x80;
	[sflag:s26] =	ssyncset.done @!p3 $0x0  }
0x6e: {  	s24 =	simm.s32 @!p3 $0x200;
	s25 =	simm.s32 @p4 $0x8;
	[sflag:s26] =	ssyncadd.s32 @!p3 $0xFFFFFF80  }
0x6f: {  	[spmem:s1] =	stream.indirect.scatter.add.f32 @!p3 [tilespmem:s24], [sflag:$0x5], $0x10, s22, s23, $0xb8;
	[tilespmem:$0x3110] =	vst v63  }
.Ltmp2:
0x70: {  	p2 =	sge.u32 s21, s5;
	_ =	swait.ge @p4 [sflag:s25], $0x800;
	(pc) =	sbr.rel @p1 .LBB2_6-.Ltmp2, $4  }
0x71: {  	s21 =	sadd.s32 @!p2 $0x600, s17;
	s23 =	simm.s32 @!p2 $0x180;
	[sflag:s25] =	ssyncset.done @p4 $0x0  }
0x72: {  	s24 =	simm.s32 @!p2 $0x0;
	s22 =	simm.s32 @!p0 $0x2;
	[sflag:s25] =	ssyncadd.s32 @p4 $0xFFFFF800  }
0x73: {  	[tilespmem:s23], [sflag:$0x4] =	stream.linear.gather @!p2 [hbm4b:s21+s24], $0x80, $0x38;
	[tilespmem:$0x3110] =	vst v63  }
0x74: {  	s17 =	sadd.s32 $0x800, s17;
	p2 =	seq.s32 s18, $0x0;
	_ =	swait.ge @!p0 [sflag:s22], $0x80  }
0x75: {  	[sflag:s22] =	ssyncset.done @!p0 $0x0  }
0x76: {  	s19 =	simm.s32 @!p2 $0x5;
	s21 =	simm.s32 @!p0 $0x200;
	[sflag:s22] =	ssyncadd.s32 @!p0 $0xFFFFFF80  }
0x77: {  	[spmem:s1] =	stream.indirect.scatter.add.f32 @!p0 [tilespmem:s21], [sflag:$0x6], $0x10, s20, s20, $0xb8;
	[tilespmem:$0x3110] =	vst v63  }
0x78: {  	p1 =	sne.s32 s18, $0x0;
	_ =	swait.ge @!p2 [sflag:s19], $0x800  }
0x79: {  	p0 =	sge.u32 s18, s5;
	[sflag:s19] =	ssyncset.done @!p2 $0x0;
	s25 =	rddreg [dreg:$0x4]  }
0x7a: {  	s21 =	simm.s32 @!p0 $0x0;
	[sflag:s19] =	ssyncadd.s32 @!p2 $0xFFFFF800;
	p3 =	slt.u32 s18, s25  }
0x7b: {  	[tilespmem:s21], [sflag:$0x1] =	stream.linear.gather @!p0 [hbm4b:s17+s21], $0x80, $0x38;
	[tilespmem:$0x3110] =	vst v63  }
0x7c: {  	p3 =	por !p1, !p3  }
0x7d: {  	p4 =	por !p3, !p3  }
0x7e: {  	p6 =	sle.u32 s18, s5;
	s19 =	simm.s32 @p4 $0x3  }
0x7f: {  	s26 =	sadd.s32 $0x1, s18;
	s22 =	simm.s32 @!p2 $0x6;
	_ =	swait.ge @p4 [sflag:s19], $0x80  }
0x80: {  	p3 =	por !p1, !p6;
	s20 =	simm.s32 @p4 $0x200;
	[sflag:s19] =	ssyncset.done @p4 $0x0  }
0x81: {  	s23 =	simm.s32 @p4 $0x80;
	s24 =	simm.s32 @p4 $0x100;
	[sflag:s19] =	ssyncadd.s32 @p4 $0xFFFFFF80  }
0x82: {  	[spmem:s1] =	stream.indirect.scatter.add.f32 @p4 [tilespmem:s20], [sflag:$0x7], $0x10, s24, s23, $0xb8;
	[tilespmem:$0x3110] =	vst v63  }
0x83: {  	p1 =	sge.u32 s26, s5;
	p3 =	por !p3, !p3;
	_ =	swait.ge @!p2 [sflag:s22], $0x800  }
0x84: {  	s19 =	sadd.s32 @!p1 $0x200, s17;
	s20 =	simm.s32 @!p1 $0x0;
	[sflag:s22] =	ssyncset.done @!p2 $0x0  }
0x85: {  	s23 =	simm.s32 @p3 $0x4;
	[sflag:s22] =	ssyncadd.s32 @!p2 $0xFFFFF800;
	s22 =	simm.s32 @!p1 $0x80  }
0x86: {  	[tilespmem:s22], [sflag:$0x2] =	stream.linear.gather @!p1 [hbm4b:s19+s20], $0x80, $0x38;
	[tilespmem:$0x3110] =	vst v63  }
0x87: {  	s28 =	sadd.s32 $0x2, s18;
	_ =	swait.ge @p3 [sflag:s23], $0x80  }
0x88: {  	s25 =	simm.s32 @p4 $0x7;
	s24 =	simm.s32 @p3 $0x180;
	[sflag:s23] =	ssyncset.done @p3 $0x0  }
0x89: {  	s19 =	simm.s32 @p3 $0x80;
	s20 =	simm.s32 @p3 $0x200;
	[sflag:s23] =	ssyncadd.s32 @p3 $0xFFFFFF80  }
0x8a: {  	[spmem:s1] =	stream.indirect.scatter.add.f32 @p3 [tilespmem:s20], [sflag:$0x8], $0x10, s24, s19, $0xb8;
	[tilespmem:$0x3110] =	vst v63  }
0x8b: {  	p2 =	sge.u32 s28, s5;
	_ =	swait.ge @p4 [sflag:s25], $0x800  }
0x8c: {  	s23 =	simm.s32 @!p2 $0x0;
	s19 =	sadd.s32 @!p2 $0x400, s17;
	[sflag:s25] =	ssyncset.done @p4 $0x0  }
0x8d: {  	s20 =	simm.s32 @!p2 $0x100;
	s24 =	simm.s32 @!p0 $0x1;
	[sflag:s25] =	ssyncadd.s32 @p4 $0xFFFFF800  }
0x8e: {  	[tilespmem:s20], [sflag:$0x3] =	stream.linear.gather @!p2 [hbm4b:s19+s23], $0x80, $0x38;
	[tilespmem:$0x3110] =	vst v63  }
0x8f: {  	_ =	swait.ge @!p0 [sflag:s24], $0x80  }
0x90: {  	s29 =	sadd.s32 $0x3, s18;
	s19 =	simm.s32 @!p0 $0x80;
	[sflag:s24] =	ssyncset.done @!p0 $0x0  }
0x91: {  	s20 =	simm.s32 @!p0 $0x200;
	s23 =	simm.s32 @p3 $0x8;
	[sflag:s24] =	ssyncadd.s32 @!p0 $0xFFFFFF80  }
0x92: {  	[spmem:s1] =	stream.indirect.scatter.add.f32 @!p0 [tilespmem:s20], [sflag:$0x5], $0x10, s21, s19, $0xb8;
	[tilespmem:$0x3110] =	vst v63  }
0x93: {  	p0 =	sge.u32 s29, s5;
	_ =	swait.ge @p3 [sflag:s23], $0x800  }
0x94: {  	s20 =	simm.s32 @!p1 $0x2;
	s17 =	sadd.s32 @!p0 $0x600, s17;
	[sflag:s23] =	ssyncset.done @p3 $0x0  }
0x95: {  	s18 =	simm.s32 @!p0 $0x180;
	s19 =	simm.s32 @!p0 $0x0;
	[sflag:s23] =	ssyncadd.s32 @p3 $0xFFFFF800  }
0x96: {  	[tilespmem:s18], [sflag:$0x4] =	stream.linear.gather @!p0 [hbm4b:s17+s19], $0x80, $0x38;
	[tilespmem:$0x3110] =	vst v63  }
0x97: {  	s30 =	sshll.u32 s3, $0x6;
	_ =	swait.ge @!p1 [sflag:s20], $0x80  }
0x98: {  	s31 =	sshrl.u32 s4, $0x3;
	s2 =	sadd.s32 $0x1, s2;
	[sflag:s20] =	ssyncset.done @!p1 $0x0  }
0x99: {  	s17 =	simm.s32 @!p1 $0x200;
	p0 =	sne.s32 s2, s11;
	[sflag:s20] =	ssyncadd.s32 @!p1 $0xFFFFFF80  }
0x9a: {  	[spmem:s1] =	stream.indirect.scatter.add.f32 @!p1 [tilespmem:s17], [sflag:$0x6], $0x10, s22, s22, $0xb8;
	[tilespmem:$0x3110] =	vst v63  }
.Ltmp3:
0x9b: {  	s17 =	sor.u32 $0x1C09, s30;
	[bflag:$0x0] =	sbarrier.arrive $0xFFFF;
	(pc) =	sbr.rel @p0 .LBB2_1-.Ltmp3, $4  }
0x9c: {  	[hbm:s10@s15], [sflag:s17] =	dma.strided [spmem:s31@s16], $0x271, s15, $0x1   }
0x9d: {  	_ =	swait.ge [sflag:s14], $0x271  }
0x9e: {  	[sflag:s14] =	ssyncset.done $0x0  }
0x9f: {  	[sflag:s14] =	ssyncadd.s32 $0xFFFFFD8F  }
0xa0: {  	_ =	sfence.sel $0x180000  }
0xa1: {  	[bflag:$0x0] =	sbarrier.arrive $0xFFFF  }
0xa2: {  	p0 =	sne.s32 s3, $0x0;
	_ =	strace $0x90000047  }
0xa3: {  	s0 =	sadd.s32 @!p0 $0x100000, s0;
	[bflag:$0x2] =	sbarrier.arrive $0xFFFF  }
0xa4: {  	[sflag:s0] =	ssyncadd.tile.s32 @!p0 $0x1;
	_ =	shalt  }
.Lfunc_end2:
_tile_overlayer_lowered:
.L_overlay_start_2:
0xa5: {  	(tag) =	ssettag $0x2  }
0xa6: {  	s0 =	rddreg [dreg:$0x0];
	s2 =	stileid.u32  }
0xa7: {  	s1 =	rddreg [dreg:$0x1];
	p0 =	sne.s32 s2, $0x0  }
0xa8: {  	s3 =	rddreg [dreg:$0x2];
	[bflag:$0x3] =	sbarrier.arrive $0xFFFF;
	s2 =	simm.s32 @!p0 $0x1C09  }
0xa9: {  	[timem:s3], [sflag:s2] =	dma.local @!p0 [hbm:s0], s1  }
0xaa: {  	s0 =	simm.s32 @!p0 $0x9  }
0xab: {  	_ =	swait.ge @!p0 [sflag:s0], s1  }
0xac: {  	s1 =	ssub.s32 @!p0 $0x0, s1;
	[sflag:s0] =	ssyncset.done @!p0 $0x0  }
0xad: {  	[sflag:s0] =	ssyncadd.s32 @!p0 s1  }
0xae: {  	[bflag:$0x3] =	sbarrier.arrive $0xFFFF  }
0xaf: {  	_ =	shalt  }

</sc_bundles>
